<compile_context>
chip_gen: v7x
topology: tpu7x:2x2x1
jax: 0.10.2.dev20260603
libtpu: 0.0.44.dev20260713+nightly
codegen_flags: <defaults>
</compile_context>

<pallas_src>
import functools
import math

import jax
import jax.numpy as jnp
from jax.experimental import pallas as pl
from jax.experimental.pallas import tpu as pltpu

_MOMENTUM = 0.99
_NEW_RATE = 0.01
_NEG_INF = float("-inf")


def _stats_kernel(keys_ref, mem_ref, m_ref, s_ref, m_sc, s_sc):
    i = pl.program_id(0)

    @pl.when(i == 0)
    def _init():
        m_sc[...] = jnp.full_like(m_sc, _NEG_INF)
        s_sc[...] = jnp.zeros_like(s_sc)

    sc = jnp.dot(keys_ref[...], mem_ref[...].T, preferred_element_type=jnp.float32)
    bm = jnp.max(sc, axis=1, keepdims=True)
    m_old = m_sc[...]
    m_new = jnp.maximum(m_old, bm)
    s_sc[...] = s_sc[...] * jnp.exp(m_old - m_new) + jnp.sum(
        jnp.exp(sc - m_new), axis=1, keepdims=True
    )
    m_sc[...] = m_new

    @pl.when(i == pl.num_programs(0) - 1)
    def _fin():
        m_ref[...] = m_sc[...]
        s_ref[...] = s_sc[...]


def _prio_topk_kernel(b, k, nchunk, keys_ref, mem_ref, m_ref, s_ref, imp_ref,
                      idx_ref, ps):
    i = pl.program_id(0)
    sc = jnp.dot(keys_ref[...], mem_ref[...].T, preferred_element_type=jnp.float32)
    e = jnp.exp(sc - m_ref[...]) / s_ref[...]
    cb = sc.shape[1]
    krows = sc.shape[0] // b
    usage = e.reshape(b, krows, cb).sum(axis=1)
    combined = jnp.mean(imp_ref[...], axis=1)
    prio = combined + 0.1 * usage
    nc_blk = cb // 128
    p3 = prio.reshape(b, nc_blk, 128)
    ps[:, pl.ds(i * nc_blk, nc_blk), :] = p3

    @pl.when(i == pl.num_programs(0) - 1)
    def _topk():
        pall = ps[...]
        bits = jax.lax.bitcast_convert_type(pall, jnp.int32)

        def bs_step(_, carry):
            lo, hi = carry
            mid = lo + jax.lax.shift_right_logical(hi - lo, 1)
            gt = (bits > mid[:, :, None]).astype(jnp.float32)
            cnt = jnp.sum(jnp.sum(gt, axis=2), axis=1, keepdims=True)
            pred = cnt >= k
            lo = jnp.where(pred, mid + 1, lo)
            hi = jnp.where(pred, hi, mid)
            return lo, hi

        lo0 = jnp.zeros((b, 1), jnp.int32)
        hi0 = jnp.full((b, 1), 0x7F800000, jnp.int32)
        _, t_bits = jax.lax.fori_loop(0, 31, bs_step, (lo0, hi0))
        tb = t_bits[:, :, None]
        mask_h = bits > tb
        mask_e = bits == tb

        io128a = jax.lax.broadcasted_iota(jnp.int32, (128, 128), 0)
        io128b = jax.lax.broadcasted_iota(jnp.int32, (128, 128), 1)
        m_incl = (io128a <= io128b).astype(jnp.float32)
        ioca = jax.lax.broadcasted_iota(jnp.int32, (nchunk, nchunk), 0)
        iocb = jax.lax.broadcasted_iota(jnp.int32, (nchunk, nchunk), 1)
        m_strict = (ioca < iocb).astype(jnp.float32)

        def slots(mask):
            f = mask.astype(jnp.float32)
            cs = jnp.dot(f.reshape(b * nchunk, 128), m_incl,
                         preferred_element_type=jnp.float32).reshape(b, nchunk, 128)
            ccnt = jnp.sum(f, axis=2)
            off = jnp.dot(ccnt, m_strict, preferred_element_type=jnp.float32)
            tot = jnp.sum(ccnt, axis=1, keepdims=True)
            return off[:, :, None] + cs - 1.0, tot

        slot_h, c1 = slots(mask_h)
        pos_e, _ = slots(mask_e)
        keep_e = mask_e & (pos_e < (k - c1)[:, :, None])
        sel = mask_h | keep_e
        slot = jnp.where(mask_h, slot_h, c1[:, :, None] + pos_e)
        slot = jnp.where(sel, slot, -1.0)

        io_r3 = jax.lax.broadcasted_iota(jnp.int32, (1, 1, 128), 2).astype(jnp.float32)
        io_c3 = jax.lax.broadcasted_iota(jnp.int32, (1, nchunk, 1), 1).astype(jnp.float32)
        io_l3 = jax.lax.broadcasted_iota(jnp.int32, (1, 1, 128), 2).astype(jnp.float32)
        jfull = io_c3 * 128.0 + io_l3
        io_k = jax.lax.broadcasted_iota(jnp.int32, (b, 128), 1)

        def ext_step(r, carry):
            cv, ci = carry
            hit = slot == r
            contrib_v = jnp.sum(jnp.sum(jnp.where(hit, pall, 0.0), axis=2), axis=1)
            contrib_i = jnp.sum(jnp.sum(jnp.where(hit, jfull, 0.0), axis=2), axis=1)
            put = io_k == r
            cv = jnp.where(put, contrib_v[:, None], cv)
            ci = jnp.where(put, contrib_i[:, None], ci)
            return cv, ci

        cand_v, cand_i = jax.lax.fori_loop(
            0, k, ext_step,
            (jnp.zeros((b, 128), jnp.float32), jnp.zeros((b, 128), jnp.float32)))

        va = cand_v[:, :, None]
        vb = cand_v[:, None, :]
        io_rp = jax.lax.broadcasted_iota(jnp.int32, (1, 1, 128), 2)
        io_rr = jax.lax.broadcasted_iota(jnp.int32, (1, 128, 1), 1)
        gt = (vb > va).astype(jnp.float32)
        tie = ((vb == va) & (io_rp < io_rr)).astype(jnp.float32)
        rank = jnp.sum(gt + tie, axis=2)

        oh = (rank[:, :, None] == io_r3).astype(jnp.float32)
        out = jnp.sum(oh * cand_i[:, :, None], axis=1)
        idx_ref[...] = out.astype(jnp.int32)


def _make_sc_scatter(cap, d, npairs, scale):
    from jax.experimental.pallas import tpu_sc as plsc
    from jax import lax

    info = plsc.get_sparse_core_info()
    nc, ns, nl = info.num_cores, info.num_subcores, info.num_lanes
    nw = nc * ns
    rpt = cap // nw
    mesh = plsc.VectorSubcoreMesh(core_axis_name="c", subcore_axis_name="s")

    nflat = rpt * d
    unroll = 8

    @functools.partial(
        pl.kernel,
        mesh=mesh,
        out_type=jax.ShapeDtypeStruct((cap * d,), jnp.float32),
        scratch_types=[
            pltpu.VMEM((nflat,), jnp.float32),
            pltpu.VMEM((npairs,), jnp.int32),
            pltpu.VMEM((npairs * d,), jnp.float32),
        ],
    )
    def sc_scatter(mem_hbm, idx_hbm, vals_hbm, out_hbm, rows, idxv, valsv):
        wid = lax.axis_index("s") * nc + lax.axis_index("c")
        base = wid * nflat
        pltpu.sync_copy(idx_hbm, idxv)
        pltpu.sync_copy(vals_hbm, valsv)
        pltpu.sync_copy(mem_hbm.at[pl.ds(base, nflat)], rows)

        def scale_body(r, carry):
            for q in range(unroll):
                off = r * (nl * unroll) + q * nl
                rows[pl.ds(off, nl)] = rows[pl.ds(off, nl)] * _MOMENTUM
            return carry

        lax.fori_loop(0, nflat // (nl * unroll), scale_body, 0)

        row0 = wid * rpt

        def add_body(g, carry):
            jv = idxv[pl.ds(g * nl, nl)]
            for t in range(nl):
                j = jv[t]
                local = j - row0
                owned = jnp.logical_and(local >= 0, local < rpt)
                voff0 = (g * nl + t) * d

                @pl.when(owned)
                def _apply(local=local, voff0=voff0):
                    for q in range(d // nl):
                        off = local * d + q * nl
                        voff = voff0 + q * nl
                        rows[pl.ds(off, nl)] = (
                            rows[pl.ds(off, nl)] + valsv[pl.ds(voff, nl)] * scale
                        )

            return carry

        lax.fori_loop(0, npairs // nl, add_body, 0)
        pltpu.sync_copy(rows, out_hbm.at[pl.ds(base, nflat)])

    return sc_scatter


def _read_stats_kernel(inv_sqrt_d, q_ref, kv_ref, m_ref, s_ref, m_sc, s_sc):
    i = pl.program_id(0)

    @pl.when(i == 0)
    def _init():
        m_sc[...] = jnp.full_like(m_sc, _NEG_INF)
        s_sc[...] = jnp.zeros_like(s_sc)

    l = jnp.dot(q_ref[...], kv_ref[...].T, preferred_element_type=jnp.float32) * inv_sqrt_d
    bm = jnp.max(l, axis=1, keepdims=True)
    m_old = m_sc[...]
    m_new = jnp.maximum(m_old, bm)
    s_sc[...] = s_sc[...] * jnp.exp(m_old - m_new) + jnp.sum(
        jnp.exp(l - m_new), axis=1, keepdims=True
    )
    m_sc[...] = m_new

    @pl.when(i == pl.num_programs(0) - 1)
    def _fin():
        m_ref[...] = m_sc[...]
        s_ref[...] = s_sc[...]


def _read_out_kernel(inv_sqrt_d, q_ref, kv_ref, m_ref, s_ref, o_ref, acc):
    i = pl.program_id(0)

    @pl.when(i == 0)
    def _init():
        acc[...] = jnp.zeros_like(acc)

    l = jnp.dot(q_ref[...], kv_ref[...].T, preferred_element_type=jnp.float32) * inv_sqrt_d
    w = jnp.exp(l - m_ref[...]) / s_ref[...]
    acc[...] += jnp.dot(w, kv_ref[...], preferred_element_type=jnp.float32)

    @pl.when(i == pl.num_programs(0) - 1)
    def _fin():
        o_ref[...] = acc[...]


def kernel(keys, values, importance, query, mem):
    b, k_orig, d = keys.shape
    cap = mem.shape[1]
    q = query.shape[1]
    k = min(k_orig, cap)
    bk = b * k_orig
    bq = b * q

    mem2 = mem.reshape(cap, d)
    keys2 = keys.reshape(bk, d)
    imp2 = importance.reshape(b, -1, cap)
    nplane = imp2.shape[1]
    query2 = query.reshape(bq, d)
    values_w = values if k == k_orig else values[:, :k]

    cb = 2048
    grid = cap // cb

    m_rows, s_rows = pl.pallas_call(
        _stats_kernel,
        grid=(grid,),
        in_specs=[
            pl.BlockSpec((bk, d), lambda i: (0, 0)),
            pl.BlockSpec((cb, d), lambda i: (i, 0)),
        ],
        out_specs=[
            pl.BlockSpec((bk, 1), lambda i: (0, 0)),
            pl.BlockSpec((bk, 1), lambda i: (0, 0)),
        ],
        out_shape=[
            jax.ShapeDtypeStruct((bk, 1), jnp.float32),
            jax.ShapeDtypeStruct((bk, 1), jnp.float32),
        ],
        scratch_shapes=[
            pltpu.VMEM((bk, 1), jnp.float32),
            pltpu.VMEM((bk, 1), jnp.float32),
        ],
    )(keys2, mem2)

    nchunk = cap // 128
    indices = pl.pallas_call(
        functools.partial(_prio_topk_kernel, b, k, nchunk),
        grid=(grid,),
        in_specs=[
            pl.BlockSpec((bk, d), lambda i: (0, 0)),
            pl.BlockSpec((cb, d), lambda i: (i, 0)),
            pl.BlockSpec((bk, 1), lambda i: (0, 0)),
            pl.BlockSpec((bk, 1), lambda i: (0, 0)),
            pl.BlockSpec((b, nplane, cb), lambda i: (0, 0, i)),
        ],
        out_specs=pl.BlockSpec((b, 128), lambda i: (0, 0)),
        out_shape=jax.ShapeDtypeStruct((b, 128), jnp.int32),
        scratch_shapes=[
            pltpu.VMEM((b, nchunk, 128), jnp.float32),
        ],
    )(keys2, mem2, m_rows, s_rows, imp2)

    vals_flat = values_w.reshape(b * k, d)
    sc_scatter = _make_sc_scatter(cap, d, b * k, _NEW_RATE / b)
    new_mem = sc_scatter(
        mem2.reshape(cap * d), indices.reshape(b * k),
        vals_flat.reshape(b * k * d)).reshape(cap, d)

    fb = 1024
    rgrid = cap // fb
    isd = 1.0 / math.sqrt(d)
    m_q, s_q = pl.pallas_call(
        functools.partial(_read_stats_kernel, isd),
        grid=(rgrid,),
        in_specs=[
            pl.BlockSpec((bq, d), lambda i: (0, 0)),
            pl.BlockSpec((fb, d), lambda i: (i, 0)),
        ],
        out_specs=[
            pl.BlockSpec((bq, 1), lambda i: (0, 0)),
            pl.BlockSpec((bq, 1), lambda i: (0, 0)),
        ],
        out_shape=[
            jax.ShapeDtypeStruct((bq, 1), jnp.float32),
            jax.ShapeDtypeStruct((bq, 1), jnp.float32),
        ],
        scratch_shapes=[
            pltpu.VMEM((bq, 1), jnp.float32),
            pltpu.VMEM((bq, 1), jnp.float32),
        ],
    )(query2, new_mem)

    out = pl.pallas_call(
        functools.partial(_read_out_kernel, isd),
        grid=(rgrid,),
        in_specs=[
            pl.BlockSpec((bq, d), lambda i: (0, 0)),
            pl.BlockSpec((fb, d), lambda i: (i, 0)),
            pl.BlockSpec((bq, 1), lambda i: (0, 0)),
            pl.BlockSpec((bq, 1), lambda i: (0, 0)),
        ],
        out_specs=pl.BlockSpec((bq, d), lambda i: (0, 0)),
        out_shape=jax.ShapeDtypeStruct((bq, d), jnp.float32),
        scratch_shapes=[pltpu.VMEM((bq, d), jnp.float32)],
    )(query2, new_mem, m_q, s_q)

    return out.reshape(b, q, d)

# --- scband reference (transcript-rebuilt; emitter-appended) ---
"""Pipeline reference for scband-ltsmemory-34677565948785 (READ-ONLY COPY).

The authoritative reference and input builder live on the scoring server;
editing this copy changes nothing except your own understanding.
"""

import jax, jax.numpy as jnp
import numpy as np
import math


def setup_inputs(seed: int = 0) -> dict:
    key = jax.random.key(seed)
    k1, k2, k3, k4, k5 = jax.random.split(key, 5)
    B, K, Q, d, cap = 4, 128, 256, 64, 32768
    keys = jax.random.normal(k1, (B, K, d), dtype=jnp.float32)
    values = jax.random.normal(k2, (B, K, d), dtype=jnp.float32)
    importance = jax.random.uniform(k3, (B, 4, 4, cap), dtype=jnp.float32)
    query = jax.random.normal(k4, (B, Q, d), dtype=jnp.float32)
    # xavier_uniform on (1, cap, d): fan_in = cap*d, fan_out = 1*d
    a = math.sqrt(6.0 / (cap * d + d))
    mem = jax.random.uniform(k5, (1, cap, d), minval=-a, maxval=a, dtype=jnp.float32)
    return {"keys": keys, "values": values, "importance": importance, "query": query, "mem": mem}


def reference(keys, values, importance, query, mem):
    b, k_orig, d = keys.shape
    capacity = mem.shape[1]
    # ---- write ----
    scores = keys @ jnp.swapaxes(mem, -2, -1)            # [b, k, capacity]
    usage = jax.nn.softmax(scores, axis=-1).sum(axis=1)  # [b, capacity]
    combined = importance.mean(axis=(1, 2))              # [b, capacity]
    write_priority = combined + 0.1 * usage
    k = min(k_orig, capacity)
    _, indices = jax.lax.top_k(write_priority, k)        # [b, k]
    values_write = values[:, :k] if k < k_orig else values
    scatter = jnp.zeros((b, capacity, d), dtype=keys.dtype)
    batch_idx = jnp.arange(b)[:, None]
    scatter = scatter.at[batch_idx, indices].set(values_write)
    MEM_UPDATE_MOMENTUM = 0.99
    MEM_NEW_DATA_RATE = 0.01
    new_mem = jax.lax.stop_gradient(
        mem * MEM_UPDATE_MOMENTUM + scatter.mean(axis=0, keepdims=True) * MEM_NEW_DATA_RATE
    )
    # ---- read ----
    attn = query @ jnp.swapaxes(new_mem, -2, -1)
    attn = attn / math.sqrt(d)
    attn = jax.nn.softmax(attn, axis=-1)
    out = attn @ new_mem
    return out

if __name__ == "__main__":
    import jax
    _d = setup_inputs()
    print(jax.jit(kernel)(*tuple(_d.values())))

</pallas_src>

<mosaic_0001>
#map = affine_map<(d0, d1) -> (0)>
module attributes {stable_mosaic.version = 14 : i64} {
  func.func @sc_scatter(%arg0: i32, %arg1: i32, %arg2: memref<2097152xf32, #tpu.memory_space<hbm>>, %arg3: memref<512xi32, #tpu.memory_space<hbm>>, %arg4: memref<32768xf32, #tpu.memory_space<hbm>>, %arg5: memref<2097152xf32, #tpu.memory_space<hbm>>, %arg6: memref<65536xf32, #tpu.memory_space<vmem>>, %arg7: memref<512xi32, #tpu.memory_space<vmem>>, %arg8: memref<32768xf32, #tpu.memory_space<vmem>>) attributes {dimension_semantics = [#tpu.dimension_semantics<core_parallel>, #tpu.dimension_semantics<subcore_parallel>], iteration_bounds = array<i64: 2, 16>, scalar_prefetch = 0 : i64, scratch_operands = 3 : i64, tpu.core_type = #tpu.core_type<sc_vector_subcore>, window_params = [{transform_indices = #map}, {transform_indices = #map}, {transform_indices = #map}, {transform_indices = #map}]} {
    %mul3A = arith.constant 2 : i32
    %mul3A_0 = arith.muli %arg1, %mul3A : i32
    %add3A = arith.addi %mul3A_0, %arg0 : i32
    %mul3A_1 = arith.constant 65536 : i32
    %mul3A_2 = arith.muli %add3A, %mul3A_1 : i32
    "tpu.region"() ({
      %run_scoped3A = tpu.sem_alloc : memref<!tpu.dma_semaphore, #tpu.memory_space<semaphore_mem>>
      tpu.enqueue_dma source(%arg3 : memref<512xi32, #tpu.memory_space<hbm>>) target(%arg7 : memref<512xi32, #tpu.memory_space<vmem>>) target_semaphore(%run_scoped3A : memref<!tpu.dma_semaphore, #tpu.memory_space<semaphore_mem>>)
      tpu.wait_dma2 semaphore(%run_scoped3A : memref<!tpu.dma_semaphore, #tpu.memory_space<semaphore_mem>>) src(%arg3 : memref<512xi32, #tpu.memory_space<hbm>>) dst(%arg7 : memref<512xi32, #tpu.memory_space<vmem>>)
      tpu.yield
    }) : () -> ()
    "tpu.region"() ({
      %run_scoped3A = tpu.sem_alloc : memref<!tpu.dma_semaphore, #tpu.memory_space<semaphore_mem>>
      tpu.enqueue_dma source(%arg4 : memref<32768xf32, #tpu.memory_space<hbm>>) target(%arg8 : memref<32768xf32, #tpu.memory_space<vmem>>) target_semaphore(%run_scoped3A : memref<!tpu.dma_semaphore, #tpu.memory_space<semaphore_mem>>)
      tpu.wait_dma2 semaphore(%run_scoped3A : memref<!tpu.dma_semaphore, #tpu.memory_space<semaphore_mem>>) src(%arg4 : memref<32768xf32, #tpu.memory_space<hbm>>) dst(%arg8 : memref<32768xf32, #tpu.memory_space<vmem>>)
      tpu.yield
    }) : () -> ()
    "tpu.region"() ({
      %run_scoped3A = tpu.sem_alloc : memref<!tpu.dma_semaphore, #tpu.memory_space<semaphore_mem>>
      %dma_start3A = tpu.memref_slice %arg2[%mul3A_2] : memref<2097152xf32, #tpu.memory_space<hbm>> -> memref<65536xf32, #tpu.memory_space<hbm>>
      %dma_start3A_16 = tpu.memref_slice %arg2[%mul3A_2] : memref<2097152xf32, #tpu.memory_space<hbm>> -> memref<65536xf32, #tpu.memory_space<hbm>>
      tpu.enqueue_dma source(%dma_start3A_16 : memref<65536xf32, #tpu.memory_space<hbm>>) target(%arg6 : memref<65536xf32, #tpu.memory_space<vmem>>) target_semaphore(%run_scoped3A : memref<!tpu.dma_semaphore, #tpu.memory_space<semaphore_mem>>)
      %dma_wait3A = tpu.memref_slice %arg2[%mul3A_2] : memref<2097152xf32, #tpu.memory_space<hbm>> -> memref<65536xf32, #tpu.memory_space<hbm>>
      %dma_wait3A_17 = tpu.memref_slice %arg2[%mul3A_2] : memref<2097152xf32, #tpu.memory_space<hbm>> -> memref<65536xf32, #tpu.memory_space<hbm>>
      tpu.wait_dma2 semaphore(%run_scoped3A : memref<!tpu.dma_semaphore, #tpu.memory_space<semaphore_mem>>) src(%dma_wait3A_17 : memref<65536xf32, #tpu.memory_space<hbm>>) dst(%arg6 : memref<65536xf32, #tpu.memory_space<vmem>>)
      tpu.yield
    }) : () -> ()
    %scan3A = arith.constant 0 : i32
    %scan3A_3 = arith.constant 0 : i32
    %scan3A_4 = arith.constant 512 : i32
    %scan3A_5 = arith.addi %scan3A_3, %scan3A_4 : i32
    %scan3A_6 = arith.constant 1 : i32
    scf.for %scan3A_16 = %scan3A_3 to %scan3A_5 step %scan3A_6  : i32 {
      %mul3A_17 = arith.constant 128 : i32
      %mul3A_18 = arith.muli %scan3A_16, %mul3A_17 : i32
      %add3A_19 = arith.constant 0 : i32
      %add3A_20 = arith.addi %mul3A_18, %add3A_19 : i32
      %get3A = arith.index_cast %add3A_20 : i32 to index
      %get3A_21 = tpu.vector_load %arg6[%get3A] {strides = array<i32>} : memref<65536xf32, #tpu.memory_space<vmem>>, vector<16xf32>,
      %get3A_22 = vector.shape_cast %get3A_21 : vector<16xf32> to vector<16xf32>
      %mul3A_23 = arith.constant 9.900000e-01 : f32
      %mul3A_24 = vector.broadcast %mul3A_23 : f32 to vector<16xf32>
      %mul3A_25 = arith.mulf %get3A_22, %mul3A_24 : vector<16xf32>
      %swap3A = arith.index_cast %add3A_20 : i32 to index
      %swap3A_26 = tpu.vector_load %arg6[%swap3A] {strides = array<i32>} : memref<65536xf32, #tpu.memory_space<vmem>>, vector<16xf32>,
      %swap3A_27 = vector.shape_cast %swap3A_26 : vector<16xf32> to vector<16xf32>
      %swap3A_28 = vector.shape_cast %mul3A_25 : vector<16xf32> to vector<16xf32>
      tpu.vector_store %arg6[%swap3A], %swap3A_28 {strides = array<i32>} : memref<65536xf32, #tpu.memory_space<vmem>>, vector<16xf32>,
      %mul3A_29 = arith.constant 128 : i32
      %mul3A_30 = arith.muli %scan3A_16, %mul3A_29 : i32
      %add3A_31 = arith.constant 16 : i32
      %add3A_32 = arith.addi %mul3A_30, %add3A_31 : i32
      %get3A_33 = arith.index_cast %add3A_32 : i32 to index
      %get3A_34 = tpu.vector_load %arg6[%get3A_33] {strides = array<i32>} : memref<65536xf32, #tpu.memory_space<vmem>>, vector<16xf32>,
      %get3A_35 = vector.shape_cast %get3A_34 : vector<16xf32> to vector<16xf32>
      %mul3A_36 = arith.constant 9.900000e-01 : f32
      %mul3A_37 = vector.broadcast %mul3A_36 : f32 to vector<16xf32>
      %mul3A_38 = arith.mulf %get3A_35, %mul3A_37 : vector<16xf32>
      %swap3A_39 = arith.index_cast %add3A_32 : i32 to index
      %swap3A_40 = tpu.vector_load %arg6[%swap3A_39] {strides = array<i32>} : memref<65536xf32, #tpu.memory_space<vmem>>, vector<16xf32>,
      %swap3A_41 = vector.shape_cast %swap3A_40 : vector<16xf32> to vector<16xf32>
      %swap3A_42 = vector.shape_cast %mul3A_38 : vector<16xf32> to vector<16xf32>
      tpu.vector_store %arg6[%swap3A_39], %swap3A_42 {strides = array<i32>} : memref<65536xf32, #tpu.memory_space<vmem>>, vector<16xf32>,
      %mul3A_43 = arith.constant 128 : i32
      %mul3A_44 = arith.muli %scan3A_16, %mul3A_43 : i32
      %add3A_45 = arith.constant 32 : i32
      %add3A_46 = arith.addi %mul3A_44, %add3A_45 : i32
      %get3A_47 = arith.index_cast %add3A_46 : i32 to index
      %get3A_48 = tpu.vector_load %arg6[%get3A_47] {strides = array<i32>} : memref<65536xf32, #tpu.memory_space<vmem>>, vector<16xf32>,
      %get3A_49 = vector.shape_cast %get3A_48 : vector<16xf32> to vector<16xf32>
      %mul3A_50 = arith.constant 9.900000e-01 : f32
      %mul3A_51 = vector.broadcast %mul3A_50 : f32 to vector<16xf32>
      %mul3A_52 = arith.mulf %get3A_49, %mul3A_51 : vector<16xf32>
      %swap3A_53 = arith.index_cast %add3A_46 : i32 to index
      %swap3A_54 = tpu.vector_load %arg6[%swap3A_53] {strides = array<i32>} : memref<65536xf32, #tpu.memory_space<vmem>>, vector<16xf32>,
      %swap3A_55 = vector.shape_cast %swap3A_54 : vector<16xf32> to vector<16xf32>
      %swap3A_56 = vector.shape_cast %mul3A_52 : vector<16xf32> to vector<16xf32>
      tpu.vector_store %arg6[%swap3A_53], %swap3A_56 {strides = array<i32>} : memref<65536xf32, #tpu.memory_space<vmem>>, vector<16xf32>,
      %mul3A_57 = arith.constant 128 : i32
      %mul3A_58 = arith.muli %scan3A_16, %mul3A_57 : i32
      %add3A_59 = arith.constant 48 : i32
      %add3A_60 = arith.addi %mul3A_58, %add3A_59 : i32
      %get3A_61 = arith.index_cast %add3A_60 : i32 to index
      %get3A_62 = tpu.vector_load %arg6[%get3A_61] {strides = array<i32>} : memref<65536xf32, #tpu.memory_space<vmem>>, vector<16xf32>,
      %get3A_63 = vector.shape_cast %get3A_62 : vector<16xf32> to vector<16xf32>
      %mul3A_64 = arith.constant 9.900000e-01 : f32
      %mul3A_65 = vector.broadcast %mul3A_64 : f32 to vector<16xf32>
      %mul3A_66 = arith.mulf %get3A_63, %mul3A_65 : vector<16xf32>
      %swap3A_67 = arith.index_cast %add3A_60 : i32 to index
      %swap3A_68 = tpu.vector_load %arg6[%swap3A_67] {strides = array<i32>} : memref<65536xf32, #tpu.memory_space<vmem>>, vector<16xf32>,
      %swap3A_69 = vector.shape_cast %swap3A_68 : vector<16xf32> to vector<16xf32>
      %swap3A_70 = vector.shape_cast %mul3A_66 : vector<16xf32> to vector<16xf32>
      tpu.vector_store %arg6[%swap3A_67], %swap3A_70 {strides = array<i32>} : memref<65536xf32, #tpu.memory_space<vmem>>, vector<16xf32>,
      %mul3A_71 = arith.constant 128 : i32
      %mul3A_72 = arith.muli %scan3A_16, %mul3A_71 : i32
      %add3A_73 = arith.constant 64 : i32
      %add3A_74 = arith.addi %mul3A_72, %add3A_73 : i32
      %get3A_75 = arith.index_cast %add3A_74 : i32 to index
      %get3A_76 = tpu.vector_load %arg6[%get3A_75] {strides = array<i32>} : memref<65536xf32, #tpu.memory_space<vmem>>, vector<16xf32>,
      %get3A_77 = vector.shape_cast %get3A_76 : vector<16xf32> to vector<16xf32>
      %mul3A_78 = arith.constant 9.900000e-01 : f32
      %mul3A_79 = vector.broadcast %mul3A_78 : f32 to vector<16xf32>
      %mul3A_80 = arith.mulf %get3A_77, %mul3A_79 : vector<16xf32>
      %swap3A_81 = arith.index_cast %add3A_74 : i32 to index
      %swap3A_82 = tpu.vector_load %arg6[%swap3A_81] {strides = array<i32>} : memref<65536xf32, #tpu.memory_space<vmem>>, vector<16xf32>,
      %swap3A_83 = vector.shape_cast %swap3A_82 : vector<16xf32> to vector<16xf32>
      %swap3A_84 = vector.shape_cast %mul3A_80 : vector<16xf32> to vector<16xf32>
      tpu.vector_store %arg6[%swap3A_81], %swap3A_84 {strides = array<i32>} : memref<65536xf32, #tpu.memory_space<vmem>>, vector<16xf32>,
      %mul3A_85 = arith.constant 128 : i32
      %mul3A_86 = arith.muli %scan3A_16, %mul3A_85 : i32
      %add3A_87 = arith.constant 80 : i32
      %add3A_88 = arith.addi %mul3A_86, %add3A_87 : i32
      %get3A_89 = arith.index_cast %add3A_88 : i32 to index
      %get3A_90 = tpu.vector_load %arg6[%get3A_89] {strides = array<i32>} : memref<65536xf32, #tpu.memory_space<vmem>>, vector<16xf32>,
      %get3A_91 = vector.shape_cast %get3A_90 : vector<16xf32> to vector<16xf32>
      %mul3A_92 = arith.constant 9.900000e-01 : f32
      %mul3A_93 = vector.broadcast %mul3A_92 : f32 to vector<16xf32>
      %mul3A_94 = arith.mulf %get3A_91, %mul3A_93 : vector<16xf32>
      %swap3A_95 = arith.index_cast %add3A_88 : i32 to index
      %swap3A_96 = tpu.vector_load %arg6[%swap3A_95] {strides = array<i32>} : memref<65536xf32, #tpu.memory_space<vmem>>, vector<16xf32>,
      %swap3A_97 = vector.shape_cast %swap3A_96 : vector<16xf32> to vector<16xf32>
      %swap3A_98 = vector.shape_cast %mul3A_94 : vector<16xf32> to vector<16xf32>
      tpu.vector_store %arg6[%swap3A_95], %swap3A_98 {strides = array<i32>} : memref<65536xf32, #tpu.memory_space<vmem>>, vector<16xf32>,
      %mul3A_99 = arith.constant 128 : i32
      %mul3A_100 = arith.muli %scan3A_16, %mul3A_99 : i32
      %add3A_101 = arith.constant 96 : i32
      %add3A_102 = arith.addi %mul3A_100, %add3A_101 : i32
      %get3A_103 = arith.index_cast %add3A_102 : i32 to index
      %get3A_104 = tpu.vector_load %arg6[%get3A_103] {strides = array<i32>} : memref<65536xf32, #tpu.memory_space<vmem>>, vector<16xf32>,
      %get3A_105 = vector.shape_cast %get3A_104 : vector<16xf32> to vector<16xf32>
      %mul3A_106 = arith.constant 9.900000e-01 : f32
      %mul3A_107 = vector.broadcast %mul3A_106 : f32 to vector<16xf32>
      %mul3A_108 = arith.mulf %get3A_105, %mul3A_107 : vector<16xf32>
      %swap3A_109 = arith.index_cast %add3A_102 : i32 to index
      %swap3A_110 = tpu.vector_load %arg6[%swap3A_109] {strides = array<i32>} : memref<65536xf32, #tpu.memory_space<vmem>>, vector<16xf32>,
      %swap3A_111 = vector.shape_cast %swap3A_110 : vector<16xf32> to vector<16xf32>
      %swap3A_112 = vector.shape_cast %mul3A_108 : vector<16xf32> to vector<16xf32>
      tpu.vector_store %arg6[%swap3A_109], %swap3A_112 {strides = array<i32>} : memref<65536xf32, #tpu.memory_space<vmem>>, vector<16xf32>,
      %mul3A_113 = arith.constant 128 : i32
      %mul3A_114 = arith.muli %scan3A_16, %mul3A_113 : i32
      %add3A_115 = arith.constant 112 : i32
      %add3A_116 = arith.addi %mul3A_114, %add3A_115 : i32
      %get3A_117 = arith.index_cast %add3A_116 : i32 to index
      %get3A_118 = tpu.vector_load %arg6[%get3A_117] {strides = array<i32>} : memref<65536xf32, #tpu.memory_space<vmem>>, vector<16xf32>,
      %get3A_119 = vector.shape_cast %get3A_118 : vector<16xf32> to vector<16xf32>
      %mul3A_120 = arith.constant 9.900000e-01 : f32
      %mul3A_121 = vector.broadcast %mul3A_120 : f32 to vector<16xf32>
      %mul3A_122 = arith.mulf %get3A_119, %mul3A_121 : vector<16xf32>
      %swap3A_123 = arith.index_cast %add3A_116 : i32 to index
      %swap3A_124 = tpu.vector_load %arg6[%swap3A_123] {strides = array<i32>} : memref<65536xf32, #tpu.memory_space<vmem>>, vector<16xf32>,
      %swap3A_125 = vector.shape_cast %swap3A_124 : vector<16xf32> to vector<16xf32>
      %swap3A_126 = vector.shape_cast %mul3A_122 : vector<16xf32> to vector<16xf32>
      tpu.vector_store %arg6[%swap3A_123], %swap3A_126 {strides = array<i32>} : memref<65536xf32, #tpu.memory_space<vmem>>, vector<16xf32>,
    }
    %scan3A_7 = arith.constant 512 : i32
    %mul3A_8 = arith.constant 1024 : i32
    %mul3A_9 = arith.muli %add3A, %mul3A_8 : i32
    %scan3A_10 = arith.constant 0 : i32
    %scan3A_11 = arith.constant 0 : i32
    %scan3A_12 = arith.constant 32 : i32
    %scan3A_13 = arith.addi %scan3A_11, %scan3A_12 : i32
    %scan3A_14 = arith.constant 1 : i32
    scf.for %scan3A_16 = %scan3A_11 to %scan3A_13 step %scan3A_14  : i32 {
      %mul3A_17 = arith.constant 16 : i32
      %mul3A_18 = arith.muli %scan3A_16, %mul3A_17 : i32
      %get3A = arith.index_cast %mul3A_18 : i32 to index
      %get3A_19 = tpu.vector_load %arg7[%get3A] {strides = array<i32>} : memref<512xi32, #tpu.memory_space<vmem>>, vector<16xi32>,
      %get3A_20 = vector.shape_cast %get3A_19 : vector<16xi32> to vector<16xi32>
      %slice3A = vector.extract_strided_slice %get3A_20 {offsets = [0], sizes = [1], strides = [1]} : vector<16xi32> to vector<1xi32>
      %squeeze3A = vector.extract %slice3A[0] : i32 from vector<1xi32>
      %sub3A = arith.subi %squeeze3A, %mul3A_9 : i32
      %ge3A = arith.constant 0 : i32
      %ge3A_21 = arith.cmpi sge, %sub3A, %ge3A : i32
      %lt3A = arith.constant 1024 : i32
      %lt3A_22 = arith.cmpi slt, %sub3A, %lt3A : i32
      %and3A = arith.andi %ge3A_21, %lt3A_22 : i1
      %mul3A_23 = arith.constant 16 : i32
      %mul3A_24 = arith.muli %scan3A_16, %mul3A_23 : i32
      %add3A_25 = arith.constant 0 : i32
      %add3A_26 = arith.addi %mul3A_24, %add3A_25 : i32
      %mul3A_27 = arith.constant 64 : i32
      %mul3A_28 = arith.muli %add3A_26, %mul3A_27 : i32
      %convert_element_type3A = arith.extui %and3A : i1 to i32
      %cond3A = arith.constant 0 : i32
      %cond3A_29 = arith.cmpi ne, %convert_element_type3A, %cond3A : i32
      scf.if %cond3A_29 {
        %mul3A_285 = arith.constant 64 : i32
        %mul3A_286 = arith.muli %sub3A, %mul3A_285 : i32
        %add3A_287 = arith.constant 0 : i32
        %add3A_288 = arith.addi %mul3A_286, %add3A_287 : i32
        %add3A_289 = arith.constant 0 : i32
        %add3A_290 = arith.addi %mul3A_28, %add3A_289 : i32
        %get3A_291 = arith.index_cast %add3A_288 : i32 to index
        %get3A_292 = tpu.vector_load %arg6[%get3A_291] {strides = array<i32>} : memref<65536xf32, #tpu.memory_space<vmem>>, vector<16xf32>,
        %get3A_293 = vector.shape_cast %get3A_292 : vector<16xf32> to vector<16xf32>
        %get3A_294 = arith.index_cast %add3A_290 : i32 to index
        %get3A_295 = tpu.vector_load %arg8[%get3A_294] {strides = array<i32>} : memref<32768xf32, #tpu.memory_space<vmem>>, vector<16xf32>,
        %get3A_296 = vector.shape_cast %get3A_295 : vector<16xf32> to vector<16xf32>
        %mul3A_297 = arith.constant 2.500000e-03 : f32
        %mul3A_298 = vector.broadcast %mul3A_297 : f32 to vector<16xf32>
        %mul3A_299 = arith.mulf %get3A_296, %mul3A_298 : vector<16xf32>
        %add3A_300 = arith.addf %get3A_293, %mul3A_299 : vector<16xf32>
        %swap3A = arith.index_cast %add3A_288 : i32 to index
        %swap3A_301 = tpu.vector_load %arg6[%swap3A] {strides = array<i32>} : memref<65536xf32, #tpu.memory_space<vmem>>, vector<16xf32>,
        %swap3A_302 = vector.shape_cast %swap3A_301 : vector<16xf32> to vector<16xf32>
        %swap3A_303 = vector.shape_cast %add3A_300 : vector<16xf32> to vector<16xf32>
        tpu.vector_store %arg6[%swap3A], %swap3A_303 {strides = array<i32>} : memref<65536xf32, #tpu.memory_space<vmem>>, vector<16xf32>,
        %mul3A_304 = arith.constant 64 : i32
        %mul3A_305 = arith.muli %sub3A, %mul3A_304 : i32
        %add3A_306 = arith.constant 16 : i32
        %add3A_307 = arith.addi %mul3A_305, %add3A_306 : i32
        %add3A_308 = arith.constant 16 : i32
        %add3A_309 = arith.addi %mul3A_28, %add3A_308 : i32
        %get3A_310 = arith.index_cast %add3A_307 : i32 to index
        %get3A_311 = tpu.vector_load %arg6[%get3A_310] {strides = array<i32>} : memref<65536xf32, #tpu.memory_space<vmem>>, vector<16xf32>,
        %get3A_312 = vector.shape_cast %get3A_311 : vector<16xf32> to vector<16xf32>
        %get3A_313 = arith.index_cast %add3A_309 : i32 to index
        %get3A_314 = tpu.vector_load %arg8[%get3A_313] {strides = array<i32>} : memref<32768xf32, #tpu.memory_space<vmem>>, vector<16xf32>,
        %get3A_315 = vector.shape_cast %get3A_314 : vector<16xf32> to vector<16xf32>
        %mul3A_316 = arith.constant 2.500000e-03 : f32
        %mul3A_317 = vector.broadcast %mul3A_316 : f32 to vector<16xf32>
        %mul3A_318 = arith.mulf %get3A_315, %mul3A_317 : vector<16xf32>
        %add3A_319 = arith.addf %get3A_312, %mul3A_318 : vector<16xf32>
        %swap3A_320 = arith.index_cast %add3A_307 : i32 to index
        %swap3A_321 = tpu.vector_load %arg6[%swap3A_320] {strides = array<i32>} : memref<65536xf32, #tpu.memory_space<vmem>>, vector<16xf32>,
        %swap3A_322 = vector.shape_cast %swap3A_321 : vector<16xf32> to vector<16xf32>
        %swap3A_323 = vector.shape_cast %add3A_319 : vector<16xf32> to vector<16xf32>
        tpu.vector_store %arg6[%swap3A_320], %swap3A_323 {strides = array<i32>} : memref<65536xf32, #tpu.memory_space<vmem>>, vector<16xf32>,
        %mul3A_324 = arith.constant 64 : i32
        %mul3A_325 = arith.muli %sub3A, %mul3A_324 : i32
        %add3A_326 = arith.constant 32 : i32
        %add3A_327 = arith.addi %mul3A_325, %add3A_326 : i32
        %add3A_328 = arith.constant 32 : i32
        %add3A_329 = arith.addi %mul3A_28, %add3A_328 : i32
        %get3A_330 = arith.index_cast %add3A_327 : i32 to index
        %get3A_331 = tpu.vector_load %arg6[%get3A_330] {strides = array<i32>} : memref<65536xf32, #tpu.memory_space<vmem>>, vector<16xf32>,
        %get3A_332 = vector.shape_cast %get3A_331 : vector<16xf32> to vector<16xf32>
        %get3A_333 = arith.index_cast %add3A_329 : i32 to index
        %get3A_334 = tpu.vector_load %arg8[%get3A_333] {strides = array<i32>} : memref<32768xf32, #tpu.memory_space<vmem>>, vector<16xf32>,
        %get3A_335 = vector.shape_cast %get3A_334 : vector<16xf32> to vector<16xf32>
        %mul3A_336 = arith.constant 2.500000e-03 : f32
        %mul3A_337 = vector.broadcast %mul3A_336 : f32 to vector<16xf32>
        %mul3A_338 = arith.mulf %get3A_335, %mul3A_337 : vector<16xf32>
        %add3A_339 = arith.addf %get3A_332, %mul3A_338 : vector<16xf32>
        %swap3A_340 = arith.index_cast %add3A_327 : i32 to index
        %swap3A_341 = tpu.vector_load %arg6[%swap3A_340] {strides = array<i32>} : memref<65536xf32, #tpu.memory_space<vmem>>, vector<16xf32>,
        %swap3A_342 = vector.shape_cast %swap3A_341 : vector<16xf32> to vector<16xf32>
        %swap3A_343 = vector.shape_cast %add3A_339 : vector<16xf32> to vector<16xf32>
        tpu.vector_store %arg6[%swap3A_340], %swap3A_343 {strides = array<i32>} : memref<65536xf32, #tpu.memory_space<vmem>>, vector<16xf32>,
        %mul3A_344 = arith.constant 64 : i32
        %mul3A_345 = arith.muli %sub3A, %mul3A_344 : i32
        %add3A_346 = arith.constant 48 : i32
        %add3A_347 = arith.addi %mul3A_345, %add3A_346 : i32
        %add3A_348 = arith.constant 48 : i32
        %add3A_349 = arith.addi %mul3A_28, %add3A_348 : i32
        %get3A_350 = arith.index_cast %add3A_347 : i32 to index
        %get3A_351 = tpu.vector_load %arg6[%get3A_350] {strides = array<i32>} : memref<65536xf32, #tpu.memory_space<vmem>>, vector<16xf32>,
        %get3A_352 = vector.shape_cast %get3A_351 : vector<16xf32> to vector<16xf32>
        %get3A_353 = arith.index_cast %add3A_349 : i32 to index
        %get3A_354 = tpu.vector_load %arg8[%get3A_353] {strides = array<i32>} : memref<32768xf32, #tpu.memory_space<vmem>>, vector<16xf32>,
        %get3A_355 = vector.shape_cast %get3A_354 : vector<16xf32> to vector<16xf32>
        %mul3A_356 = arith.constant 2.500000e-03 : f32
        %mul3A_357 = vector.broadcast %mul3A_356 : f32 to vector<16xf32>
        %mul3A_358 = arith.mulf %get3A_355, %mul3A_357 : vector<16xf32>
        %add3A_359 = arith.addf %get3A_352, %mul3A_358 : vector<16xf32>
        %swap3A_360 = arith.index_cast %add3A_347 : i32 to index
        %swap3A_361 = tpu.vector_load %arg6[%swap3A_360] {strides = array<i32>} : memref<65536xf32, #tpu.memory_space<vmem>>, vector<16xf32>,
        %swap3A_362 = vector.shape_cast %swap3A_361 : vector<16xf32> to vector<16xf32>
        %swap3A_363 = vector.shape_cast %add3A_359 : vector<16xf32> to vector<16xf32>
        tpu.vector_store %arg6[%swap3A_360], %swap3A_363 {strides = array<i32>} : memref<65536xf32, #tpu.memory_space<vmem>>, vector<16xf32>,
      } else {
      }
      %slice3A_30 = vector.extract_strided_slice %get3A_20 {offsets = [1], sizes = [1], strides = [1]} : vector<16xi32> to vector<1xi32>
      %squeeze3A_31 = vector.extract %slice3A_30[0] : i32 from vector<1xi32>
      %sub3A_32 = arith.subi %squeeze3A_31, %mul3A_9 : i32
      %ge3A_33 = arith.constant 0 : i32
      %ge3A_34 = arith.cmpi sge, %sub3A_32, %ge3A_33 : i32
      %lt3A_35 = arith.constant 1024 : i32
      %lt3A_36 = arith.cmpi slt, %sub3A_32, %lt3A_35 : i32
      %and3A_37 = arith.andi %ge3A_34, %lt3A_36 : i1
      %mul3A_38 = arith.constant 16 : i32
      %mul3A_39 = arith.muli %scan3A_16, %mul3A_38 : i32
      %add3A_40 = arith.constant 1 : i32
      %add3A_41 = arith.addi %mul3A_39, %add3A_40 : i32
      %mul3A_42 = arith.constant 64 : i32
      %mul3A_43 = arith.muli %add3A_41, %mul3A_42 : i32
      %convert_element_type3A_44 = arith.extui %and3A_37 : i1 to i32
      %cond3A_45 = arith.constant 0 : i32
      %cond3A_46 = arith.cmpi ne, %convert_element_type3A_44, %cond3A_45 : i32
      scf.if %cond3A_46 {
        %mul3A_285 = arith.constant 64 : i32
        %mul3A_286 = arith.muli %sub3A_32, %mul3A_285 : i32
        %add3A_287 = arith.constant 0 : i32
        %add3A_288 = arith.addi %mul3A_286, %add3A_287 : i32
        %add3A_289 = arith.constant 0 : i32
        %add3A_290 = arith.addi %mul3A_43, %add3A_289 : i32
        %get3A_291 = arith.index_cast %add3A_288 : i32 to index
        %get3A_292 = tpu.vector_load %arg6[%get3A_291] {strides = array<i32>} : memref<65536xf32, #tpu.memory_space<vmem>>, vector<16xf32>,
        %get3A_293 = vector.shape_cast %get3A_292 : vector<16xf32> to vector<16xf32>
        %get3A_294 = arith.index_cast %add3A_290 : i32 to index
        %get3A_295 = tpu.vector_load %arg8[%get3A_294] {strides = array<i32>} : memref<32768xf32, #tpu.memory_space<vmem>>, vector<16xf32>,
        %get3A_296 = vector.shape_cast %get3A_295 : vector<16xf32> to vector<16xf32>
        %mul3A_297 = arith.constant 2.500000e-03 : f32
        %mul3A_298 = vector.broadcast %mul3A_297 : f32 to vector<16xf32>
        %mul3A_299 = arith.mulf %get3A_296, %mul3A_298 : vector<16xf32>
        %add3A_300 = arith.addf %get3A_293, %mul3A_299 : vector<16xf32>
        %swap3A = arith.index_cast %add3A_288 : i32 to index
        %swap3A_301 = tpu.vector_load %arg6[%swap3A] {strides = array<i32>} : memref<65536xf32, #tpu.memory_space<vmem>>, vector<16xf32>,
        %swap3A_302 = vector.shape_cast %swap3A_301 : vector<16xf32> to vector<16xf32>
        %swap3A_303 = vector.shape_cast %add3A_300 : vector<16xf32> to vector<16xf32>
        tpu.vector_store %arg6[%swap3A], %swap3A_303 {strides = array<i32>} : memref<65536xf32, #tpu.memory_space<vmem>>, vector<16xf32>,
        %mul3A_304 = arith.constant 64 : i32
        %mul3A_305 = arith.muli %sub3A_32, %mul3A_304 : i32
        %add3A_306 = arith.constant 16 : i32
        %add3A_307 = arith.addi %mul3A_305, %add3A_306 : i32
        %add3A_308 = arith.constant 16 : i32
        %add3A_309 = arith.addi %mul3A_43, %add3A_308 : i32
        %get3A_310 = arith.index_cast %add3A_307 : i32 to index
        %get3A_311 = tpu.vector_load %arg6[%get3A_310] {strides = array<i32>} : memref<65536xf32, #tpu.memory_space<vmem>>, vector<16xf32>,
        %get3A_312 = vector.shape_cast %get3A_311 : vector<16xf32> to vector<16xf32>
        %get3A_313 = arith.index_cast %add3A_309 : i32 to index
        %get3A_314 = tpu.vector_load %arg8[%get3A_313] {strides = array<i32>} : memref<32768xf32, #tpu.memory_space<vmem>>, vector<16xf32>,
        %get3A_315 = vector.shape_cast %get3A_314 : vector<16xf32> to vector<16xf32>
        %mul3A_316 = arith.constant 2.500000e-03 : f32
        %mul3A_317 = vector.broadcast %mul3A_316 : f32 to vector<16xf32>
        %mul3A_318 = arith.mulf %get3A_315, %mul3A_317 : vector<16xf32>
        %add3A_319 = arith.addf %get3A_312, %mul3A_318 : vector<16xf32>
        %swap3A_320 = arith.index_cast %add3A_307 : i32 to index
        %swap3A_321 = tpu.vector_load %arg6[%swap3A_320] {strides = array<i32>} : memref<65536xf32, #tpu.memory_space<vmem>>, vector<16xf32>,
        %swap3A_322 = vector.shape_cast %swap3A_321 : vector<16xf32> to vector<16xf32>
        %swap3A_323 = vector.shape_cast %add3A_319 : vector<16xf32> to vector<16xf32>
        tpu.vector_store %arg6[%swap3A_320], %swap3A_323 {strides = array<i32>} : memref<65536xf32, #tpu.memory_space<vmem>>, vector<16xf32>,
        %mul3A_324 = arith.constant 64 : i32
        %mul3A_325 = arith.muli %sub3A_32, %mul3A_324 : i32
        %add3A_326 = arith.constant 32 : i32
        %add3A_327 = arith.addi %mul3A_325, %add3A_326 : i32
        %add3A_328 = arith.constant 32 : i32
        %add3A_329 = arith.addi %mul3A_43, %add3A_328 : i32
        %get3A_330 = arith.index_cast %add3A_327 : i32 to index
        %get3A_331 = tpu.vector_load %arg6[%get3A_330] {strides = array<i32>} : memref<65536xf32, #tpu.memory_space<vmem>>, vector<16xf32>,
        %get3A_332 = vector.shape_cast %get3A_331 : vector<16xf32> to vector<16xf32>
        %get3A_333 = arith.index_cast %add3A_329 : i32 to index
        %get3A_334 = tpu.vector_load %arg8[%get3A_333] {strides = array<i32>} : memref<32768xf32, #tpu.memory_space<vmem>>, vector<16xf32>,
        %get3A_335 = vector.shape_cast %get3A_334 : vector<16xf32> to vector<16xf32>
        %mul3A_336 = arith.constant 2.500000e-03 : f32
        %mul3A_337 = vector.broadcast %mul3A_336 : f32 to vector<16xf32>
        %mul3A_338 = arith.mulf %get3A_335, %mul3A_337 : vector<16xf32>
        %add3A_339 = arith.addf %get3A_332, %mul3A_338 : vector<16xf32>
        %swap3A_340 = arith.index_cast %add3A_327 : i32 to index
        %swap3A_341 = tpu.vector_load %arg6[%swap3A_340] {strides = array<i32>} : memref<65536xf32, #tpu.memory_space<vmem>>, vector<16xf32>,
        %swap3A_342 = vector.shape_cast %swap3A_341 : vector<16xf32> to vector<16xf32>
        %swap3A_343 = vector.shape_cast %add3A_339 : vector<16xf32> to vector<16xf32>
        tpu.vector_store %arg6[%swap3A_340], %swap3A_343 {strides = array<i32>} : memref<65536xf32, #tpu.memory_space<vmem>>, vector<16xf32>,
        %mul3A_344 = arith.constant 64 : i32
        %mul3A_345 = arith.muli %sub3A_32, %mul3A_344 : i32
        %add3A_346 = arith.constant 48 : i32
        %add3A_347 = arith.addi %mul3A_345, %add3A_346 : i32
        %add3A_348 = arith.constant 48 : i32
        %add3A_349 = arith.addi %mul3A_43, %add3A_348 : i32
        %get3A_350 = arith.index_cast %add3A_347 : i32 to index
        %get3A_351 = tpu.vector_load %arg6[%get3A_350] {strides = array<i32>} : memref<65536xf32, #tpu.memory_space<vmem>>, vector<16xf32>,
        %get3A_352 = vector.shape_cast %get3A_351 : vector<16xf32> to vector<16xf32>
        %get3A_353 = arith.index_cast %add3A_349 : i32 to index
        %get3A_354 = tpu.vector_load %arg8[%get3A_353] {strides = array<i32>} : memref<32768xf32, #tpu.memory_space<vmem>>, vector<16xf32>,
        %get3A_355 = vector.shape_cast %get3A_354 : vector<16xf32> to vector<16xf32>
        %mul3A_356 = arith.constant 2.500000e-03 : f32
        %mul3A_357 = vector.broadcast %mul3A_356 : f32 to vector<16xf32>
        %mul3A_358 = arith.mulf %get3A_355, %mul3A_357 : vector<16xf32>
        %add3A_359 = arith.addf %get3A_352, %mul3A_358 : vector<16xf32>
        %swap3A_360 = arith.index_cast %add3A_347 : i32 to index
        %swap3A_361 = tpu.vector_load %arg6[%swap3A_360] {strides = array<i32>} : memref<65536xf32, #tpu.memory_space<vmem>>, vector<16xf32>,
        %swap3A_362 = vector.shape_cast %swap3A_361 : vector<16xf32> to vector<16xf32>
        %swap3A_363 = vector.shape_cast %add3A_359 : vector<16xf32> to vector<16xf32>
        tpu.vector_store %arg6[%swap3A_360], %swap3A_363 {strides = array<i32>} : memref<65536xf32, #tpu.memory_space<vmem>>, vector<16xf32>,
      } else {
      }
      %slice3A_47 = vector.extract_strided_slice %get3A_20 {offsets = [2], sizes = [1], strides = [1]} : vector<16xi32> to vector<1xi32>
      %squeeze3A_48 = vector.extract %slice3A_47[0] : i32 from vector<1xi32>
      %sub3A_49 = arith.subi %squeeze3A_48, %mul3A_9 : i32
      %ge3A_50 = arith.constant 0 : i32
      %ge3A_51 = arith.cmpi sge, %sub3A_49, %ge3A_50 : i32
      %lt3A_52 = arith.constant 1024 : i32
      %lt3A_53 = arith.cmpi slt, %sub3A_49, %lt3A_52 : i32
      %and3A_54 = arith.andi %ge3A_51, %lt3A_53 : i1
      %mul3A_55 = arith.constant 16 : i32
      %mul3A_56 = arith.muli %scan3A_16, %mul3A_55 : i32
      %add3A_57 = arith.constant 2 : i32
      %add3A_58 = arith.addi %mul3A_56, %add3A_57 : i32
      %mul3A_59 = arith.constant 64 : i32
      %mul3A_60 = arith.muli %add3A_58, %mul3A_59 : i32
      %convert_element_type3A_61 = arith.extui %and3A_54 : i1 to i32
      %cond3A_62 = arith.constant 0 : i32
      %cond3A_63 = arith.cmpi ne, %convert_element_type3A_61, %cond3A_62 : i32
      scf.if %cond3A_63 {
        %mul3A_285 = arith.constant 64 : i32
        %mul3A_286 = arith.muli %sub3A_49, %mul3A_285 : i32
        %add3A_287 = arith.constant 0 : i32
        %add3A_288 = arith.addi %mul3A_286, %add3A_287 : i32
        %add3A_289 = arith.constant 0 : i32
        %add3A_290 = arith.addi %mul3A_60, %add3A_289 : i32
        %get3A_291 = arith.index_cast %add3A_288 : i32 to index
        %get3A_292 = tpu.vector_load %arg6[%get3A_291] {strides = array<i32>} : memref<65536xf32, #tpu.memory_space<vmem>>, vector<16xf32>,
        %get3A_293 = vector.shape_cast %get3A_292 : vector<16xf32> to vector<16xf32>
        %get3A_294 = arith.index_cast %add3A_290 : i32 to index
        %get3A_295 = tpu.vector_load %arg8[%get3A_294] {strides = array<i32>} : memref<32768xf32, #tpu.memory_space<vmem>>, vector<16xf32>,
        %get3A_296 = vector.shape_cast %get3A_295 : vector<16xf32> to vector<16xf32>
        %mul3A_297 = arith.constant 2.500000e-03 : f32
        %mul3A_298 = vector.broadcast %mul3A_297 : f32 to vector<16xf32>
        %mul3A_299 = arith.mulf %get3A_296, %mul3A_298 : vector<16xf32>
        %add3A_300 = arith.addf %get3A_293, %mul3A_299 : vector<16xf32>
        %swap3A = arith.index_cast %add3A_288 : i32 to index
        %swap3A_301 = tpu.vector_load %arg6[%swap3A] {strides = array<i32>} : memref<65536xf32, #tpu.memory_space<vmem>>, vector<16xf32>,
        %swap3A_302 = vector.shape_cast %swap3A_301 : vector<16xf32> to vector<16xf32>
        %swap3A_303 = vector.shape_cast %add3A_300 : vector<16xf32> to vector<16xf32>
        tpu.vector_store %arg6[%swap3A], %swap3A_303 {strides = array<i32>} : memref<65536xf32, #tpu.memory_space<vmem>>, vector<16xf32>,
        %mul3A_304 = arith.constant 64 : i32
        %mul3A_305 = arith.muli %sub3A_49, %mul3A_304 : i32
        %add3A_306 = arith.constant 16 : i32
        %add3A_307 = arith.addi %mul3A_305, %add3A_306 : i32
        %add3A_308 = arith.constant 16 : i32
        %add3A_309 = arith.addi %mul3A_60, %add3A_308 : i32
        %get3A_310 = arith.index_cast %add3A_307 : i32 to index
        %get3A_311 = tpu.vector_load %arg6[%get3A_310] {strides = array<i32>} : memref<65536xf32, #tpu.memory_space<vmem>>, vector<16xf32>,
        %get3A_312 = vector.shape_cast %get3A_311 : vector<16xf32> to vector<16xf32>
        %get3A_313 = arith.index_cast %add3A_309 : i32 to index
        %get3A_314 = tpu.vector_load %arg8[%get3A_313] {strides = array<i32>} : memref<32768xf32, #tpu.memory_space<vmem>>, vector<16xf32>,
        %get3A_315 = vector.shape_cast %get3A_314 : vector<16xf32> to vector<16xf32>
        %mul3A_316 = arith.constant 2.500000e-03 : f32
        %mul3A_317 = vector.broadcast %mul3A_316 : f32 to vector<16xf32>
        %mul3A_318 = arith.mulf %get3A_315, %mul3A_317 : vector<16xf32>
        %add3A_319 = arith.addf %get3A_312, %mul3A_318 : vector<16xf32>
        %swap3A_320 = arith.index_cast %add3A_307 : i32 to index
        %swap3A_321 = tpu.vector_load %arg6[%swap3A_320] {strides = array<i32>} : memref<65536xf32, #tpu.memory_space<vmem>>, vector<16xf32>,
        %swap3A_322 = vector.shape_cast %swap3A_321 : vector<16xf32> to vector<16xf32>
        %swap3A_323 = vector.shape_cast %add3A_319 : vector<16xf32> to vector<16xf32>
        tpu.vector_store %arg6[%swap3A_320], %swap3A_323 {strides = array<i32>} : memref<65536xf32, #tpu.memory_space<vmem>>, vector<16xf32>,
        %mul3A_324 = arith.constant 64 : i32
        %mul3A_325 = arith.muli %sub3A_49, %mul3A_324 : i32
        %add3A_326 = arith.constant 32 : i32
        %add3A_327 = arith.addi %mul3A_325, %add3A_326 : i32
        %add3A_328 = arith.constant 32 : i32
        %add3A_329 = arith.addi %mul3A_60, %add3A_328 : i32
        %get3A_330 = arith.index_cast %add3A_327 : i32 to index
        %get3A_331 = tpu.vector_load %arg6[%get3A_330] {strides = array<i32>} : memref<65536xf32, #tpu.memory_space<vmem>>, vector<16xf32>,
        %get3A_332 = vector.shape_cast %get3A_331 : vector<16xf32> to vector<16xf32>
        %get3A_333 = arith.index_cast %add3A_329 : i32 to index
        %get3A_334 = tpu.vector_load %arg8[%get3A_333] {strides = array<i32>} : memref<32768xf32, #tpu.memory_space<vmem>>, vector<16xf32>,
        %get3A_335 = vector.shape_cast %get3A_334 : vector<16xf32> to vector<16xf32>
        %mul3A_336 = arith.constant 2.500000e-03 : f32
        %mul3A_337 = vector.broadcast %mul3A_336 : f32 to vector<16xf32>
        %mul3A_338 = arith.mulf %get3A_335, %mul3A_337 : vector<16xf32>
        %add3A_339 = arith.addf %get3A_332, %mul3A_338 : vector<16xf32>
        %swap3A_340 = arith.index_cast %add3A_327 : i32 to index
        %swap3A_341 = tpu.vector_load %arg6[%swap3A_340] {strides = array<i32>} : memref<65536xf32, #tpu.memory_space<vmem>>, vector<16xf32>,
        %swap3A_342 = vector.shape_cast %swap3A_341 : vector<16xf32> to vector<16xf32>
        %swap3A_343 = vector.shape_cast %add3A_339 : vector<16xf32> to vector<16xf32>
        tpu.vector_store %arg6[%swap3A_340], %swap3A_343 {strides = array<i32>} : memref<65536xf32, #tpu.memory_space<vmem>>, vector<16xf32>,
        %mul3A_344 = arith.constant 64 : i32
        %mul3A_345 = arith.muli %sub3A_49, %mul3A_344 : i32
        %add3A_346 = arith.constant 48 : i32
        %add3A_347 = arith.addi %mul3A_345, %add3A_346 : i32
        %add3A_348 = arith.constant 48 : i32
        %add3A_349 = arith.addi %mul3A_60, %add3A_348 : i32
        %get3A_350 = arith.index_cast %add3A_347 : i32 to index
        %get3A_351 = tpu.vector_load %arg6[%get3A_350] {strides = array<i32>} : memref<65536xf32, #tpu.memory_space<vmem>>, vector<16xf32>,
        %get3A_352 = vector.shape_cast %get3A_351 : vector<16xf32> to vector<16xf32>
        %get3A_353 = arith.index_cast %add3A_349 : i32 to index
        %get3A_354 = tpu.vector_load %arg8[%get3A_353] {strides = array<i32>} : memref<32768xf32, #tpu.memory_space<vmem>>, vector<16xf32>,
        %get3A_355 = vector.shape_cast %get3A_354 : vector<16xf32> to vector<16xf32>
        %mul3A_356 = arith.constant 2.500000e-03 : f32
        %mul3A_357 = vector.broadcast %mul3A_356 : f32 to vector<16xf32>
        %mul3A_358 = arith.mulf %get3A_355, %mul3A_357 : vector<16xf32>
        %add3A_359 = arith.addf %get3A_352, %mul3A_358 : vector<16xf32>
        %swap3A_360 = arith.index_cast %add3A_347 : i32 to index
        %swap3A_361 = tpu.vector_load %arg6[%swap3A_360] {strides = array<i32>} : memref<65536xf32, #tpu.memory_space<vmem>>, vector<16xf32>,
        %swap3A_362 = vector.shape_cast %swap3A_361 : vector<16xf32> to vector<16xf32>
        %swap3A_363 = vector.shape_cast %add3A_359 : vector<16xf32> to vector<16xf32>
        tpu.vector_store %arg6[%swap3A_360], %swap3A_363 {strides = array<i32>} : memref<65536xf32, #tpu.memory_space<vmem>>, vector<16xf32>,
      } else {
      }
      %slice3A_64 = vector.extract_strided_slice %get3A_20 {offsets = [3], sizes = [1], strides = [1]} : vector<16xi32> to vector<1xi32>
      %squeeze3A_65 = vector.extract %slice3A_64[0] : i32 from vector<1xi32>
      %sub3A_66 = arith.subi %squeeze3A_65, %mul3A_9 : i32
      %ge3A_67 = arith.constant 0 : i32
      %ge3A_68 = arith.cmpi sge, %sub3A_66, %ge3A_67 : i32
      %lt3A_69 = arith.constant 1024 : i32
      %lt3A_70 = arith.cmpi slt, %sub3A_66, %lt3A_69 : i32
      %and3A_71 = arith.andi %ge3A_68, %lt3A_70 : i1
      %mul3A_72 = arith.constant 16 : i32
      %mul3A_73 = arith.muli %scan3A_16, %mul3A_72 : i32
      %add3A_74 = arith.constant 3 : i32
      %add3A_75 = arith.addi %mul3A_73, %add3A_74 : i32
      %mul3A_76 = arith.constant 64 : i32
      %mul3A_77 = arith.muli %add3A_75, %mul3A_76 : i32
      %convert_element_type3A_78 = arith.extui %and3A_71 : i1 to i32
      %cond3A_79 = arith.constant 0 : i32
      %cond3A_80 = arith.cmpi ne, %convert_element_type3A_78, %cond3A_79 : i32
      scf.if %cond3A_80 {
        %mul3A_285 = arith.constant 64 : i32
        %mul3A_286 = arith.muli %sub3A_66, %mul3A_285 : i32
        %add3A_287 = arith.constant 0 : i32
        %add3A_288 = arith.addi %mul3A_286, %add3A_287 : i32
        %add3A_289 = arith.constant 0 : i32
        %add3A_290 = arith.addi %mul3A_77, %add3A_289 : i32
        %get3A_291 = arith.index_cast %add3A_288 : i32 to index
        %get3A_292 = tpu.vector_load %arg6[%get3A_291] {strides = array<i32>} : memref<65536xf32, #tpu.memory_space<vmem>>, vector<16xf32>,
        %get3A_293 = vector.shape_cast %get3A_292 : vector<16xf32> to vector<16xf32>
        %get3A_294 = arith.index_cast %add3A_290 : i32 to index
        %get3A_295 = tpu.vector_load %arg8[%get3A_294] {strides = array<i32>} : memref<32768xf32, #tpu.memory_space<vmem>>, vector<16xf32>,
        %get3A_296 = vector.shape_cast %get3A_295 : vector<16xf32> to vector<16xf32>
        %mul3A_297 = arith.constant 2.500000e-03 : f32
        %mul3A_298 = vector.broadcast %mul3A_297 : f32 to vector<16xf32>
        %mul3A_299 = arith.mulf %get3A_296, %mul3A_298 : vector<16xf32>
        %add3A_300 = arith.addf %get3A_293, %mul3A_299 : vector<16xf32>
        %swap3A = arith.index_cast %add3A_288 : i32 to index
        %swap3A_301 = tpu.vector_load %arg6[%swap3A] {strides = array<i32>} : memref<65536xf32, #tpu.memory_space<vmem>>, vector<16xf32>,
        %swap3A_302 = vector.shape_cast %swap3A_301 : vector<16xf32> to vector<16xf32>
        %swap3A_303 = vector.shape_cast %add3A_300 : vector<16xf32> to vector<16xf32>
        tpu.vector_store %arg6[%swap3A], %swap3A_303 {strides = array<i32>} : memref<65536xf32, #tpu.memory_space<vmem>>, vector<16xf32>,
        %mul3A_304 = arith.constant 64 : i32
        %mul3A_305 = arith.muli %sub3A_66, %mul3A_304 : i32
        %add3A_306 = arith.constant 16 : i32
        %add3A_307 = arith.addi %mul3A_305, %add3A_306 : i32
        %add3A_308 = arith.constant 16 : i32
        %add3A_309 = arith.addi %mul3A_77, %add3A_308 : i32
        %get3A_310 = arith.index_cast %add3A_307 : i32 to index
        %get3A_311 = tpu.vector_load %arg6[%get3A_310] {strides = array<i32>} : memref<65536xf32, #tpu.memory_space<vmem>>, vector<16xf32>,
        %get3A_312 = vector.shape_cast %get3A_311 : vector<16xf32> to vector<16xf32>
        %get3A_313 = arith.index_cast %add3A_309 : i32 to index
        %get3A_314 = tpu.vector_load %arg8[%get3A_313] {strides = array<i32>} : memref<32768xf32, #tpu.memory_space<vmem>>, vector<16xf32>,
        %get3A_315 = vector.shape_cast %get3A_314 : vector<16xf32> to vector<16xf32>
        %mul3A_316 = arith.constant 2.500000e-03 : f32
        %mul3A_317 = vector.broadcast %mul3A_316 : f32 to vector<16xf32>
        %mul3A_318 = arith.mulf %get3A_315, %mul3A_317 : vector<16xf32>
        %add3A_319 = arith.addf %get3A_312, %mul3A_318 : vector<16xf32>
        %swap3A_320 = arith.index_cast %add3A_307 : i32 to index
        %swap3A_321 = tpu.vector_load %arg6[%swap3A_320] {strides = array<i32>} : memref<65536xf32, #tpu.memory_space<vmem>>, vector<16xf32>,
        %swap3A_322 = vector.shape_cast %swap3A_321 : vector<16xf32> to vector<16xf32>
        %swap3A_323 = vector.shape_cast %add3A_319 : vector<16xf32> to vector<16xf32>
        tpu.vector_store %arg6[%swap3A_320], %swap3A_323 {strides = array<i32>} : memref<65536xf32, #tpu.memory_space<vmem>>, vector<16xf32>,
        %mul3A_324 = arith.constant 64 : i32
        %mul3A_325 = arith.muli %sub3A_66, %mul3A_324 : i32
        %add3A_326 = arith.constant 32 : i32
        %add3A_327 = arith.addi %mul3A_325, %add3A_326 : i32
        %add3A_328 = arith.constant 32 : i32
        %add3A_329 = arith.addi %mul3A_77, %add3A_328 : i32
        %get3A_330 = arith.index_cast %add3A_327 : i32 to index
        %get3A_331 = tpu.vector_load %arg6[%get3A_330] {strides = array<i32>} : memref<65536xf32, #tpu.memory_space<vmem>>, vector<16xf32>,
        %get3A_332 = vector.shape_cast %get3A_331 : vector<16xf32> to vector<16xf32>
        %get3A_333 = arith.index_cast %add3A_329 : i32 to index
        %get3A_334 = tpu.vector_load %arg8[%get3A_333] {strides = array<i32>} : memref<32768xf32, #tpu.memory_space<vmem>>, vector<16xf32>,
        %get3A_335 = vector.shape_cast %get3A_334 : vector<16xf32> to vector<16xf32>
        %mul3A_336 = arith.constant 2.500000e-03 : f32
        %mul3A_337 = vector.broadcast %mul3A_336 : f32 to vector<16xf32>
        %mul3A_338 = arith.mulf %get3A_335, %mul3A_337 : vector<16xf32>
        %add3A_339 = arith.addf %get3A_332, %mul3A_338 : vector<16xf32>
        %swap3A_340 = arith.index_cast %add3A_327 : i32 to index
        %swap3A_341 = tpu.vector_load %arg6[%swap3A_340] {strides = array<i32>} : memref<65536xf32, #tpu.memory_space<vmem>>, vector<16xf32>,
        %swap3A_342 = vector.shape_cast %swap3A_341 : vector<16xf32> to vector<16xf32>
        %swap3A_343 = vector.shape_cast %add3A_339 : vector<16xf32> to vector<16xf32>
        tpu.vector_store %arg6[%swap3A_340], %swap3A_343 {strides = array<i32>} : memref<65536xf32, #tpu.memory_space<vmem>>, vector<16xf32>,
        %mul3A_344 = arith.constant 64 : i32
        %mul3A_345 = arith.muli %sub3A_66, %mul3A_344 : i32
        %add3A_346 = arith.constant 48 : i32
        %add3A_347 = arith.addi %mul3A_345, %add3A_346 : i32
        %add3A_348 = arith.constant 48 : i32
        %add3A_349 = arith.addi %mul3A_77, %add3A_348 : i32
        %get3A_350 = arith.index_cast %add3A_347 : i32 to index
        %get3A_351 = tpu.vector_load %arg6[%get3A_350] {strides = array<i32>} : memref<65536xf32, #tpu.memory_space<vmem>>, vector<16xf32>,
        %get3A_352 = vector.shape_cast %get3A_351 : vector<16xf32> to vector<16xf32>
        %get3A_353 = arith.index_cast %add3A_349 : i32 to index
        %get3A_354 = tpu.vector_load %arg8[%get3A_353] {strides = array<i32>} : memref<32768xf32, #tpu.memory_space<vmem>>, vector<16xf32>,
        %get3A_355 = vector.shape_cast %get3A_354 : vector<16xf32> to vector<16xf32>
        %mul3A_356 = arith.constant 2.500000e-03 : f32
        %mul3A_357 = vector.broadcast %mul3A_356 : f32 to vector<16xf32>
        %mul3A_358 = arith.mulf %get3A_355, %mul3A_357 : vector<16xf32>
        %add3A_359 = arith.addf %get3A_352, %mul3A_358 : vector<16xf32>
        %swap3A_360 = arith.index_cast %add3A_347 : i32 to index
        %swap3A_361 = tpu.vector_load %arg6[%swap3A_360] {strides = array<i32>} : memref<65536xf32, #tpu.memory_space<vmem>>, vector<16xf32>,
        %swap3A_362 = vector.shape_cast %swap3A_361 : vector<16xf32> to vector<16xf32>
        %swap3A_363 = vector.shape_cast %add3A_359 : vector<16xf32> to vector<16xf32>
        tpu.vector_store %arg6[%swap3A_360], %swap3A_363 {strides = array<i32>} : memref<65536xf32, #tpu.memory_space<vmem>>, vector<16xf32>,
      } else {
      }
      %slice3A_81 = vector.extract_strided_slice %get3A_20 {offsets = [4], sizes = [1], strides = [1]} : vector<16xi32> to vector<1xi32>
      %squeeze3A_82 = vector.extract %slice3A_81[0] : i32 from vector<1xi32>
      %sub3A_83 = arith.subi %squeeze3A_82, %mul3A_9 : i32
      %ge3A_84 = arith.constant 0 : i32
      %ge3A_85 = arith.cmpi sge, %sub3A_83, %ge3A_84 : i32
      %lt3A_86 = arith.constant 1024 : i32
      %lt3A_87 = arith.cmpi slt, %sub3A_83, %lt3A_86 : i32
      %and3A_88 = arith.andi %ge3A_85, %lt3A_87 : i1
      %mul3A_89 = arith.constant 16 : i32
      %mul3A_90 = arith.muli %scan3A_16, %mul3A_89 : i32
      %add3A_91 = arith.constant 4 : i32
      %add3A_92 = arith.addi %mul3A_90, %add3A_91 : i32
      %mul3A_93 = arith.constant 64 : i32
      %mul3A_94 = arith.muli %add3A_92, %mul3A_93 : i32
      %convert_element_type3A_95 = arith.extui %and3A_88 : i1 to i32
      %cond3A_96 = arith.constant 0 : i32
      %cond3A_97 = arith.cmpi ne, %convert_element_type3A_95, %cond3A_96 : i32
      scf.if %cond3A_97 {
        %mul3A_285 = arith.constant 64 : i32
        %mul3A_286 = arith.muli %sub3A_83, %mul3A_285 : i32
        %add3A_287 = arith.constant 0 : i32
        %add3A_288 = arith.addi %mul3A_286, %add3A_287 : i32
        %add3A_289 = arith.constant 0 : i32
        %add3A_290 = arith.addi %mul3A_94, %add3A_289 : i32
        %get3A_291 = arith.index_cast %add3A_288 : i32 to index
        %get3A_292 = tpu.vector_load %arg6[%get3A_291] {strides = array<i32>} : memref<65536xf32, #tpu.memory_space<vmem>>, vector<16xf32>,
        %get3A_293 = vector.shape_cast %get3A_292 : vector<16xf32> to vector<16xf32>
        %get3A_294 = arith.index_cast %add3A_290 : i32 to index
        %get3A_295 = tpu.vector_load %arg8[%get3A_294] {strides = array<i32>} : memref<32768xf32, #tpu.memory_space<vmem>>, vector<16xf32>,
        %get3A_296 = vector.shape_cast %get3A_295 : vector<16xf32> to vector<16xf32>
        %mul3A_297 = arith.constant 2.500000e-03 : f32
        %mul3A_298 = vector.broadcast %mul3A_297 : f32 to vector<16xf32>
        %mul3A_299 = arith.mulf %get3A_296, %mul3A_298 : vector<16xf32>
        %add3A_300 = arith.addf %get3A_293, %mul3A_299 : vector<16xf32>
        %swap3A = arith.index_cast %add3A_288 : i32 to index
        %swap3A_301 = tpu.vector_load %arg6[%swap3A] {strides = array<i32>} : memref<65536xf32, #tpu.memory_space<vmem>>, vector<16xf32>,
        %swap3A_302 = vector.shape_cast %swap3A_301 : vector<16xf32> to vector<16xf32>
        %swap3A_303 = vector.shape_cast %add3A_300 : vector<16xf32> to vector<16xf32>
        tpu.vector_store %arg6[%swap3A], %swap3A_303 {strides = array<i32>} : memref<65536xf32, #tpu.memory_space<vmem>>, vector<16xf32>,
        %mul3A_304 = arith.constant 64 : i32
        %mul3A_305 = arith.muli %sub3A_83, %mul3A_304 : i32
        %add3A_306 = arith.constant 16 : i32
        %add3A_307 = arith.addi %mul3A_305, %add3A_306 : i32
        %add3A_308 = arith.constant 16 : i32
        %add3A_309 = arith.addi %mul3A_94, %add3A_308 : i32
        %get3A_310 = arith.index_cast %add3A_307 : i32 to index
        %get3A_311 = tpu.vector_load %arg6[%get3A_310] {strides = array<i32>} : memref<65536xf32, #tpu.memory_space<vmem>>, vector<16xf32>,
        %get3A_312 = vector.shape_cast %get3A_311 : vector<16xf32> to vector<16xf32>
        %get3A_313 = arith.index_cast %add3A_309 : i32 to index
        %get3A_314 = tpu.vector_load %arg8[%get3A_313] {strides = array<i32>} : memref<32768xf32, #tpu.memory_space<vmem>>, vector<16xf32>,
        %get3A_315 = vector.shape_cast %get3A_314 : vector<16xf32> to vector<16xf32>
        %mul3A_316 = arith.constant 2.500000e-03 : f32
        %mul3A_317 = vector.broadcast %mul3A_316 : f32 to vector<16xf32>
        %mul3A_318 = arith.mulf %get3A_315, %mul3A_317 : vector<16xf32>
        %add3A_319 = arith.addf %get3A_312, %mul3A_318 : vector<16xf32>
        %swap3A_320 = arith.index_cast %add3A_307 : i32 to index
        %swap3A_321 = tpu.vector_load %arg6[%swap3A_320] {strides = array<i32>} : memref<65536xf32, #tpu.memory_space<vmem>>, vector<16xf32>,
        %swap3A_322 = vector.shape_cast %swap3A_321 : vector<16xf32> to vector<16xf32>
        %swap3A_323 = vector.shape_cast %add3A_319 : vector<16xf32> to vector<16xf32>
        tpu.vector_store %arg6[%swap3A_320], %swap3A_323 {strides = array<i32>} : memref<65536xf32, #tpu.memory_space<vmem>>, vector<16xf32>,
        %mul3A_324 = arith.constant 64 : i32
        %mul3A_325 = arith.muli %sub3A_83, %mul3A_324 : i32
        %add3A_326 = arith.constant 32 : i32
        %add3A_327 = arith.addi %mul3A_325, %add3A_326 : i32
        %add3A_328 = arith.constant 32 : i32
        %add3A_329 = arith.addi %mul3A_94, %add3A_328 : i32
        %get3A_330 = arith.index_cast %add3A_327 : i32 to index
        %get3A_331 = tpu.vector_load %arg6[%get3A_330] {strides = array<i32>} : memref<65536xf32, #tpu.memory_space<vmem>>, vector<16xf32>,
        %get3A_332 = vector.shape_cast %get3A_331 : vector<16xf32> to vector<16xf32>
        %get3A_333 = arith.index_cast %add3A_329 : i32 to index
        %get3A_334 = tpu.vector_load %arg8[%get3A_333] {strides = array<i32>} : memref<32768xf32, #tpu.memory_space<vmem>>, vector<16xf32>,
        %get3A_335 = vector.shape_cast %get3A_334 : vector<16xf32> to vector<16xf32>
        %mul3A_336 = arith.constant 2.500000e-03 : f32
        %mul3A_337 = vector.broadcast %mul3A_336 : f32 to vector<16xf32>
        %mul3A_338 = arith.mulf %get3A_335, %mul3A_337 : vector<16xf32>
        %add3A_339 = arith.addf %get3A_332, %mul3A_338 : vector<16xf32>
        %swap3A_340 = arith.index_cast %add3A_327 : i32 to index
        %swap3A_341 = tpu.vector_load %arg6[%swap3A_340] {strides = array<i32>} : memref<65536xf32, #tpu.memory_space<vmem>>, vector<16xf32>,
        %swap3A_342 = vector.shape_cast %swap3A_341 : vector<16xf32> to vector<16xf32>
        %swap3A_343 = vector.shape_cast %add3A_339 : vector<16xf32> to vector<16xf32>
        tpu.vector_store %arg6[%swap3A_340], %swap3A_343 {strides = array<i32>} : memref<65536xf32, #tpu.memory_space<vmem>>, vector<16xf32>,
        %mul3A_344 = arith.constant 64 : i32
        %mul3A_345 = arith.muli %sub3A_83, %mul3A_344 : i32
        %add3A_346 = arith.constant 48 : i32
        %add3A_347 = arith.addi %mul3A_345, %add3A_346 : i32
        %add3A_348 = arith.constant 48 : i32
        %add3A_349 = arith.addi %mul3A_94, %add3A_348 : i32
        %get3A_350 = arith.index_cast %add3A_347 : i32 to index
        %get3A_351 = tpu.vector_load %arg6[%get3A_350] {strides = array<i32>} : memref<65536xf32, #tpu.memory_space<vmem>>, vector<16xf32>,
        %get3A_352 = vector.shape_cast %get3A_351 : vector<16xf32> to vector<16xf32>
        %get3A_353 = arith.index_cast %add3A_349 : i32 to index
        %get3A_354 = tpu.vector_load %arg8[%get3A_353] {strides = array<i32>} : memref<32768xf32, #tpu.memory_space<vmem>>, vector<16xf32>,
        %get3A_355 = vector.shape_cast %get3A_354 : vector<16xf32> to vector<16xf32>
        %mul3A_356 = arith.constant 2.500000e-03 : f32
        %mul3A_357 = vector.broadcast %mul3A_356 : f32 to vector<16xf32>
        %mul3A_358 = arith.mulf %get3A_355, %mul3A_357 : vector<16xf32>
        %add3A_359 = arith.addf %get3A_352, %mul3A_358 : vector<16xf32>
        %swap3A_360 = arith.index_cast %add3A_347 : i32 to index
        %swap3A_361 = tpu.vector_load %arg6[%swap3A_360] {strides = array<i32>} : memref<65536xf32, #tpu.memory_space<vmem>>, vector<16xf32>,
        %swap3A_362 = vector.shape_cast %swap3A_361 : vector<16xf32> to vector<16xf32>
        %swap3A_363 = vector.shape_cast %add3A_359 : vector<16xf32> to vector<16xf32>
        tpu.vector_store %arg6[%swap3A_360], %swap3A_363 {strides = array<i32>} : memref<65536xf32, #tpu.memory_space<vmem>>, vector<16xf32>,
      } else {
      }
      %slice3A_98 = vector.extract_strided_slice %get3A_20 {offsets = [5], sizes = [1], strides = [1]} : vector<16xi32> to vector<1xi32>
      %squeeze3A_99 = vector.extract %slice3A_98[0] : i32 from vector<1xi32>
      %sub3A_100 = arith.subi %squeeze3A_99, %mul3A_9 : i32
      %ge3A_101 = arith.constant 0 : i32
      %ge3A_102 = arith.cmpi sge, %sub3A_100, %ge3A_101 : i32
      %lt3A_103 = arith.constant 1024 : i32
      %lt3A_104 = arith.cmpi slt, %sub3A_100, %lt3A_103 : i32
      %and3A_105 = arith.andi %ge3A_102, %lt3A_104 : i1
      %mul3A_106 = arith.constant 16 : i32
      %mul3A_107 = arith.muli %scan3A_16, %mul3A_106 : i32
      %add3A_108 = arith.constant 5 : i32
      %add3A_109 = arith.addi %mul3A_107, %add3A_108 : i32
      %mul3A_110 = arith.constant 64 : i32
      %mul3A_111 = arith.muli %add3A_109, %mul3A_110 : i32
      %convert_element_type3A_112 = arith.extui %and3A_105 : i1 to i32
      %cond3A_113 = arith.constant 0 : i32
      %cond3A_114 = arith.cmpi ne, %convert_element_type3A_112, %cond3A_113 : i32
      scf.if %cond3A_114 {
        %mul3A_285 = arith.constant 64 : i32
        %mul3A_286 = arith.muli %sub3A_100, %mul3A_285 : i32
        %add3A_287 = arith.constant 0 : i32
        %add3A_288 = arith.addi %mul3A_286, %add3A_287 : i32
        %add3A_289 = arith.constant 0 : i32
        %add3A_290 = arith.addi %mul3A_111, %add3A_289 : i32
        %get3A_291 = arith.index_cast %add3A_288 : i32 to index
        %get3A_292 = tpu.vector_load %arg6[%get3A_291] {strides = array<i32>} : memref<65536xf32, #tpu.memory_space<vmem>>, vector<16xf32>,
        %get3A_293 = vector.shape_cast %get3A_292 : vector<16xf32> to vector<16xf32>
        %get3A_294 = arith.index_cast %add3A_290 : i32 to index
        %get3A_295 = tpu.vector_load %arg8[%get3A_294] {strides = array<i32>} : memref<32768xf32, #tpu.memory_space<vmem>>, vector<16xf32>,
        %get3A_296 = vector.shape_cast %get3A_295 : vector<16xf32> to vector<16xf32>
        %mul3A_297 = arith.constant 2.500000e-03 : f32
        %mul3A_298 = vector.broadcast %mul3A_297 : f32 to vector<16xf32>
        %mul3A_299 = arith.mulf %get3A_296, %mul3A_298 : vector<16xf32>
        %add3A_300 = arith.addf %get3A_293, %mul3A_299 : vector<16xf32>
        %swap3A = arith.index_cast %add3A_288 : i32 to index
        %swap3A_301 = tpu.vector_load %arg6[%swap3A] {strides = array<i32>} : memref<65536xf32, #tpu.memory_space<vmem>>, vector<16xf32>,
        %swap3A_302 = vector.shape_cast %swap3A_301 : vector<16xf32> to vector<16xf32>
        %swap3A_303 = vector.shape_cast %add3A_300 : vector<16xf32> to vector<16xf32>
        tpu.vector_store %arg6[%swap3A], %swap3A_303 {strides = array<i32>} : memref<65536xf32, #tpu.memory_space<vmem>>, vector<16xf32>,
        %mul3A_304 = arith.constant 64 : i32
        %mul3A_305 = arith.muli %sub3A_100, %mul3A_304 : i32
        %add3A_306 = arith.constant 16 : i32
        %add3A_307 = arith.addi %mul3A_305, %add3A_306 : i32
        %add3A_308 = arith.constant 16 : i32
        %add3A_309 = arith.addi %mul3A_111, %add3A_308 : i32
        %get3A_310 = arith.index_cast %add3A_307 : i32 to index
        %get3A_311 = tpu.vector_load %arg6[%get3A_310] {strides = array<i32>} : memref<65536xf32, #tpu.memory_space<vmem>>, vector<16xf32>,
        %get3A_312 = vector.shape_cast %get3A_311 : vector<16xf32> to vector<16xf32>
        %get3A_313 = arith.index_cast %add3A_309 : i32 to index
        %get3A_314 = tpu.vector_load %arg8[%get3A_313] {strides = array<i32>} : memref<32768xf32, #tpu.memory_space<vmem>>, vector<16xf32>,
        %get3A_315 = vector.shape_cast %get3A_314 : vector<16xf32> to vector<16xf32>
        %mul3A_316 = arith.constant 2.500000e-03 : f32
        %mul3A_317 = vector.broadcast %mul3A_316 : f32 to vector<16xf32>
        %mul3A_318 = arith.mulf %get3A_315, %mul3A_317 : vector<16xf32>
        %add3A_319 = arith.addf %get3A_312, %mul3A_318 : vector<16xf32>
        %swap3A_320 = arith.index_cast %add3A_307 : i32 to index
        %swap3A_321 = tpu.vector_load %arg6[%swap3A_320] {strides = array<i32>} : memref<65536xf32, #tpu.memory_space<vmem>>, vector<16xf32>,
        %swap3A_322 = vector.shape_cast %swap3A_321 : vector<16xf32> to vector<16xf32>
        %swap3A_323 = vector.shape_cast %add3A_319 : vector<16xf32> to vector<16xf32>
        tpu.vector_store %arg6[%swap3A_320], %swap3A_323 {strides = array<i32>} : memref<65536xf32, #tpu.memory_space<vmem>>, vector<16xf32>,
        %mul3A_324 = arith.constant 64 : i32
        %mul3A_325 = arith.muli %sub3A_100, %mul3A_324 : i32
        %add3A_326 = arith.constant 32 : i32
        %add3A_327 = arith.addi %mul3A_325, %add3A_326 : i32
        %add3A_328 = arith.constant 32 : i32
        %add3A_329 = arith.addi %mul3A_111, %add3A_328 : i32
        %get3A_330 = arith.index_cast %add3A_327 : i32 to index
        %get3A_331 = tpu.vector_load %arg6[%get3A_330] {strides = array<i32>} : memref<65536xf32, #tpu.memory_space<vmem>>, vector<16xf32>,
        %get3A_332 = vector.shape_cast %get3A_331 : vector<16xf32> to vector<16xf32>
        %get3A_333 = arith.index_cast %add3A_329 : i32 to index
        %get3A_334 = tpu.vector_load %arg8[%get3A_333] {strides = array<i32>} : memref<32768xf32, #tpu.memory_space<vmem>>, vector<16xf32>,
        %get3A_335 = vector.shape_cast %get3A_334 : vector<16xf32> to vector<16xf32>
        %mul3A_336 = arith.constant 2.500000e-03 : f32
        %mul3A_337 = vector.broadcast %mul3A_336 : f32 to vector<16xf32>
        %mul3A_338 = arith.mulf %get3A_335, %mul3A_337 : vector<16xf32>
        %add3A_339 = arith.addf %get3A_332, %mul3A_338 : vector<16xf32>
        %swap3A_340 = arith.index_cast %add3A_327 : i32 to index
        %swap3A_341 = tpu.vector_load %arg6[%swap3A_340] {strides = array<i32>} : memref<65536xf32, #tpu.memory_space<vmem>>, vector<16xf32>,
        %swap3A_342 = vector.shape_cast %swap3A_341 : vector<16xf32> to vector<16xf32>
        %swap3A_343 = vector.shape_cast %add3A_339 : vector<16xf32> to vector<16xf32>
        tpu.vector_store %arg6[%swap3A_340], %swap3A_343 {strides = array<i32>} : memref<65536xf32, #tpu.memory_space<vmem>>, vector<16xf32>,
        %mul3A_344 = arith.constant 64 : i32
        %mul3A_345 = arith.muli %sub3A_100, %mul3A_344 : i32
        %add3A_346 = arith.constant 48 : i32
        %add3A_347 = arith.addi %mul3A_345, %add3A_346 : i32
        %add3A_348 = arith.constant 48 : i32
        %add3A_349 = arith.addi %mul3A_111, %add3A_348 : i32
        %get3A_350 = arith.index_cast %add3A_347 : i32 to index
        %get3A_351 = tpu.vector_load %arg6[%get3A_350] {strides = array<i32>} : memref<65536xf32, #tpu.memory_space<vmem>>, vector<16xf32>,
        %get3A_352 = vector.shape_cast %get3A_351 : vector<16xf32> to vector<16xf32>
        %get3A_353 = arith.index_cast %add3A_349 : i32 to index
        %get3A_354 = tpu.vector_load %arg8[%get3A_353] {strides = array<i32>} : memref<32768xf32, #tpu.memory_space<vmem>>, vector<16xf32>,
        %get3A_355 = vector.shape_cast %get3A_354 : vector<16xf32> to vector<16xf32>
        %mul3A_356 = arith.constant 2.500000e-03 : f32
        %mul3A_357 = vector.broadcast %mul3A_356 : f32 to vector<16xf32>
        %mul3A_358 = arith.mulf %get3A_355, %mul3A_357 : vector<16xf32>
        %add3A_359 = arith.addf %get3A_352, %mul3A_358 : vector<16xf32>
        %swap3A_360 = arith.index_cast %add3A_347 : i32 to index
        %swap3A_361 = tpu.vector_load %arg6[%swap3A_360] {strides = array<i32>} : memref<65536xf32, #tpu.memory_space<vmem>>, vector<16xf32>,
        %swap3A_362 = vector.shape_cast %swap3A_361 : vector<16xf32> to vector<16xf32>
        %swap3A_363 = vector.shape_cast %add3A_359 : vector<16xf32> to vector<16xf32>
        tpu.vector_store %arg6[%swap3A_360], %swap3A_363 {strides = array<i32>} : memref<65536xf32, #tpu.memory_space<vmem>>, vector<16xf32>,
      } else {
      }
      %slice3A_115 = vector.extract_strided_slice %get3A_20 {offsets = [6], sizes = [1], strides = [1]} : vector<16xi32> to vector<1xi32>
      %squeeze3A_116 = vector.extract %slice3A_115[0] : i32 from vector<1xi32>
      %sub3A_117 = arith.subi %squeeze3A_116, %mul3A_9 : i32
      %ge3A_118 = arith.constant 0 : i32
      %ge3A_119 = arith.cmpi sge, %sub3A_117, %ge3A_118 : i32
      %lt3A_120 = arith.constant 1024 : i32
      %lt3A_121 = arith.cmpi slt, %sub3A_117, %lt3A_120 : i32
      %and3A_122 = arith.andi %ge3A_119, %lt3A_121 : i1
      %mul3A_123 = arith.constant 16 : i32
      %mul3A_124 = arith.muli %scan3A_16, %mul3A_123 : i32
      %add3A_125 = arith.constant 6 : i32
      %add3A_126 = arith.addi %mul3A_124, %add3A_125 : i32
      %mul3A_127 = arith.constant 64 : i32
      %mul3A_128 = arith.muli %add3A_126, %mul3A_127 : i32
      %convert_element_type3A_129 = arith.extui %and3A_122 : i1 to i32
      %cond3A_130 = arith.constant 0 : i32
      %cond3A_131 = arith.cmpi ne, %convert_element_type3A_129, %cond3A_130 : i32
      scf.if %cond3A_131 {
        %mul3A_285 = arith.constant 64 : i32
        %mul3A_286 = arith.muli %sub3A_117, %mul3A_285 : i32
        %add3A_287 = arith.constant 0 : i32
        %add3A_288 = arith.addi %mul3A_286, %add3A_287 : i32
        %add3A_289 = arith.constant 0 : i32
        %add3A_290 = arith.addi %mul3A_128, %add3A_289 : i32
        %get3A_291 = arith.index_cast %add3A_288 : i32 to index
        %get3A_292 = tpu.vector_load %arg6[%get3A_291] {strides = array<i32>} : memref<65536xf32, #tpu.memory_space<vmem>>, vector<16xf32>,
        %get3A_293 = vector.shape_cast %get3A_292 : vector<16xf32> to vector<16xf32>
        %get3A_294 = arith.index_cast %add3A_290 : i32 to index
        %get3A_295 = tpu.vector_load %arg8[%get3A_294] {strides = array<i32>} : memref<32768xf32, #tpu.memory_space<vmem>>, vector<16xf32>,
        %get3A_296 = vector.shape_cast %get3A_295 : vector<16xf32> to vector<16xf32>
        %mul3A_297 = arith.constant 2.500000e-03 : f32
        %mul3A_298 = vector.broadcast %mul3A_297 : f32 to vector<16xf32>
        %mul3A_299 = arith.mulf %get3A_296, %mul3A_298 : vector<16xf32>
        %add3A_300 = arith.addf %get3A_293, %mul3A_299 : vector<16xf32>
        %swap3A = arith.index_cast %add3A_288 : i32 to index
        %swap3A_301 = tpu.vector_load %arg6[%swap3A] {strides = array<i32>} : memref<65536xf32, #tpu.memory_space<vmem>>, vector<16xf32>,
        %swap3A_302 = vector.shape_cast %swap3A_301 : vector<16xf32> to vector<16xf32>
        %swap3A_303 = vector.shape_cast %add3A_300 : vector<16xf32> to vector<16xf32>
        tpu.vector_store %arg6[%swap3A], %swap3A_303 {strides = array<i32>} : memref<65536xf32, #tpu.memory_space<vmem>>, vector<16xf32>,
        %mul3A_304 = arith.constant 64 : i32
        %mul3A_305 = arith.muli %sub3A_117, %mul3A_304 : i32
        %add3A_306 = arith.constant 16 : i32
        %add3A_307 = arith.addi %mul3A_305, %add3A_306 : i32
        %add3A_308 = arith.constant 16 : i32
        %add3A_309 = arith.addi %mul3A_128, %add3A_308 : i32
        %get3A_310 = arith.index_cast %add3A_307 : i32 to index
        %get3A_311 = tpu.vector_load %arg6[%get3A_310] {strides = array<i32>} : memref<65536xf32, #tpu.memory_space<vmem>>, vector<16xf32>,
        %get3A_312 = vector.shape_cast %get3A_311 : vector<16xf32> to vector<16xf32>
        %get3A_313 = arith.index_cast %add3A_309 : i32 to index
        %get3A_314 = tpu.vector_load %arg8[%get3A_313] {strides = array<i32>} : memref<32768xf32, #tpu.memory_space<vmem>>, vector<16xf32>,
        %get3A_315 = vector.shape_cast %get3A_314 : vector<16xf32> to vector<16xf32>
        %mul3A_316 = arith.constant 2.500000e-03 : f32
        %mul3A_317 = vector.broadcast %mul3A_316 : f32 to vector<16xf32>
        %mul3A_318 = arith.mulf %get3A_315, %mul3A_317 : vector<16xf32>
        %add3A_319 = arith.addf %get3A_312, %mul3A_318 : vector<16xf32>
        %swap3A_320 = arith.index_cast %add3A_307 : i32 to index
        %swap3A_321 = tpu.vector_load %arg6[%swap3A_320] {strides = array<i32>} : memref<65536xf32, #tpu.memory_space<vmem>>, vector<16xf32>,
        %swap3A_322 = vector.shape_cast %swap3A_321 : vector<16xf32> to vector<16xf32>
        %swap3A_323 = vector.shape_cast %add3A_319 : vector<16xf32> to vector<16xf32>
        tpu.vector_store %arg6[%swap3A_320], %swap3A_323 {strides = array<i32>} : memref<65536xf32, #tpu.memory_space<vmem>>, vector<16xf32>,
        %mul3A_324 = arith.constant 64 : i32
        %mul3A_325 = arith.muli %sub3A_117, %mul3A_324 : i32
        %add3A_326 = arith.constant 32 : i32
        %add3A_327 = arith.addi %mul3A_325, %add3A_326 : i32
        %add3A_328 = arith.constant 32 : i32
        %add3A_329 = arith.addi %mul3A_128, %add3A_328 : i32
        %get3A_330 = arith.index_cast %add3A_327 : i32 to index
        %get3A_331 = tpu.vector_load %arg6[%get3A_330] {strides = array<i32>} : memref<65536xf32, #tpu.memory_space<vmem>>, vector<16xf32>,
        %get3A_332 = vector.shape_cast %get3A_331 : vector<16xf32> to vector<16xf32>
        %get3A_333 = arith.index_cast %add3A_329 : i32 to index
        %get3A_334 = tpu.vector_load %arg8[%get3A_333] {strides = array<i32>} : memref<32768xf32, #tpu.memory_space<vmem>>, vector<16xf32>,
        %get3A_335 = vector.shape_cast %get3A_334 : vector<16xf32> to vector<16xf32>
        %mul3A_336 = arith.constant 2.500000e-03 : f32
        %mul3A_337 = vector.broadcast %mul3A_336 : f32 to vector<16xf32>
        %mul3A_338 = arith.mulf %get3A_335, %mul3A_337 : vector<16xf32>
        %add3A_339 = arith.addf %get3A_332, %mul3A_338 : vector<16xf32>
        %swap3A_340 = arith.index_cast %add3A_327 : i32 to index
        %swap3A_341 = tpu.vector_load %arg6[%swap3A_340] {strides = array<i32>} : memref<65536xf32, #tpu.memory_space<vmem>>, vector<16xf32>,
        %swap3A_342 = vector.shape_cast %swap3A_341 : vector<16xf32> to vector<16xf32>
        %swap3A_343 = vector.shape_cast %add3A_339 : vector<16xf32> to vector<16xf32>
        tpu.vector_store %arg6[%swap3A_340], %swap3A_343 {strides = array<i32>} : memref<65536xf32, #tpu.memory_space<vmem>>, vector<16xf32>,
        %mul3A_344 = arith.constant 64 : i32
        %mul3A_345 = arith.muli %sub3A_117, %mul3A_344 : i32
        %add3A_346 = arith.constant 48 : i32
        %add3A_347 = arith.addi %mul3A_345, %add3A_346 : i32
        %add3A_348 = arith.constant 48 : i32
        %add3A_349 = arith.addi %mul3A_128, %add3A_348 : i32
        %get3A_350 = arith.index_cast %add3A_347 : i32 to index
        %get3A_351 = tpu.vector_load %arg6[%get3A_350] {strides = array<i32>} : memref<65536xf32, #tpu.memory_space<vmem>>, vector<16xf32>,
        %get3A_352 = vector.shape_cast %get3A_351 : vector<16xf32> to vector<16xf32>
        %get3A_353 = arith.index_cast %add3A_349 : i32 to index
        %get3A_354 = tpu.vector_load %arg8[%get3A_353] {strides = array<i32>} : memref<32768xf32, #tpu.memory_space<vmem>>, vector<16xf32>,
        %get3A_355 = vector.shape_cast %get3A_354 : vector<16xf32> to vector<16xf32>
        %mul3A_356 = arith.constant 2.500000e-03 : f32
        %mul3A_357 = vector.broadcast %mul3A_356 : f32 to vector<16xf32>
        %mul3A_358 = arith.mulf %get3A_355, %mul3A_357 : vector<16xf32>
        %add3A_359 = arith.addf %get3A_352, %mul3A_358 : vector<16xf32>
        %swap3A_360 = arith.index_cast %add3A_347 : i32 to index
        %swap3A_361 = tpu.vector_load %arg6[%swap3A_360] {strides = array<i32>} : memref<65536xf32, #tpu.memory_space<vmem>>, vector<16xf32>,
        %swap3A_362 = vector.shape_cast %swap3A_361 : vector<16xf32> to vector<16xf32>
        %swap3A_363 = vector.shape_cast %add3A_359 : vector<16xf32> to vector<16xf32>
        tpu.vector_store %arg6[%swap3A_360], %swap3A_363 {strides = array<i32>} : memref<65536xf32, #tpu.memory_space<vmem>>, vector<16xf32>,
      } else {
      }
      %slice3A_132 = vector.extract_strided_slice %get3A_20 {offsets = [7], sizes = [1], strides = [1]} : vector<16xi32> to vector<1xi32>
      %squeeze3A_133 = vector.extract %slice3A_132[0] : i32 from vector<1xi32>
      %sub3A_134 = arith.subi %squeeze3A_133, %mul3A_9 : i32
      %ge3A_135 = arith.constant 0 : i32
      %ge3A_136 = arith.cmpi sge, %sub3A_134, %ge3A_135 : i32
      %lt3A_137 = arith.constant 1024 : i32
      %lt3A_138 = arith.cmpi slt, %sub3A_134, %lt3A_137 : i32
      %and3A_139 = arith.andi %ge3A_136, %lt3A_138 : i1
      %mul3A_140 = arith.constant 16 : i32
      %mul3A_141 = arith.muli %scan3A_16, %mul3A_140 : i32
      %add3A_142 = arith.constant 7 : i32
      %add3A_143 = arith.addi %mul3A_141, %add3A_142 : i32
      %mul3A_144 = arith.constant 64 : i32
      %mul3A_145 = arith.muli %add3A_143, %mul3A_144 : i32
      %convert_element_type3A_146 = arith.extui %and3A_139 : i1 to i32
      %cond3A_147 = arith.constant 0 : i32
      %cond3A_148 = arith.cmpi ne, %convert_element_type3A_146, %cond3A_147 : i32
      scf.if %cond3A_148 {
        %mul3A_285 = arith.constant 64 : i32
        %mul3A_286 = arith.muli %sub3A_134, %mul3A_285 : i32
        %add3A_287 = arith.constant 0 : i32
        %add3A_288 = arith.addi %mul3A_286, %add3A_287 : i32
        %add3A_289 = arith.constant 0 : i32
        %add3A_290 = arith.addi %mul3A_145, %add3A_289 : i32
        %get3A_291 = arith.index_cast %add3A_288 : i32 to index
        %get3A_292 = tpu.vector_load %arg6[%get3A_291] {strides = array<i32>} : memref<65536xf32, #tpu.memory_space<vmem>>, vector<16xf32>,
        %get3A_293 = vector.shape_cast %get3A_292 : vector<16xf32> to vector<16xf32>
        %get3A_294 = arith.index_cast %add3A_290 : i32 to index
        %get3A_295 = tpu.vector_load %arg8[%get3A_294] {strides = array<i32>} : memref<32768xf32, #tpu.memory_space<vmem>>, vector<16xf32>,
        %get3A_296 = vector.shape_cast %get3A_295 : vector<16xf32> to vector<16xf32>
        %mul3A_297 = arith.constant 2.500000e-03 : f32
        %mul3A_298 = vector.broadcast %mul3A_297 : f32 to vector<16xf32>
        %mul3A_299 = arith.mulf %get3A_296, %mul3A_298 : vector<16xf32>
        %add3A_300 = arith.addf %get3A_293, %mul3A_299 : vector<16xf32>
        %swap3A = arith.index_cast %add3A_288 : i32 to index
        %swap3A_301 = tpu.vector_load %arg6[%swap3A] {strides = array<i32>} : memref<65536xf32, #tpu.memory_space<vmem>>, vector<16xf32>,
        %swap3A_302 = vector.shape_cast %swap3A_301 : vector<16xf32> to vector<16xf32>
        %swap3A_303 = vector.shape_cast %add3A_300 : vector<16xf32> to vector<16xf32>
        tpu.vector_store %arg6[%swap3A], %swap3A_303 {strides = array<i32>} : memref<65536xf32, #tpu.memory_space<vmem>>, vector<16xf32>,
        %mul3A_304 = arith.constant 64 : i32
        %mul3A_305 = arith.muli %sub3A_134, %mul3A_304 : i32
        %add3A_306 = arith.constant 16 : i32
        %add3A_307 = arith.addi %mul3A_305, %add3A_306 : i32
        %add3A_308 = arith.constant 16 : i32
        %add3A_309 = arith.addi %mul3A_145, %add3A_308 : i32
        %get3A_310 = arith.index_cast %add3A_307 : i32 to index
        %get3A_311 = tpu.vector_load %arg6[%get3A_310] {strides = array<i32>} : memref<65536xf32, #tpu.memory_space<vmem>>, vector<16xf32>,
        %get3A_312 = vector.shape_cast %get3A_311 : vector<16xf32> to vector<16xf32>
        %get3A_313 = arith.index_cast %add3A_309 : i32 to index
        %get3A_314 = tpu.vector_load %arg8[%get3A_313] {strides = array<i32>} : memref<32768xf32, #tpu.memory_space<vmem>>, vector<16xf32>,
        %get3A_315 = vector.shape_cast %get3A_314 : vector<16xf32> to vector<16xf32>
        %mul3A_316 = arith.constant 2.500000e-03 : f32
        %mul3A_317 = vector.broadcast %mul3A_316 : f32 to vector<16xf32>
        %mul3A_318 = arith.mulf %get3A_315, %mul3A_317 : vector<16xf32>
        %add3A_319 = arith.addf %get3A_312, %mul3A_318 : vector<16xf32>
        %swap3A_320 = arith.index_cast %add3A_307 : i32 to index
        %swap3A_321 = tpu.vector_load %arg6[%swap3A_320] {strides = array<i32>} : memref<65536xf32, #tpu.memory_space<vmem>>, vector<16xf32>,
        %swap3A_322 = vector.shape_cast %swap3A_321 : vector<16xf32> to vector<16xf32>
        %swap3A_323 = vector.shape_cast %add3A_319 : vector<16xf32> to vector<16xf32>
        tpu.vector_store %arg6[%swap3A_320], %swap3A_323 {strides = array<i32>} : memref<65536xf32, #tpu.memory_space<vmem>>, vector<16xf32>,
        %mul3A_324 = arith.constant 64 : i32
        %mul3A_325 = arith.muli %sub3A_134, %mul3A_324 : i32
        %add3A_326 = arith.constant 32 : i32
        %add3A_327 = arith.addi %mul3A_325, %add3A_326 : i32
        %add3A_328 = arith.constant 32 : i32
        %add3A_329 = arith.addi %mul3A_145, %add3A_328 : i32
        %get3A_330 = arith.index_cast %add3A_327 : i32 to index
        %get3A_331 = tpu.vector_load %arg6[%get3A_330] {strides = array<i32>} : memref<65536xf32, #tpu.memory_space<vmem>>, vector<16xf32>,
        %get3A_332 = vector.shape_cast %get3A_331 : vector<16xf32> to vector<16xf32>
        %get3A_333 = arith.index_cast %add3A_329 : i32 to index
        %get3A_334 = tpu.vector_load %arg8[%get3A_333] {strides = array<i32>} : memref<32768xf32, #tpu.memory_space<vmem>>, vector<16xf32>,
        %get3A_335 = vector.shape_cast %get3A_334 : vector<16xf32> to vector<16xf32>
        %mul3A_336 = arith.constant 2.500000e-03 : f32
        %mul3A_337 = vector.broadcast %mul3A_336 : f32 to vector<16xf32>
        %mul3A_338 = arith.mulf %get3A_335, %mul3A_337 : vector<16xf32>
        %add3A_339 = arith.addf %get3A_332, %mul3A_338 : vector<16xf32>
        %swap3A_340 = arith.index_cast %add3A_327 : i32 to index
        %swap3A_341 = tpu.vector_load %arg6[%swap3A_340] {strides = array<i32>} : memref<65536xf32, #tpu.memory_space<vmem>>, vector<16xf32>,
        %swap3A_342 = vector.shape_cast %swap3A_341 : vector<16xf32> to vector<16xf32>
        %swap3A_343 = vector.shape_cast %add3A_339 : vector<16xf32> to vector<16xf32>
        tpu.vector_store %arg6[%swap3A_340], %swap3A_343 {strides = array<i32>} : memref<65536xf32, #tpu.memory_space<vmem>>, vector<16xf32>,
        %mul3A_344 = arith.constant 64 : i32
        %mul3A_345 = arith.muli %sub3A_134, %mul3A_344 : i32
        %add3A_346 = arith.constant 48 : i32
        %add3A_347 = arith.addi %mul3A_345, %add3A_346 : i32
        %add3A_348 = arith.constant 48 : i32
        %add3A_349 = arith.addi %mul3A_145, %add3A_348 : i32
        %get3A_350 = arith.index_cast %add3A_347 : i32 to index
        %get3A_351 = tpu.vector_load %arg6[%get3A_350] {strides = array<i32>} : memref<65536xf32, #tpu.memory_space<vmem>>, vector<16xf32>,
        %get3A_352 = vector.shape_cast %get3A_351 : vector<16xf32> to vector<16xf32>
        %get3A_353 = arith.index_cast %add3A_349 : i32 to index
        %get3A_354 = tpu.vector_load %arg8[%get3A_353] {strides = array<i32>} : memref<32768xf32, #tpu.memory_space<vmem>>, vector<16xf32>,
        %get3A_355 = vector.shape_cast %get3A_354 : vector<16xf32> to vector<16xf32>
        %mul3A_356 = arith.constant 2.500000e-03 : f32
        %mul3A_357 = vector.broadcast %mul3A_356 : f32 to vector<16xf32>
        %mul3A_358 = arith.mulf %get3A_355, %mul3A_357 : vector<16xf32>
        %add3A_359 = arith.addf %get3A_352, %mul3A_358 : vector<16xf32>
        %swap3A_360 = arith.index_cast %add3A_347 : i32 to index
        %swap3A_361 = tpu.vector_load %arg6[%swap3A_360] {strides = array<i32>} : memref<65536xf32, #tpu.memory_space<vmem>>, vector<16xf32>,
        %swap3A_362 = vector.shape_cast %swap3A_361 : vector<16xf32> to vector<16xf32>
        %swap3A_363 = vector.shape_cast %add3A_359 : vector<16xf32> to vector<16xf32>
        tpu.vector_store %arg6[%swap3A_360], %swap3A_363 {strides = array<i32>} : memref<65536xf32, #tpu.memory_space<vmem>>, vector<16xf32>,
      } else {
      }
      %slice3A_149 = vector.extract_strided_slice %get3A_20 {offsets = [8], sizes = [1], strides = [1]} : vector<16xi32> to vector<1xi32>
      %squeeze3A_150 = vector.extract %slice3A_149[0] : i32 from vector<1xi32>
      %sub3A_151 = arith.subi %squeeze3A_150, %mul3A_9 : i32
      %ge3A_152 = arith.constant 0 : i32
      %ge3A_153 = arith.cmpi sge, %sub3A_151, %ge3A_152 : i32
      %lt3A_154 = arith.constant 1024 : i32
      %lt3A_155 = arith.cmpi slt, %sub3A_151, %lt3A_154 : i32
      %and3A_156 = arith.andi %ge3A_153, %lt3A_155 : i1
      %mul3A_157 = arith.constant 16 : i32
      %mul3A_158 = arith.muli %scan3A_16, %mul3A_157 : i32
      %add3A_159 = arith.constant 8 : i32
      %add3A_160 = arith.addi %mul3A_158, %add3A_159 : i32
      %mul3A_161 = arith.constant 64 : i32
      %mul3A_162 = arith.muli %add3A_160, %mul3A_161 : i32
      %convert_element_type3A_163 = arith.extui %and3A_156 : i1 to i32
      %cond3A_164 = arith.constant 0 : i32
      %cond3A_165 = arith.cmpi ne, %convert_element_type3A_163, %cond3A_164 : i32
      scf.if %cond3A_165 {
        %mul3A_285 = arith.constant 64 : i32
        %mul3A_286 = arith.muli %sub3A_151, %mul3A_285 : i32
        %add3A_287 = arith.constant 0 : i32
        %add3A_288 = arith.addi %mul3A_286, %add3A_287 : i32
        %add3A_289 = arith.constant 0 : i32
        %add3A_290 = arith.addi %mul3A_162, %add3A_289 : i32
        %get3A_291 = arith.index_cast %add3A_288 : i32 to index
        %get3A_292 = tpu.vector_load %arg6[%get3A_291] {strides = array<i32>} : memref<65536xf32, #tpu.memory_space<vmem>>, vector<16xf32>,
        %get3A_293 = vector.shape_cast %get3A_292 : vector<16xf32> to vector<16xf32>
        %get3A_294 = arith.index_cast %add3A_290 : i32 to index
        %get3A_295 = tpu.vector_load %arg8[%get3A_294] {strides = array<i32>} : memref<32768xf32, #tpu.memory_space<vmem>>, vector<16xf32>,
        %get3A_296 = vector.shape_cast %get3A_295 : vector<16xf32> to vector<16xf32>
        %mul3A_297 = arith.constant 2.500000e-03 : f32
        %mul3A_298 = vector.broadcast %mul3A_297 : f32 to vector<16xf32>
        %mul3A_299 = arith.mulf %get3A_296, %mul3A_298 : vector<16xf32>
        %add3A_300 = arith.addf %get3A_293, %mul3A_299 : vector<16xf32>
        %swap3A = arith.index_cast %add3A_288 : i32 to index
        %swap3A_301 = tpu.vector_load %arg6[%swap3A] {strides = array<i32>} : memref<65536xf32, #tpu.memory_space<vmem>>, vector<16xf32>,
        %swap3A_302 = vector.shape_cast %swap3A_301 : vector<16xf32> to vector<16xf32>
        %swap3A_303 = vector.shape_cast %add3A_300 : vector<16xf32> to vector<16xf32>
        tpu.vector_store %arg6[%swap3A], %swap3A_303 {strides = array<i32>} : memref<65536xf32, #tpu.memory_space<vmem>>, vector<16xf32>,
        %mul3A_304 = arith.constant 64 : i32
        %mul3A_305 = arith.muli %sub3A_151, %mul3A_304 : i32
        %add3A_306 = arith.constant 16 : i32
        %add3A_307 = arith.addi %mul3A_305, %add3A_306 : i32
        %add3A_308 = arith.constant 16 : i32
        %add3A_309 = arith.addi %mul3A_162, %add3A_308 : i32
        %get3A_310 = arith.index_cast %add3A_307 : i32 to index
        %get3A_311 = tpu.vector_load %arg6[%get3A_310] {strides = array<i32>} : memref<65536xf32, #tpu.memory_space<vmem>>, vector<16xf32>,
        %get3A_312 = vector.shape_cast %get3A_311 : vector<16xf32> to vector<16xf32>
        %get3A_313 = arith.index_cast %add3A_309 : i32 to index
        %get3A_314 = tpu.vector_load %arg8[%get3A_313] {strides = array<i32>} : memref<32768xf32, #tpu.memory_space<vmem>>, vector<16xf32>,
        %get3A_315 = vector.shape_cast %get3A_314 : vector<16xf32> to vector<16xf32>
        %mul3A_316 = arith.constant 2.500000e-03 : f32
        %mul3A_317 = vector.broadcast %mul3A_316 : f32 to vector<16xf32>
        %mul3A_318 = arith.mulf %get3A_315, %mul3A_317 : vector<16xf32>
        %add3A_319 = arith.addf %get3A_312, %mul3A_318 : vector<16xf32>
        %swap3A_320 = arith.index_cast %add3A_307 : i32 to index
        %swap3A_321 = tpu.vector_load %arg6[%swap3A_320] {strides = array<i32>} : memref<65536xf32, #tpu.memory_space<vmem>>, vector<16xf32>,
        %swap3A_322 = vector.shape_cast %swap3A_321 : vector<16xf32> to vector<16xf32>
        %swap3A_323 = vector.shape_cast %add3A_319 : vector<16xf32> to vector<16xf32>
        tpu.vector_store %arg6[%swap3A_320], %swap3A_323 {strides = array<i32>} : memref<65536xf32, #tpu.memory_space<vmem>>, vector<16xf32>,
        %mul3A_324 = arith.constant 64 : i32
        %mul3A_325 = arith.muli %sub3A_151, %mul3A_324 : i32
        %add3A_326 = arith.constant 32 : i32
        %add3A_327 = arith.addi %mul3A_325, %add3A_326 : i32
        %add3A_328 = arith.constant 32 : i32
        %add3A_329 = arith.addi %mul3A_162, %add3A_328 : i32
        %get3A_330 = arith.index_cast %add3A_327 : i32 to index
        %get3A_331 = tpu.vector_load %arg6[%get3A_330] {strides = array<i32>} : memref<65536xf32, #tpu.memory_space<vmem>>, vector<16xf32>,
        %get3A_332 = vector.shape_cast %get3A_331 : vector<16xf32> to vector<16xf32>
        %get3A_333 = arith.index_cast %add3A_329 : i32 to index
        %get3A_334 = tpu.vector_load %arg8[%get3A_333] {strides = array<i32>} : memref<32768xf32, #tpu.memory_space<vmem>>, vector<16xf32>,
        %get3A_335 = vector.shape_cast %get3A_334 : vector<16xf32> to vector<16xf32>
        %mul3A_336 = arith.constant 2.500000e-03 : f32
        %mul3A_337 = vector.broadcast %mul3A_336 : f32 to vector<16xf32>
        %mul3A_338 = arith.mulf %get3A_335, %mul3A_337 : vector<16xf32>
        %add3A_339 = arith.addf %get3A_332, %mul3A_338 : vector<16xf32>
        %swap3A_340 = arith.index_cast %add3A_327 : i32 to index
        %swap3A_341 = tpu.vector_load %arg6[%swap3A_340] {strides = array<i32>} : memref<65536xf32, #tpu.memory_space<vmem>>, vector<16xf32>,
        %swap3A_342 = vector.shape_cast %swap3A_341 : vector<16xf32> to vector<16xf32>
        %swap3A_343 = vector.shape_cast %add3A_339 : vector<16xf32> to vector<16xf32>
        tpu.vector_store %arg6[%swap3A_340], %swap3A_343 {strides = array<i32>} : memref<65536xf32, #tpu.memory_space<vmem>>, vector<16xf32>,
        %mul3A_344 = arith.constant 64 : i32
        %mul3A_345 = arith.muli %sub3A_151, %mul3A_344 : i32
        %add3A_346 = arith.constant 48 : i32
        %add3A_347 = arith.addi %mul3A_345, %add3A_346 : i32
        %add3A_348 = arith.constant 48 : i32
        %add3A_349 = arith.addi %mul3A_162, %add3A_348 : i32
        %get3A_350 = arith.index_cast %add3A_347 : i32 to index
        %get3A_351 = tpu.vector_load %arg6[%get3A_350] {strides = array<i32>} : memref<65536xf32, #tpu.memory_space<vmem>>, vector<16xf32>,
        %get3A_352 = vector.shape_cast %get3A_351 : vector<16xf32> to vector<16xf32>
        %get3A_353 = arith.index_cast %add3A_349 : i32 to index
        %get3A_354 = tpu.vector_load %arg8[%get3A_353] {strides = array<i32>} : memref<32768xf32, #tpu.memory_space<vmem>>, vector<16xf32>,
        %get3A_355 = vector.shape_cast %get3A_354 : vector<16xf32> to vector<16xf32>
        %mul3A_356 = arith.constant 2.500000e-03 : f32
        %mul3A_357 = vector.broadcast %mul3A_356 : f32 to vector<16xf32>
        %mul3A_358 = arith.mulf %get3A_355, %mul3A_357 : vector<16xf32>
        %add3A_359 = arith.addf %get3A_352, %mul3A_358 : vector<16xf32>
        %swap3A_360 = arith.index_cast %add3A_347 : i32 to index
        %swap3A_361 = tpu.vector_load %arg6[%swap3A_360] {strides = array<i32>} : memref<65536xf32, #tpu.memory_space<vmem>>, vector<16xf32>,
        %swap3A_362 = vector.shape_cast %swap3A_361 : vector<16xf32> to vector<16xf32>
        %swap3A_363 = vector.shape_cast %add3A_359 : vector<16xf32> to vector<16xf32>
        tpu.vector_store %arg6[%swap3A_360], %swap3A_363 {strides = array<i32>} : memref<65536xf32, #tpu.memory_space<vmem>>, vector<16xf32>,
      } else {
      }
      %slice3A_166 = vector.extract_strided_slice %get3A_20 {offsets = [9], sizes = [1], strides = [1]} : vector<16xi32> to vector<1xi32>
      %squeeze3A_167 = vector.extract %slice3A_166[0] : i32 from vector<1xi32>
      %sub3A_168 = arith.subi %squeeze3A_167, %mul3A_9 : i32
      %ge3A_169 = arith.constant 0 : i32
      %ge3A_170 = arith.cmpi sge, %sub3A_168, %ge3A_169 : i32
      %lt3A_171 = arith.constant 1024 : i32
      %lt3A_172 = arith.cmpi slt, %sub3A_168, %lt3A_171 : i32
      %and3A_173 = arith.andi %ge3A_170, %lt3A_172 : i1
      %mul3A_174 = arith.constant 16 : i32
      %mul3A_175 = arith.muli %scan3A_16, %mul3A_174 : i32
      %add3A_176 = arith.constant 9 : i32
      %add3A_177 = arith.addi %mul3A_175, %add3A_176 : i32
      %mul3A_178 = arith.constant 64 : i32
      %mul3A_179 = arith.muli %add3A_177, %mul3A_178 : i32
      %convert_element_type3A_180 = arith.extui %and3A_173 : i1 to i32
      %cond3A_181 = arith.constant 0 : i32
      %cond3A_182 = arith.cmpi ne, %convert_element_type3A_180, %cond3A_181 : i32
      scf.if %cond3A_182 {
        %mul3A_285 = arith.constant 64 : i32
        %mul3A_286 = arith.muli %sub3A_168, %mul3A_285 : i32
        %add3A_287 = arith.constant 0 : i32
        %add3A_288 = arith.addi %mul3A_286, %add3A_287 : i32
        %add3A_289 = arith.constant 0 : i32
        %add3A_290 = arith.addi %mul3A_179, %add3A_289 : i32
        %get3A_291 = arith.index_cast %add3A_288 : i32 to index
        %get3A_292 = tpu.vector_load %arg6[%get3A_291] {strides = array<i32>} : memref<65536xf32, #tpu.memory_space<vmem>>, vector<16xf32>,
        %get3A_293 = vector.shape_cast %get3A_292 : vector<16xf32> to vector<16xf32>
        %get3A_294 = arith.index_cast %add3A_290 : i32 to index
        %get3A_295 = tpu.vector_load %arg8[%get3A_294] {strides = array<i32>} : memref<32768xf32, #tpu.memory_space<vmem>>, vector<16xf32>,
        %get3A_296 = vector.shape_cast %get3A_295 : vector<16xf32> to vector<16xf32>
        %mul3A_297 = arith.constant 2.500000e-03 : f32
        %mul3A_298 = vector.broadcast %mul3A_297 : f32 to vector<16xf32>
        %mul3A_299 = arith.mulf %get3A_296, %mul3A_298 : vector<16xf32>
        %add3A_300 = arith.addf %get3A_293, %mul3A_299 : vector<16xf32>
        %swap3A = arith.index_cast %add3A_288 : i32 to index
        %swap3A_301 = tpu.vector_load %arg6[%swap3A] {strides = array<i32>} : memref<65536xf32, #tpu.memory_space<vmem>>, vector<16xf32>,
        %swap3A_302 = vector.shape_cast %swap3A_301 : vector<16xf32> to vector<16xf32>
        %swap3A_303 = vector.shape_cast %add3A_300 : vector<16xf32> to vector<16xf32>
        tpu.vector_store %arg6[%swap3A], %swap3A_303 {strides = array<i32>} : memref<65536xf32, #tpu.memory_space<vmem>>, vector<16xf32>,
        %mul3A_304 = arith.constant 64 : i32
        %mul3A_305 = arith.muli %sub3A_168, %mul3A_304 : i32
        %add3A_306 = arith.constant 16 : i32
        %add3A_307 = arith.addi %mul3A_305, %add3A_306 : i32
        %add3A_308 = arith.constant 16 : i32
        %add3A_309 = arith.addi %mul3A_179, %add3A_308 : i32
        %get3A_310 = arith.index_cast %add3A_307 : i32 to index
        %get3A_311 = tpu.vector_load %arg6[%get3A_310] {strides = array<i32>} : memref<65536xf32, #tpu.memory_space<vmem>>, vector<16xf32>,
        %get3A_312 = vector.shape_cast %get3A_311 : vector<16xf32> to vector<16xf32>
        %get3A_313 = arith.index_cast %add3A_309 : i32 to index
        %get3A_314 = tpu.vector_load %arg8[%get3A_313] {strides = array<i32>} : memref<32768xf32, #tpu.memory_space<vmem>>, vector<16xf32>,
        %get3A_315 = vector.shape_cast %get3A_314 : vector<16xf32> to vector<16xf32>
        %mul3A_316 = arith.constant 2.500000e-03 : f32
        %mul3A_317 = vector.broadcast %mul3A_316 : f32 to vector<16xf32>
        %mul3A_318 = arith.mulf %get3A_315, %mul3A_317 : vector<16xf32>
        %add3A_319 = arith.addf %get3A_312, %mul3A_318 : vector<16xf32>
        %swap3A_320 = arith.index_cast %add3A_307 : i32 to index
        %swap3A_321 = tpu.vector_load %arg6[%swap3A_320] {strides = array<i32>} : memref<65536xf32, #tpu.memory_space<vmem>>, vector<16xf32>,
        %swap3A_322 = vector.shape_cast %swap3A_321 : vector<16xf32> to vector<16xf32>
        %swap3A_323 = vector.shape_cast %add3A_319 : vector<16xf32> to vector<16xf32>
        tpu.vector_store %arg6[%swap3A_320], %swap3A_323 {strides = array<i32>} : memref<65536xf32, #tpu.memory_space<vmem>>, vector<16xf32>,
        %mul3A_324 = arith.constant 64 : i32
        %mul3A_325 = arith.muli %sub3A_168, %mul3A_324 : i32
        %add3A_326 = arith.constant 32 : i32
        %add3A_327 = arith.addi %mul3A_325, %add3A_326 : i32
        %add3A_328 = arith.constant 32 : i32
        %add3A_329 = arith.addi %mul3A_179, %add3A_328 : i32
        %get3A_330 = arith.index_cast %add3A_327 : i32 to index
        %get3A_331 = tpu.vector_load %arg6[%get3A_330] {strides = array<i32>} : memref<65536xf32, #tpu.memory_space<vmem>>, vector<16xf32>,
        %get3A_332 = vector.shape_cast %get3A_331 : vector<16xf32> to vector<16xf32>
        %get3A_333 = arith.index_cast %add3A_329 : i32 to index
        %get3A_334 = tpu.vector_load %arg8[%get3A_333] {strides = array<i32>} : memref<32768xf32, #tpu.memory_space<vmem>>, vector<16xf32>,
        %get3A_335 = vector.shape_cast %get3A_334 : vector<16xf32> to vector<16xf32>
        %mul3A_336 = arith.constant 2.500000e-03 : f32
        %mul3A_337 = vector.broadcast %mul3A_336 : f32 to vector<16xf32>
        %mul3A_338 = arith.mulf %get3A_335, %mul3A_337 : vector<16xf32>
        %add3A_339 = arith.addf %get3A_332, %mul3A_338 : vector<16xf32>
        %swap3A_340 = arith.index_cast %add3A_327 : i32 to index
        %swap3A_341 = tpu.vector_load %arg6[%swap3A_340] {strides = array<i32>} : memref<65536xf32, #tpu.memory_space<vmem>>, vector<16xf32>,
        %swap3A_342 = vector.shape_cast %swap3A_341 : vector<16xf32> to vector<16xf32>
        %swap3A_343 = vector.shape_cast %add3A_339 : vector<16xf32> to vector<16xf32>
        tpu.vector_store %arg6[%swap3A_340], %swap3A_343 {strides = array<i32>} : memref<65536xf32, #tpu.memory_space<vmem>>, vector<16xf32>,
        %mul3A_344 = arith.constant 64 : i32
        %mul3A_345 = arith.muli %sub3A_168, %mul3A_344 : i32
        %add3A_346 = arith.constant 48 : i32
        %add3A_347 = arith.addi %mul3A_345, %add3A_346 : i32
        %add3A_348 = arith.constant 48 : i32
        %add3A_349 = arith.addi %mul3A_179, %add3A_348 : i32
        %get3A_350 = arith.index_cast %add3A_347 : i32 to index
        %get3A_351 = tpu.vector_load %arg6[%get3A_350] {strides = array<i32>} : memref<65536xf32, #tpu.memory_space<vmem>>, vector<16xf32>,
        %get3A_352 = vector.shape_cast %get3A_351 : vector<16xf32> to vector<16xf32>
        %get3A_353 = arith.index_cast %add3A_349 : i32 to index
        %get3A_354 = tpu.vector_load %arg8[%get3A_353] {strides = array<i32>} : memref<32768xf32, #tpu.memory_space<vmem>>, vector<16xf32>,
        %get3A_355 = vector.shape_cast %get3A_354 : vector<16xf32> to vector<16xf32>
        %mul3A_356 = arith.constant 2.500000e-03 : f32
        %mul3A_357 = vector.broadcast %mul3A_356 : f32 to vector<16xf32>
        %mul3A_358 = arith.mulf %get3A_355, %mul3A_357 : vector<16xf32>
        %add3A_359 = arith.addf %get3A_352, %mul3A_358 : vector<16xf32>
        %swap3A_360 = arith.index_cast %add3A_347 : i32 to index
        %swap3A_361 = tpu.vector_load %arg6[%swap3A_360] {strides = array<i32>} : memref<65536xf32, #tpu.memory_space<vmem>>, vector<16xf32>,
        %swap3A_362 = vector.shape_cast %swap3A_361 : vector<16xf32> to vector<16xf32>
        %swap3A_363 = vector.shape_cast %add3A_359 : vector<16xf32> to vector<16xf32>
        tpu.vector_store %arg6[%swap3A_360], %swap3A_363 {strides = array<i32>} : memref<65536xf32, #tpu.memory_space<vmem>>, vector<16xf32>,
      } else {
      }
      %slice3A_183 = vector.extract_strided_slice %get3A_20 {offsets = [10], sizes = [1], strides = [1]} : vector<16xi32> to vector<1xi32>
      %squeeze3A_184 = vector.extract %slice3A_183[0] : i32 from vector<1xi32>
      %sub3A_185 = arith.subi %squeeze3A_184, %mul3A_9 : i32
      %ge3A_186 = arith.constant 0 : i32
      %ge3A_187 = arith.cmpi sge, %sub3A_185, %ge3A_186 : i32
      %lt3A_188 = arith.constant 1024 : i32
      %lt3A_189 = arith.cmpi slt, %sub3A_185, %lt3A_188 : i32
      %and3A_190 = arith.andi %ge3A_187, %lt3A_189 : i1
      %mul3A_191 = arith.constant 16 : i32
      %mul3A_192 = arith.muli %scan3A_16, %mul3A_191 : i32
      %add3A_193 = arith.constant 10 : i32
      %add3A_194 = arith.addi %mul3A_192, %add3A_193 : i32
      %mul3A_195 = arith.constant 64 : i32
      %mul3A_196 = arith.muli %add3A_194, %mul3A_195 : i32
      %convert_element_type3A_197 = arith.extui %and3A_190 : i1 to i32
      %cond3A_198 = arith.constant 0 : i32
      %cond3A_199 = arith.cmpi ne, %convert_element_type3A_197, %cond3A_198 : i32
      scf.if %cond3A_199 {
        %mul3A_285 = arith.constant 64 : i32
        %mul3A_286 = arith.muli %sub3A_185, %mul3A_285 : i32
        %add3A_287 = arith.constant 0 : i32
        %add3A_288 = arith.addi %mul3A_286, %add3A_287 : i32
        %add3A_289 = arith.constant 0 : i32
        %add3A_290 = arith.addi %mul3A_196, %add3A_289 : i32
        %get3A_291 = arith.index_cast %add3A_288 : i32 to index
        %get3A_292 = tpu.vector_load %arg6[%get3A_291] {strides = array<i32>} : memref<65536xf32, #tpu.memory_space<vmem>>, vector<16xf32>,
        %get3A_293 = vector.shape_cast %get3A_292 : vector<16xf32> to vector<16xf32>
        %get3A_294 = arith.index_cast %add3A_290 : i32 to index
        %get3A_295 = tpu.vector_load %arg8[%get3A_294] {strides = array<i32>} : memref<32768xf32, #tpu.memory_space<vmem>>, vector<16xf32>,
        %get3A_296 = vector.shape_cast %get3A_295 : vector<16xf32> to vector<16xf32>
        %mul3A_297 = arith.constant 2.500000e-03 : f32
        %mul3A_298 = vector.broadcast %mul3A_297 : f32 to vector<16xf32>
        %mul3A_299 = arith.mulf %get3A_296, %mul3A_298 : vector<16xf32>
        %add3A_300 = arith.addf %get3A_293, %mul3A_299 : vector<16xf32>
        %swap3A = arith.index_cast %add3A_288 : i32 to index
        %swap3A_301 = tpu.vector_load %arg6[%swap3A] {strides = array<i32>} : memref<65536xf32, #tpu.memory_space<vmem>>, vector<16xf32>,
        %swap3A_302 = vector.shape_cast %swap3A_301 : vector<16xf32> to vector<16xf32>
        %swap3A_303 = vector.shape_cast %add3A_300 : vector<16xf32> to vector<16xf32>
        tpu.vector_store %arg6[%swap3A], %swap3A_303 {strides = array<i32>} : memref<65536xf32, #tpu.memory_space<vmem>>, vector<16xf32>,
        %mul3A_304 = arith.constant 64 : i32
        %mul3A_305 = arith.muli %sub3A_185, %mul3A_304 : i32
        %add3A_306 = arith.constant 16 : i32
        %add3A_307 = arith.addi %mul3A_305, %add3A_306 : i32
        %add3A_308 = arith.constant 16 : i32
        %add3A_309 = arith.addi %mul3A_196, %add3A_308 : i32
        %get3A_310 = arith.index_cast %add3A_307 : i32 to index
        %get3A_311 = tpu.vector_load %arg6[%get3A_310] {strides = array<i32>} : memref<65536xf32, #tpu.memory_space<vmem>>, vector<16xf32>,
        %get3A_312 = vector.shape_cast %get3A_311 : vector<16xf32> to vector<16xf32>
        %get3A_313 = arith.index_cast %add3A_309 : i32 to index
        %get3A_314 = tpu.vector_load %arg8[%get3A_313] {strides = array<i32>} : memref<32768xf32, #tpu.memory_space<vmem>>, vector<16xf32>,
        %get3A_315 = vector.shape_cast %get3A_314 : vector<16xf32> to vector<16xf32>
        %mul3A_316 = arith.constant 2.500000e-03 : f32
        %mul3A_317 = vector.broadcast %mul3A_316 : f32 to vector<16xf32>
        %mul3A_318 = arith.mulf %get3A_315, %mul3A_317 : vector<16xf32>
        %add3A_319 = arith.addf %get3A_312, %mul3A_318 : vector<16xf32>
        %swap3A_320 = arith.index_cast %add3A_307 : i32 to index
        %swap3A_321 = tpu.vector_load %arg6[%swap3A_320] {strides = array<i32>} : memref<65536xf32, #tpu.memory_space<vmem>>, vector<16xf32>,
        %swap3A_322 = vector.shape_cast %swap3A_321 : vector<16xf32> to vector<16xf32>
        %swap3A_323 = vector.shape_cast %add3A_319 : vector<16xf32> to vector<16xf32>
        tpu.vector_store %arg6[%swap3A_320], %swap3A_323 {strides = array<i32>} : memref<65536xf32, #tpu.memory_space<vmem>>, vector<16xf32>,
        %mul3A_324 = arith.constant 64 : i32
        %mul3A_325 = arith.muli %sub3A_185, %mul3A_324 : i32
        %add3A_326 = arith.constant 32 : i32
        %add3A_327 = arith.addi %mul3A_325, %add3A_326 : i32
        %add3A_328 = arith.constant 32 : i32
        %add3A_329 = arith.addi %mul3A_196, %add3A_328 : i32
        %get3A_330 = arith.index_cast %add3A_327 : i32 to index
        %get3A_331 = tpu.vector_load %arg6[%get3A_330] {strides = array<i32>} : memref<65536xf32, #tpu.memory_space<vmem>>, vector<16xf32>,
        %get3A_332 = vector.shape_cast %get3A_331 : vector<16xf32> to vector<16xf32>
        %get3A_333 = arith.index_cast %add3A_329 : i32 to index
        %get3A_334 = tpu.vector_load %arg8[%get3A_333] {strides = array<i32>} : memref<32768xf32, #tpu.memory_space<vmem>>, vector<16xf32>,
        %get3A_335 = vector.shape_cast %get3A_334 : vector<16xf32> to vector<16xf32>
        %mul3A_336 = arith.constant 2.500000e-03 : f32
        %mul3A_337 = vector.broadcast %mul3A_336 : f32 to vector<16xf32>
        %mul3A_338 = arith.mulf %get3A_335, %mul3A_337 : vector<16xf32>
        %add3A_339 = arith.addf %get3A_332, %mul3A_338 : vector<16xf32>
        %swap3A_340 = arith.index_cast %add3A_327 : i32 to index
        %swap3A_341 = tpu.vector_load %arg6[%swap3A_340] {strides = array<i32>} : memref<65536xf32, #tpu.memory_space<vmem>>, vector<16xf32>,
        %swap3A_342 = vector.shape_cast %swap3A_341 : vector<16xf32> to vector<16xf32>
        %swap3A_343 = vector.shape_cast %add3A_339 : vector<16xf32> to vector<16xf32>
        tpu.vector_store %arg6[%swap3A_340], %swap3A_343 {strides = array<i32>} : memref<65536xf32, #tpu.memory_space<vmem>>, vector<16xf32>,
        %mul3A_344 = arith.constant 64 : i32
        %mul3A_345 = arith.muli %sub3A_185, %mul3A_344 : i32
        %add3A_346 = arith.constant 48 : i32
        %add3A_347 = arith.addi %mul3A_345, %add3A_346 : i32
        %add3A_348 = arith.constant 48 : i32
        %add3A_349 = arith.addi %mul3A_196, %add3A_348 : i32
        %get3A_350 = arith.index_cast %add3A_347 : i32 to index
        %get3A_351 = tpu.vector_load %arg6[%get3A_350] {strides = array<i32>} : memref<65536xf32, #tpu.memory_space<vmem>>, vector<16xf32>,
        %get3A_352 = vector.shape_cast %get3A_351 : vector<16xf32> to vector<16xf32>
        %get3A_353 = arith.index_cast %add3A_349 : i32 to index
        %get3A_354 = tpu.vector_load %arg8[%get3A_353] {strides = array<i32>} : memref<32768xf32, #tpu.memory_space<vmem>>, vector<16xf32>,
        %get3A_355 = vector.shape_cast %get3A_354 : vector<16xf32> to vector<16xf32>
        %mul3A_356 = arith.constant 2.500000e-03 : f32
        %mul3A_357 = vector.broadcast %mul3A_356 : f32 to vector<16xf32>
        %mul3A_358 = arith.mulf %get3A_355, %mul3A_357 : vector<16xf32>
        %add3A_359 = arith.addf %get3A_352, %mul3A_358 : vector<16xf32>
        %swap3A_360 = arith.index_cast %add3A_347 : i32 to index
        %swap3A_361 = tpu.vector_load %arg6[%swap3A_360] {strides = array<i32>} : memref<65536xf32, #tpu.memory_space<vmem>>, vector<16xf32>,
        %swap3A_362 = vector.shape_cast %swap3A_361 : vector<16xf32> to vector<16xf32>
        %swap3A_363 = vector.shape_cast %add3A_359 : vector<16xf32> to vector<16xf32>
        tpu.vector_store %arg6[%swap3A_360], %swap3A_363 {strides = array<i32>} : memref<65536xf32, #tpu.memory_space<vmem>>, vector<16xf32>,
      } else {
      }
      %slice3A_200 = vector.extract_strided_slice %get3A_20 {offsets = [11], sizes = [1], strides = [1]} : vector<16xi32> to vector<1xi32>
      %squeeze3A_201 = vector.extract %slice3A_200[0] : i32 from vector<1xi32>
      %sub3A_202 = arith.subi %squeeze3A_201, %mul3A_9 : i32
      %ge3A_203 = arith.constant 0 : i32
      %ge3A_204 = arith.cmpi sge, %sub3A_202, %ge3A_203 : i32
      %lt3A_205 = arith.constant 1024 : i32
      %lt3A_206 = arith.cmpi slt, %sub3A_202, %lt3A_205 : i32
      %and3A_207 = arith.andi %ge3A_204, %lt3A_206 : i1
      %mul3A_208 = arith.constant 16 : i32
      %mul3A_209 = arith.muli %scan3A_16, %mul3A_208 : i32
      %add3A_210 = arith.constant 11 : i32
      %add3A_211 = arith.addi %mul3A_209, %add3A_210 : i32
      %mul3A_212 = arith.constant 64 : i32
      %mul3A_213 = arith.muli %add3A_211, %mul3A_212 : i32
      %convert_element_type3A_214 = arith.extui %and3A_207 : i1 to i32
      %cond3A_215 = arith.constant 0 : i32
      %cond3A_216 = arith.cmpi ne, %convert_element_type3A_214, %cond3A_215 : i32
      scf.if %cond3A_216 {
        %mul3A_285 = arith.constant 64 : i32
        %mul3A_286 = arith.muli %sub3A_202, %mul3A_285 : i32
        %add3A_287 = arith.constant 0 : i32
        %add3A_288 = arith.addi %mul3A_286, %add3A_287 : i32
        %add3A_289 = arith.constant 0 : i32
        %add3A_290 = arith.addi %mul3A_213, %add3A_289 : i32
        %get3A_291 = arith.index_cast %add3A_288 : i32 to index
        %get3A_292 = tpu.vector_load %arg6[%get3A_291] {strides = array<i32>} : memref<65536xf32, #tpu.memory_space<vmem>>, vector<16xf32>,
        %get3A_293 = vector.shape_cast %get3A_292 : vector<16xf32> to vector<16xf32>
        %get3A_294 = arith.index_cast %add3A_290 : i32 to index
        %get3A_295 = tpu.vector_load %arg8[%get3A_294] {strides = array<i32>} : memref<32768xf32, #tpu.memory_space<vmem>>, vector<16xf32>,
        %get3A_296 = vector.shape_cast %get3A_295 : vector<16xf32> to vector<16xf32>
        %mul3A_297 = arith.constant 2.500000e-03 : f32
        %mul3A_298 = vector.broadcast %mul3A_297 : f32 to vector<16xf32>
        %mul3A_299 = arith.mulf %get3A_296, %mul3A_298 : vector<16xf32>
        %add3A_300 = arith.addf %get3A_293, %mul3A_299 : vector<16xf32>
        %swap3A = arith.index_cast %add3A_288 : i32 to index
        %swap3A_301 = tpu.vector_load %arg6[%swap3A] {strides = array<i32>} : memref<65536xf32, #tpu.memory_space<vmem>>, vector<16xf32>,
        %swap3A_302 = vector.shape_cast %swap3A_301 : vector<16xf32> to vector<16xf32>
        %swap3A_303 = vector.shape_cast %add3A_300 : vector<16xf32> to vector<16xf32>
        tpu.vector_store %arg6[%swap3A], %swap3A_303 {strides = array<i32>} : memref<65536xf32, #tpu.memory_space<vmem>>, vector<16xf32>,
        %mul3A_304 = arith.constant 64 : i32
        %mul3A_305 = arith.muli %sub3A_202, %mul3A_304 : i32
        %add3A_306 = arith.constant 16 : i32
        %add3A_307 = arith.addi %mul3A_305, %add3A_306 : i32
        %add3A_308 = arith.constant 16 : i32
        %add3A_309 = arith.addi %mul3A_213, %add3A_308 : i32
        %get3A_310 = arith.index_cast %add3A_307 : i32 to index
        %get3A_311 = tpu.vector_load %arg6[%get3A_310] {strides = array<i32>} : memref<65536xf32, #tpu.memory_space<vmem>>, vector<16xf32>,
        %get3A_312 = vector.shape_cast %get3A_311 : vector<16xf32> to vector<16xf32>
        %get3A_313 = arith.index_cast %add3A_309 : i32 to index
        %get3A_314 = tpu.vector_load %arg8[%get3A_313] {strides = array<i32>} : memref<32768xf32, #tpu.memory_space<vmem>>, vector<16xf32>,
        %get3A_315 = vector.shape_cast %get3A_314 : vector<16xf32> to vector<16xf32>
        %mul3A_316 = arith.constant 2.500000e-03 : f32
        %mul3A_317 = vector.broadcast %mul3A_316 : f32 to vector<16xf32>
        %mul3A_318 = arith.mulf %get3A_315, %mul3A_317 : vector<16xf32>
        %add3A_319 = arith.addf %get3A_312, %mul3A_318 : vector<16xf32>
        %swap3A_320 = arith.index_cast %add3A_307 : i32 to index
        %swap3A_321 = tpu.vector_load %arg6[%swap3A_320] {strides = array<i32>} : memref<65536xf32, #tpu.memory_space<vmem>>, vector<16xf32>,
        %swap3A_322 = vector.shape_cast %swap3A_321 : vector<16xf32> to vector<16xf32>
        %swap3A_323 = vector.shape_cast %add3A_319 : vector<16xf32> to vector<16xf32>
        tpu.vector_store %arg6[%swap3A_320], %swap3A_323 {strides = array<i32>} : memref<65536xf32, #tpu.memory_space<vmem>>, vector<16xf32>,
        %mul3A_324 = arith.constant 64 : i32
        %mul3A_325 = arith.muli %sub3A_202, %mul3A_324 : i32
        %add3A_326 = arith.constant 32 : i32
        %add3A_327 = arith.addi %mul3A_325, %add3A_326 : i32
        %add3A_328 = arith.constant 32 : i32
        %add3A_329 = arith.addi %mul3A_213, %add3A_328 : i32
        %get3A_330 = arith.index_cast %add3A_327 : i32 to index
        %get3A_331 = tpu.vector_load %arg6[%get3A_330] {strides = array<i32>} : memref<65536xf32, #tpu.memory_space<vmem>>, vector<16xf32>,
        %get3A_332 = vector.shape_cast %get3A_331 : vector<16xf32> to vector<16xf32>
        %get3A_333 = arith.index_cast %add3A_329 : i32 to index
        %get3A_334 = tpu.vector_load %arg8[%get3A_333] {strides = array<i32>} : memref<32768xf32, #tpu.memory_space<vmem>>, vector<16xf32>,
        %get3A_335 = vector.shape_cast %get3A_334 : vector<16xf32> to vector<16xf32>
        %mul3A_336 = arith.constant 2.500000e-03 : f32
        %mul3A_337 = vector.broadcast %mul3A_336 : f32 to vector<16xf32>
        %mul3A_338 = arith.mulf %get3A_335, %mul3A_337 : vector<16xf32>
        %add3A_339 = arith.addf %get3A_332, %mul3A_338 : vector<16xf32>
        %swap3A_340 = arith.index_cast %add3A_327 : i32 to index
        %swap3A_341 = tpu.vector_load %arg6[%swap3A_340] {strides = array<i32>} : memref<65536xf32, #tpu.memory_space<vmem>>, vector<16xf32>,
        %swap3A_342 = vector.shape_cast %swap3A_341 : vector<16xf32> to vector<16xf32>
        %swap3A_343 = vector.shape_cast %add3A_339 : vector<16xf32> to vector<16xf32>
        tpu.vector_store %arg6[%swap3A_340], %swap3A_343 {strides = array<i32>} : memref<65536xf32, #tpu.memory_space<vmem>>, vector<16xf32>,
        %mul3A_344 = arith.constant 64 : i32
        %mul3A_345 = arith.muli %sub3A_202, %mul3A_344 : i32
        %add3A_346 = arith.constant 48 : i32
        %add3A_347 = arith.addi %mul3A_345, %add3A_346 : i32
        %add3A_348 = arith.constant 48 : i32
        %add3A_349 = arith.addi %mul3A_213, %add3A_348 : i32
        %get3A_350 = arith.index_cast %add3A_347 : i32 to index
        %get3A_351 = tpu.vector_load %arg6[%get3A_350] {strides = array<i32>} : memref<65536xf32, #tpu.memory_space<vmem>>, vector<16xf32>,
        %get3A_352 = vector.shape_cast %get3A_351 : vector<16xf32> to vector<16xf32>
        %get3A_353 = arith.index_cast %add3A_349 : i32 to index
        %get3A_354 = tpu.vector_load %arg8[%get3A_353] {strides = array<i32>} : memref<32768xf32, #tpu.memory_space<vmem>>, vector<16xf32>,
        %get3A_355 = vector.shape_cast %get3A_354 : vector<16xf32> to vector<16xf32>
        %mul3A_356 = arith.constant 2.500000e-03 : f32
        %mul3A_357 = vector.broadcast %mul3A_356 : f32 to vector<16xf32>
        %mul3A_358 = arith.mulf %get3A_355, %mul3A_357 : vector<16xf32>
        %add3A_359 = arith.addf %get3A_352, %mul3A_358 : vector<16xf32>
        %swap3A_360 = arith.index_cast %add3A_347 : i32 to index
        %swap3A_361 = tpu.vector_load %arg6[%swap3A_360] {strides = array<i32>} : memref<65536xf32, #tpu.memory_space<vmem>>, vector<16xf32>,
        %swap3A_362 = vector.shape_cast %swap3A_361 : vector<16xf32> to vector<16xf32>
        %swap3A_363 = vector.shape_cast %add3A_359 : vector<16xf32> to vector<16xf32>
        tpu.vector_store %arg6[%swap3A_360], %swap3A_363 {strides = array<i32>} : memref<65536xf32, #tpu.memory_space<vmem>>, vector<16xf32>,
      } else {
      }
      %slice3A_217 = vector.extract_strided_slice %get3A_20 {offsets = [12], sizes = [1], strides = [1]} : vector<16xi32> to vector<1xi32>
      %squeeze3A_218 = vector.extract %slice3A_217[0] : i32 from vector<1xi32>
      %sub3A_219 = arith.subi %squeeze3A_218, %mul3A_9 : i32
      %ge3A_220 = arith.constant 0 : i32
      %ge3A_221 = arith.cmpi sge, %sub3A_219, %ge3A_220 : i32
      %lt3A_222 = arith.constant 1024 : i32
      %lt3A_223 = arith.cmpi slt, %sub3A_219, %lt3A_222 : i32
      %and3A_224 = arith.andi %ge3A_221, %lt3A_223 : i1
      %mul3A_225 = arith.constant 16 : i32
      %mul3A_226 = arith.muli %scan3A_16, %mul3A_225 : i32
      %add3A_227 = arith.constant 12 : i32
      %add3A_228 = arith.addi %mul3A_226, %add3A_227 : i32
      %mul3A_229 = arith.constant 64 : i32
      %mul3A_230 = arith.muli %add3A_228, %mul3A_229 : i32
      %convert_element_type3A_231 = arith.extui %and3A_224 : i1 to i32
      %cond3A_232 = arith.constant 0 : i32
      %cond3A_233 = arith.cmpi ne, %convert_element_type3A_231, %cond3A_232 : i32
      scf.if %cond3A_233 {
        %mul3A_285 = arith.constant 64 : i32
        %mul3A_286 = arith.muli %sub3A_219, %mul3A_285 : i32
        %add3A_287 = arith.constant 0 : i32
        %add3A_288 = arith.addi %mul3A_286, %add3A_287 : i32
        %add3A_289 = arith.constant 0 : i32
        %add3A_290 = arith.addi %mul3A_230, %add3A_289 : i32
        %get3A_291 = arith.index_cast %add3A_288 : i32 to index
        %get3A_292 = tpu.vector_load %arg6[%get3A_291] {strides = array<i32>} : memref<65536xf32, #tpu.memory_space<vmem>>, vector<16xf32>,
        %get3A_293 = vector.shape_cast %get3A_292 : vector<16xf32> to vector<16xf32>
        %get3A_294 = arith.index_cast %add3A_290 : i32 to index
        %get3A_295 = tpu.vector_load %arg8[%get3A_294] {strides = array<i32>} : memref<32768xf32, #tpu.memory_space<vmem>>, vector<16xf32>,
        %get3A_296 = vector.shape_cast %get3A_295 : vector<16xf32> to vector<16xf32>
        %mul3A_297 = arith.constant 2.500000e-03 : f32
        %mul3A_298 = vector.broadcast %mul3A_297 : f32 to vector<16xf32>
        %mul3A_299 = arith.mulf %get3A_296, %mul3A_298 : vector<16xf32>
        %add3A_300 = arith.addf %get3A_293, %mul3A_299 : vector<16xf32>
        %swap3A = arith.index_cast %add3A_288 : i32 to index
        %swap3A_301 = tpu.vector_load %arg6[%swap3A] {strides = array<i32>} : memref<65536xf32, #tpu.memory_space<vmem>>, vector<16xf32>,
        %swap3A_302 = vector.shape_cast %swap3A_301 : vector<16xf32> to vector<16xf32>
        %swap3A_303 = vector.shape_cast %add3A_300 : vector<16xf32> to vector<16xf32>
        tpu.vector_store %arg6[%swap3A], %swap3A_303 {strides = array<i32>} : memref<65536xf32, #tpu.memory_space<vmem>>, vector<16xf32>,
        %mul3A_304 = arith.constant 64 : i32
        %mul3A_305 = arith.muli %sub3A_219, %mul3A_304 : i32
        %add3A_306 = arith.constant 16 : i32
        %add3A_307 = arith.addi %mul3A_305, %add3A_306 : i32
        %add3A_308 = arith.constant 16 : i32
        %add3A_309 = arith.addi %mul3A_230, %add3A_308 : i32
        %get3A_310 = arith.index_cast %add3A_307 : i32 to index
        %get3A_311 = tpu.vector_load %arg6[%get3A_310] {strides = array<i32>} : memref<65536xf32, #tpu.memory_space<vmem>>, vector<16xf32>,
        %get3A_312 = vector.shape_cast %get3A_311 : vector<16xf32> to vector<16xf32>
        %get3A_313 = arith.index_cast %add3A_309 : i32 to index
        %get3A_314 = tpu.vector_load %arg8[%get3A_313] {strides = array<i32>} : memref<32768xf32, #tpu.memory_space<vmem>>, vector<16xf32>,
        %get3A_315 = vector.shape_cast %get3A_314 : vector<16xf32> to vector<16xf32>
        %mul3A_316 = arith.constant 2.500000e-03 : f32
        %mul3A_317 = vector.broadcast %mul3A_316 : f32 to vector<16xf32>
        %mul3A_318 = arith.mulf %get3A_315, %mul3A_317 : vector<16xf32>
        %add3A_319 = arith.addf %get3A_312, %mul3A_318 : vector<16xf32>
        %swap3A_320 = arith.index_cast %add3A_307 : i32 to index
        %swap3A_321 = tpu.vector_load %arg6[%swap3A_320] {strides = array<i32>} : memref<65536xf32, #tpu.memory_space<vmem>>, vector<16xf32>,
        %swap3A_322 = vector.shape_cast %swap3A_321 : vector<16xf32> to vector<16xf32>
        %swap3A_323 = vector.shape_cast %add3A_319 : vector<16xf32> to vector<16xf32>
        tpu.vector_store %arg6[%swap3A_320], %swap3A_323 {strides = array<i32>} : memref<65536xf32, #tpu.memory_space<vmem>>, vector<16xf32>,
        %mul3A_324 = arith.constant 64 : i32
        %mul3A_325 = arith.muli %sub3A_219, %mul3A_324 : i32
        %add3A_326 = arith.constant 32 : i32
        %add3A_327 = arith.addi %mul3A_325, %add3A_326 : i32
        %add3A_328 = arith.constant 32 : i32
        %add3A_329 = arith.addi %mul3A_230, %add3A_328 : i32
        %get3A_330 = arith.index_cast %add3A_327 : i32 to index
        %get3A_331 = tpu.vector_load %arg6[%get3A_330] {strides = array<i32>} : memref<65536xf32, #tpu.memory_space<vmem>>, vector<16xf32>,
        %get3A_332 = vector.shape_cast %get3A_331 : vector<16xf32> to vector<16xf32>
        %get3A_333 = arith.index_cast %add3A_329 : i32 to index
        %get3A_334 = tpu.vector_load %arg8[%get3A_333] {strides = array<i32>} : memref<32768xf32, #tpu.memory_space<vmem>>, vector<16xf32>,
        %get3A_335 = vector.shape_cast %get3A_334 : vector<16xf32> to vector<16xf32>
        %mul3A_336 = arith.constant 2.500000e-03 : f32
        %mul3A_337 = vector.broadcast %mul3A_336 : f32 to vector<16xf32>
        %mul3A_338 = arith.mulf %get3A_335, %mul3A_337 : vector<16xf32>
        %add3A_339 = arith.addf %get3A_332, %mul3A_338 : vector<16xf32>
        %swap3A_340 = arith.index_cast %add3A_327 : i32 to index
        %swap3A_341 = tpu.vector_load %arg6[%swap3A_340] {strides = array<i32>} : memref<65536xf32, #tpu.memory_space<vmem>>, vector<16xf32>,
        %swap3A_342 = vector.shape_cast %swap3A_341 : vector<16xf32> to vector<16xf32>
        %swap3A_343 = vector.shape_cast %add3A_339 : vector<16xf32> to vector<16xf32>
        tpu.vector_store %arg6[%swap3A_340], %swap3A_343 {strides = array<i32>} : memref<65536xf32, #tpu.memory_space<vmem>>, vector<16xf32>,
        %mul3A_344 = arith.constant 64 : i32
        %mul3A_345 = arith.muli %sub3A_219, %mul3A_344 : i32
        %add3A_346 = arith.constant 48 : i32
        %add3A_347 = arith.addi %mul3A_345, %add3A_346 : i32
        %add3A_348 = arith.constant 48 : i32
        %add3A_349 = arith.addi %mul3A_230, %add3A_348 : i32
        %get3A_350 = arith.index_cast %add3A_347 : i32 to index
        %get3A_351 = tpu.vector_load %arg6[%get3A_350] {strides = array<i32>} : memref<65536xf32, #tpu.memory_space<vmem>>, vector<16xf32>,
        %get3A_352 = vector.shape_cast %get3A_351 : vector<16xf32> to vector<16xf32>
        %get3A_353 = arith.index_cast %add3A_349 : i32 to index
        %get3A_354 = tpu.vector_load %arg8[%get3A_353] {strides = array<i32>} : memref<32768xf32, #tpu.memory_space<vmem>>, vector<16xf32>,
        %get3A_355 = vector.shape_cast %get3A_354 : vector<16xf32> to vector<16xf32>
        %mul3A_356 = arith.constant 2.500000e-03 : f32
        %mul3A_357 = vector.broadcast %mul3A_356 : f32 to vector<16xf32>
        %mul3A_358 = arith.mulf %get3A_355, %mul3A_357 : vector<16xf32>
        %add3A_359 = arith.addf %get3A_352, %mul3A_358 : vector<16xf32>
        %swap3A_360 = arith.index_cast %add3A_347 : i32 to index
        %swap3A_361 = tpu.vector_load %arg6[%swap3A_360] {strides = array<i32>} : memref<65536xf32, #tpu.memory_space<vmem>>, vector<16xf32>,
        %swap3A_362 = vector.shape_cast %swap3A_361 : vector<16xf32> to vector<16xf32>
        %swap3A_363 = vector.shape_cast %add3A_359 : vector<16xf32> to vector<16xf32>
        tpu.vector_store %arg6[%swap3A_360], %swap3A_363 {strides = array<i32>} : memref<65536xf32, #tpu.memory_space<vmem>>, vector<16xf32>,
      } else {
      }
      %slice3A_234 = vector.extract_strided_slice %get3A_20 {offsets = [13], sizes = [1], strides = [1]} : vector<16xi32> to vector<1xi32>
      %squeeze3A_235 = vector.extract %slice3A_234[0] : i32 from vector<1xi32>
      %sub3A_236 = arith.subi %squeeze3A_235, %mul3A_9 : i32
      %ge3A_237 = arith.constant 0 : i32
      %ge3A_238 = arith.cmpi sge, %sub3A_236, %ge3A_237 : i32
      %lt3A_239 = arith.constant 1024 : i32
      %lt3A_240 = arith.cmpi slt, %sub3A_236, %lt3A_239 : i32
      %and3A_241 = arith.andi %ge3A_238, %lt3A_240 : i1
      %mul3A_242 = arith.constant 16 : i32
      %mul3A_243 = arith.muli %scan3A_16, %mul3A_242 : i32
      %add3A_244 = arith.constant 13 : i32
      %add3A_245 = arith.addi %mul3A_243, %add3A_244 : i32
      %mul3A_246 = arith.constant 64 : i32
      %mul3A_247 = arith.muli %add3A_245, %mul3A_246 : i32
      %convert_element_type3A_248 = arith.extui %and3A_241 : i1 to i32
      %cond3A_249 = arith.constant 0 : i32
      %cond3A_250 = arith.cmpi ne, %convert_element_type3A_248, %cond3A_249 : i32
      scf.if %cond3A_250 {
        %mul3A_285 = arith.constant 64 : i32
        %mul3A_286 = arith.muli %sub3A_236, %mul3A_285 : i32
        %add3A_287 = arith.constant 0 : i32
        %add3A_288 = arith.addi %mul3A_286, %add3A_287 : i32
        %add3A_289 = arith.constant 0 : i32
        %add3A_290 = arith.addi %mul3A_247, %add3A_289 : i32
        %get3A_291 = arith.index_cast %add3A_288 : i32 to index
        %get3A_292 = tpu.vector_load %arg6[%get3A_291] {strides = array<i32>} : memref<65536xf32, #tpu.memory_space<vmem>>, vector<16xf32>,
        %get3A_293 = vector.shape_cast %get3A_292 : vector<16xf32> to vector<16xf32>
        %get3A_294 = arith.index_cast %add3A_290 : i32 to index
        %get3A_295 = tpu.vector_load %arg8[%get3A_294] {strides = array<i32>} : memref<32768xf32, #tpu.memory_space<vmem>>, vector<16xf32>,
        %get3A_296 = vector.shape_cast %get3A_295 : vector<16xf32> to vector<16xf32>
        %mul3A_297 = arith.constant 2.500000e-03 : f32
        %mul3A_298 = vector.broadcast %mul3A_297 : f32 to vector<16xf32>
        %mul3A_299 = arith.mulf %get3A_296, %mul3A_298 : vector<16xf32>
        %add3A_300 = arith.addf %get3A_293, %mul3A_299 : vector<16xf32>
        %swap3A = arith.index_cast %add3A_288 : i32 to index
        %swap3A_301 = tpu.vector_load %arg6[%swap3A] {strides = array<i32>} : memref<65536xf32, #tpu.memory_space<vmem>>, vector<16xf32>,
        %swap3A_302 = vector.shape_cast %swap3A_301 : vector<16xf32> to vector<16xf32>
        %swap3A_303 = vector.shape_cast %add3A_300 : vector<16xf32> to vector<16xf32>
        tpu.vector_store %arg6[%swap3A], %swap3A_303 {strides = array<i32>} : memref<65536xf32, #tpu.memory_space<vmem>>, vector<16xf32>,
        %mul3A_304 = arith.constant 64 : i32
        %mul3A_305 = arith.muli %sub3A_236, %mul3A_304 : i32
        %add3A_306 = arith.constant 16 : i32
        %add3A_307 = arith.addi %mul3A_305, %add3A_306 : i32
        %add3A_308 = arith.constant 16 : i32
        %add3A_309 = arith.addi %mul3A_247, %add3A_308 : i32
        %get3A_310 = arith.index_cast %add3A_307 : i32 to index
        %get3A_311 = tpu.vector_load %arg6[%get3A_310] {strides = array<i32>} : memref<65536xf32, #tpu.memory_space<vmem>>, vector<16xf32>,
        %get3A_312 = vector.shape_cast %get3A_311 : vector<16xf32> to vector<16xf32>
        %get3A_313 = arith.index_cast %add3A_309 : i32 to index
        %get3A_314 = tpu.vector_load %arg8[%get3A_313] {strides = array<i32>} : memref<32768xf32, #tpu.memory_space<vmem>>, vector<16xf32>,
        %get3A_315 = vector.shape_cast %get3A_314 : vector<16xf32> to vector<16xf32>
        %mul3A_316 = arith.constant 2.500000e-03 : f32
        %mul3A_317 = vector.broadcast %mul3A_316 : f32 to vector<16xf32>
        %mul3A_318 = arith.mulf %get3A_315, %mul3A_317 : vector<16xf32>
        %add3A_319 = arith.addf %get3A_312, %mul3A_318 : vector<16xf32>
        %swap3A_320 = arith.index_cast %add3A_307 : i32 to index
        %swap3A_321 = tpu.vector_load %arg6[%swap3A_320] {strides = array<i32>} : memref<65536xf32, #tpu.memory_space<vmem>>, vector<16xf32>,
        %swap3A_322 = vector.shape_cast %swap3A_321 : vector<16xf32> to vector<16xf32>
        %swap3A_323 = vector.shape_cast %add3A_319 : vector<16xf32> to vector<16xf32>
        tpu.vector_store %arg6[%swap3A_320], %swap3A_323 {strides = array<i32>} : memref<65536xf32, #tpu.memory_space<vmem>>, vector<16xf32>,
        %mul3A_324 = arith.constant 64 : i32
        %mul3A_325 = arith.muli %sub3A_236, %mul3A_324 : i32
        %add3A_326 = arith.constant 32 : i32
        %add3A_327 = arith.addi %mul3A_325, %add3A_326 : i32
        %add3A_328 = arith.constant 32 : i32
        %add3A_329 = arith.addi %mul3A_247, %add3A_328 : i32
        %get3A_330 = arith.index_cast %add3A_327 : i32 to index
        %get3A_331 = tpu.vector_load %arg6[%get3A_330] {strides = array<i32>} : memref<65536xf32, #tpu.memory_space<vmem>>, vector<16xf32>,
        %get3A_332 = vector.shape_cast %get3A_331 : vector<16xf32> to vector<16xf32>
        %get3A_333 = arith.index_cast %add3A_329 : i32 to index
        %get3A_334 = tpu.vector_load %arg8[%get3A_333] {strides = array<i32>} : memref<32768xf32, #tpu.memory_space<vmem>>, vector<16xf32>,
        %get3A_335 = vector.shape_cast %get3A_334 : vector<16xf32> to vector<16xf32>
        %mul3A_336 = arith.constant 2.500000e-03 : f32
        %mul3A_337 = vector.broadcast %mul3A_336 : f32 to vector<16xf32>
        %mul3A_338 = arith.mulf %get3A_335, %mul3A_337 : vector<16xf32>
        %add3A_339 = arith.addf %get3A_332, %mul3A_338 : vector<16xf32>
        %swap3A_340 = arith.index_cast %add3A_327 : i32 to index
        %swap3A_341 = tpu.vector_load %arg6[%swap3A_340] {strides = array<i32>} : memref<65536xf32, #tpu.memory_space<vmem>>, vector<16xf32>,
        %swap3A_342 = vector.shape_cast %swap3A_341 : vector<16xf32> to vector<16xf32>
        %swap3A_343 = vector.shape_cast %add3A_339 : vector<16xf32> to vector<16xf32>
        tpu.vector_store %arg6[%swap3A_340], %swap3A_343 {strides = array<i32>} : memref<65536xf32, #tpu.memory_space<vmem>>, vector<16xf32>,
        %mul3A_344 = arith.constant 64 : i32
        %mul3A_345 = arith.muli %sub3A_236, %mul3A_344 : i32
        %add3A_346 = arith.constant 48 : i32
        %add3A_347 = arith.addi %mul3A_345, %add3A_346 : i32
        %add3A_348 = arith.constant 48 : i32
        %add3A_349 = arith.addi %mul3A_247, %add3A_348 : i32
        %get3A_350 = arith.index_cast %add3A_347 : i32 to index
        %get3A_351 = tpu.vector_load %arg6[%get3A_350] {strides = array<i32>} : memref<65536xf32, #tpu.memory_space<vmem>>, vector<16xf32>,
        %get3A_352 = vector.shape_cast %get3A_351 : vector<16xf32> to vector<16xf32>
        %get3A_353 = arith.index_cast %add3A_349 : i32 to index
        %get3A_354 = tpu.vector_load %arg8[%get3A_353] {strides = array<i32>} : memref<32768xf32, #tpu.memory_space<vmem>>, vector<16xf32>,
        %get3A_355 = vector.shape_cast %get3A_354 : vector<16xf32> to vector<16xf32>
        %mul3A_356 = arith.constant 2.500000e-03 : f32
        %mul3A_357 = vector.broadcast %mul3A_356 : f32 to vector<16xf32>
        %mul3A_358 = arith.mulf %get3A_355, %mul3A_357 : vector<16xf32>
        %add3A_359 = arith.addf %get3A_352, %mul3A_358 : vector<16xf32>
        %swap3A_360 = arith.index_cast %add3A_347 : i32 to index
        %swap3A_361 = tpu.vector_load %arg6[%swap3A_360] {strides = array<i32>} : memref<65536xf32, #tpu.memory_space<vmem>>, vector<16xf32>,
        %swap3A_362 = vector.shape_cast %swap3A_361 : vector<16xf32> to vector<16xf32>
        %swap3A_363 = vector.shape_cast %add3A_359 : vector<16xf32> to vector<16xf32>
        tpu.vector_store %arg6[%swap3A_360], %swap3A_363 {strides = array<i32>} : memref<65536xf32, #tpu.memory_space<vmem>>, vector<16xf32>,
      } else {
      }
      %slice3A_251 = vector.extract_strided_slice %get3A_20 {offsets = [14], sizes = [1], strides = [1]} : vector<16xi32> to vector<1xi32>
      %squeeze3A_252 = vector.extract %slice3A_251[0] : i32 from vector<1xi32>
      %sub3A_253 = arith.subi %squeeze3A_252, %mul3A_9 : i32
      %ge3A_254 = arith.constant 0 : i32
      %ge3A_255 = arith.cmpi sge, %sub3A_253, %ge3A_254 : i32
      %lt3A_256 = arith.constant 1024 : i32
      %lt3A_257 = arith.cmpi slt, %sub3A_253, %lt3A_256 : i32
      %and3A_258 = arith.andi %ge3A_255, %lt3A_257 : i1
      %mul3A_259 = arith.constant 16 : i32
      %mul3A_260 = arith.muli %scan3A_16, %mul3A_259 : i32
      %add3A_261 = arith.constant 14 : i32
      %add3A_262 = arith.addi %mul3A_260, %add3A_261 : i32
      %mul3A_263 = arith.constant 64 : i32
      %mul3A_264 = arith.muli %add3A_262, %mul3A_263 : i32
      %convert_element_type3A_265 = arith.extui %and3A_258 : i1 to i32
      %cond3A_266 = arith.constant 0 : i32
      %cond3A_267 = arith.cmpi ne, %convert_element_type3A_265, %cond3A_266 : i32
      scf.if %cond3A_267 {
        %mul3A_285 = arith.constant 64 : i32
        %mul3A_286 = arith.muli %sub3A_253, %mul3A_285 : i32
        %add3A_287 = arith.constant 0 : i32
        %add3A_288 = arith.addi %mul3A_286, %add3A_287 : i32
        %add3A_289 = arith.constant 0 : i32
        %add3A_290 = arith.addi %mul3A_264, %add3A_289 : i32
        %get3A_291 = arith.index_cast %add3A_288 : i32 to index
        %get3A_292 = tpu.vector_load %arg6[%get3A_291] {strides = array<i32>} : memref<65536xf32, #tpu.memory_space<vmem>>, vector<16xf32>,
        %get3A_293 = vector.shape_cast %get3A_292 : vector<16xf32> to vector<16xf32>
        %get3A_294 = arith.index_cast %add3A_290 : i32 to index
        %get3A_295 = tpu.vector_load %arg8[%get3A_294] {strides = array<i32>} : memref<32768xf32, #tpu.memory_space<vmem>>, vector<16xf32>,
        %get3A_296 = vector.shape_cast %get3A_295 : vector<16xf32> to vector<16xf32>
        %mul3A_297 = arith.constant 2.500000e-03 : f32
        %mul3A_298 = vector.broadcast %mul3A_297 : f32 to vector<16xf32>
        %mul3A_299 = arith.mulf %get3A_296, %mul3A_298 : vector<16xf32>
        %add3A_300 = arith.addf %get3A_293, %mul3A_299 : vector<16xf32>
        %swap3A = arith.index_cast %add3A_288 : i32 to index
        %swap3A_301 = tpu.vector_load %arg6[%swap3A] {strides = array<i32>} : memref<65536xf32, #tpu.memory_space<vmem>>, vector<16xf32>,
        %swap3A_302 = vector.shape_cast %swap3A_301 : vector<16xf32> to vector<16xf32>
        %swap3A_303 = vector.shape_cast %add3A_300 : vector<16xf32> to vector<16xf32>
        tpu.vector_store %arg6[%swap3A], %swap3A_303 {strides = array<i32>} : memref<65536xf32, #tpu.memory_space<vmem>>, vector<16xf32>,
        %mul3A_304 = arith.constant 64 : i32
        %mul3A_305 = arith.muli %sub3A_253, %mul3A_304 : i32
        %add3A_306 = arith.constant 16 : i32
        %add3A_307 = arith.addi %mul3A_305, %add3A_306 : i32
        %add3A_308 = arith.constant 16 : i32
        %add3A_309 = arith.addi %mul3A_264, %add3A_308 : i32
        %get3A_310 = arith.index_cast %add3A_307 : i32 to index
        %get3A_311 = tpu.vector_load %arg6[%get3A_310] {strides = array<i32>} : memref<65536xf32, #tpu.memory_space<vmem>>, vector<16xf32>,
        %get3A_312 = vector.shape_cast %get3A_311 : vector<16xf32> to vector<16xf32>
        %get3A_313 = arith.index_cast %add3A_309 : i32 to index
        %get3A_314 = tpu.vector_load %arg8[%get3A_313] {strides = array<i32>} : memref<32768xf32, #tpu.memory_space<vmem>>, vector<16xf32>,
        %get3A_315 = vector.shape_cast %get3A_314 : vector<16xf32> to vector<16xf32>
        %mul3A_316 = arith.constant 2.500000e-03 : f32
        %mul3A_317 = vector.broadcast %mul3A_316 : f32 to vector<16xf32>
        %mul3A_318 = arith.mulf %get3A_315, %mul3A_317 : vector<16xf32>
        %add3A_319 = arith.addf %get3A_312, %mul3A_318 : vector<16xf32>
        %swap3A_320 = arith.index_cast %add3A_307 : i32 to index
        %swap3A_321 = tpu.vector_load %arg6[%swap3A_320] {strides = array<i32>} : memref<65536xf32, #tpu.memory_space<vmem>>, vector<16xf32>,
        %swap3A_322 = vector.shape_cast %swap3A_321 : vector<16xf32> to vector<16xf32>
        %swap3A_323 = vector.shape_cast %add3A_319 : vector<16xf32> to vector<16xf32>
        tpu.vector_store %arg6[%swap3A_320], %swap3A_323 {strides = array<i32>} : memref<65536xf32, #tpu.memory_space<vmem>>, vector<16xf32>,
        %mul3A_324 = arith.constant 64 : i32
        %mul3A_325 = arith.muli %sub3A_253, %mul3A_324 : i32
        %add3A_326 = arith.constant 32 : i32
        %add3A_327 = arith.addi %mul3A_325, %add3A_326 : i32
        %add3A_328 = arith.constant 32 : i32
        %add3A_329 = arith.addi %mul3A_264, %add3A_328 : i32
        %get3A_330 = arith.index_cast %add3A_327 : i32 to index
        %get3A_331 = tpu.vector_load %arg6[%get3A_330] {strides = array<i32>} : memref<65536xf32, #tpu.memory_space<vmem>>, vector<16xf32>,
        %get3A_332 = vector.shape_cast %get3A_331 : vector<16xf32> to vector<16xf32>
        %get3A_333 = arith.index_cast %add3A_329 : i32 to index
        %get3A_334 = tpu.vector_load %arg8[%get3A_333] {strides = array<i32>} : memref<32768xf32, #tpu.memory_space<vmem>>, vector<16xf32>,
        %get3A_335 = vector.shape_cast %get3A_334 : vector<16xf32> to vector<16xf32>
        %mul3A_336 = arith.constant 2.500000e-03 : f32
        %mul3A_337 = vector.broadcast %mul3A_336 : f32 to vector<16xf32>
        %mul3A_338 = arith.mulf %get3A_335, %mul3A_337 : vector<16xf32>
        %add3A_339 = arith.addf %get3A_332, %mul3A_338 : vector<16xf32>
        %swap3A_340 = arith.index_cast %add3A_327 : i32 to index
        %swap3A_341 = tpu.vector_load %arg6[%swap3A_340] {strides = array<i32>} : memref<65536xf32, #tpu.memory_space<vmem>>, vector<16xf32>,
        %swap3A_342 = vector.shape_cast %swap3A_341 : vector<16xf32> to vector<16xf32>
        %swap3A_343 = vector.shape_cast %add3A_339 : vector<16xf32> to vector<16xf32>
        tpu.vector_store %arg6[%swap3A_340], %swap3A_343 {strides = array<i32>} : memref<65536xf32, #tpu.memory_space<vmem>>, vector<16xf32>,
        %mul3A_344 = arith.constant 64 : i32
        %mul3A_345 = arith.muli %sub3A_253, %mul3A_344 : i32
        %add3A_346 = arith.constant 48 : i32
        %add3A_347 = arith.addi %mul3A_345, %add3A_346 : i32
        %add3A_348 = arith.constant 48 : i32
        %add3A_349 = arith.addi %mul3A_264, %add3A_348 : i32
        %get3A_350 = arith.index_cast %add3A_347 : i32 to index
        %get3A_351 = tpu.vector_load %arg6[%get3A_350] {strides = array<i32>} : memref<65536xf32, #tpu.memory_space<vmem>>, vector<16xf32>,
        %get3A_352 = vector.shape_cast %get3A_351 : vector<16xf32> to vector<16xf32>
        %get3A_353 = arith.index_cast %add3A_349 : i32 to index
        %get3A_354 = tpu.vector_load %arg8[%get3A_353] {strides = array<i32>} : memref<32768xf32, #tpu.memory_space<vmem>>, vector<16xf32>,
        %get3A_355 = vector.shape_cast %get3A_354 : vector<16xf32> to vector<16xf32>
        %mul3A_356 = arith.constant 2.500000e-03 : f32
        %mul3A_357 = vector.broadcast %mul3A_356 : f32 to vector<16xf32>
        %mul3A_358 = arith.mulf %get3A_355, %mul3A_357 : vector<16xf32>
        %add3A_359 = arith.addf %get3A_352, %mul3A_358 : vector<16xf32>
        %swap3A_360 = arith.index_cast %add3A_347 : i32 to index
        %swap3A_361 = tpu.vector_load %arg6[%swap3A_360] {strides = array<i32>} : memref<65536xf32, #tpu.memory_space<vmem>>, vector<16xf32>,
        %swap3A_362 = vector.shape_cast %swap3A_361 : vector<16xf32> to vector<16xf32>
        %swap3A_363 = vector.shape_cast %add3A_359 : vector<16xf32> to vector<16xf32>
        tpu.vector_store %arg6[%swap3A_360], %swap3A_363 {strides = array<i32>} : memref<65536xf32, #tpu.memory_space<vmem>>, vector<16xf32>,
      } else {
      }
      %slice3A_268 = vector.extract_strided_slice %get3A_20 {offsets = [15], sizes = [1], strides = [1]} : vector<16xi32> to vector<1xi32>
      %squeeze3A_269 = vector.extract %slice3A_268[0] : i32 from vector<1xi32>
      %sub3A_270 = arith.subi %squeeze3A_269, %mul3A_9 : i32
      %ge3A_271 = arith.constant 0 : i32
      %ge3A_272 = arith.cmpi sge, %sub3A_270, %ge3A_271 : i32
      %lt3A_273 = arith.constant 1024 : i32
      %lt3A_274 = arith.cmpi slt, %sub3A_270, %lt3A_273 : i32
      %and3A_275 = arith.andi %ge3A_272, %lt3A_274 : i1
      %mul3A_276 = arith.constant 16 : i32
      %mul3A_277 = arith.muli %scan3A_16, %mul3A_276 : i32
      %add3A_278 = arith.constant 15 : i32
      %add3A_279 = arith.addi %mul3A_277, %add3A_278 : i32
      %mul3A_280 = arith.constant 64 : i32
      %mul3A_281 = arith.muli %add3A_279, %mul3A_280 : i32
      %convert_element_type3A_282 = arith.extui %and3A_275 : i1 to i32
      %cond3A_283 = arith.constant 0 : i32
      %cond3A_284 = arith.cmpi ne, %convert_element_type3A_282, %cond3A_283 : i32
      scf.if %cond3A_284 {
        %mul3A_285 = arith.constant 64 : i32
        %mul3A_286 = arith.muli %sub3A_270, %mul3A_285 : i32
        %add3A_287 = arith.constant 0 : i32
        %add3A_288 = arith.addi %mul3A_286, %add3A_287 : i32
        %add3A_289 = arith.constant 0 : i32
        %add3A_290 = arith.addi %mul3A_281, %add3A_289 : i32
        %get3A_291 = arith.index_cast %add3A_288 : i32 to index
        %get3A_292 = tpu.vector_load %arg6[%get3A_291] {strides = array<i32>} : memref<65536xf32, #tpu.memory_space<vmem>>, vector<16xf32>,
        %get3A_293 = vector.shape_cast %get3A_292 : vector<16xf32> to vector<16xf32>
        %get3A_294 = arith.index_cast %add3A_290 : i32 to index
        %get3A_295 = tpu.vector_load %arg8[%get3A_294] {strides = array<i32>} : memref<32768xf32, #tpu.memory_space<vmem>>, vector<16xf32>,
        %get3A_296 = vector.shape_cast %get3A_295 : vector<16xf32> to vector<16xf32>
        %mul3A_297 = arith.constant 2.500000e-03 : f32
        %mul3A_298 = vector.broadcast %mul3A_297 : f32 to vector<16xf32>
        %mul3A_299 = arith.mulf %get3A_296, %mul3A_298 : vector<16xf32>
        %add3A_300 = arith.addf %get3A_293, %mul3A_299 : vector<16xf32>
        %swap3A = arith.index_cast %add3A_288 : i32 to index
        %swap3A_301 = tpu.vector_load %arg6[%swap3A] {strides = array<i32>} : memref<65536xf32, #tpu.memory_space<vmem>>, vector<16xf32>,
        %swap3A_302 = vector.shape_cast %swap3A_301 : vector<16xf32> to vector<16xf32>
        %swap3A_303 = vector.shape_cast %add3A_300 : vector<16xf32> to vector<16xf32>
        tpu.vector_store %arg6[%swap3A], %swap3A_303 {strides = array<i32>} : memref<65536xf32, #tpu.memory_space<vmem>>, vector<16xf32>,
        %mul3A_304 = arith.constant 64 : i32
        %mul3A_305 = arith.muli %sub3A_270, %mul3A_304 : i32
        %add3A_306 = arith.constant 16 : i32
        %add3A_307 = arith.addi %mul3A_305, %add3A_306 : i32
        %add3A_308 = arith.constant 16 : i32
        %add3A_309 = arith.addi %mul3A_281, %add3A_308 : i32
        %get3A_310 = arith.index_cast %add3A_307 : i32 to index
        %get3A_311 = tpu.vector_load %arg6[%get3A_310] {strides = array<i32>} : memref<65536xf32, #tpu.memory_space<vmem>>, vector<16xf32>,
        %get3A_312 = vector.shape_cast %get3A_311 : vector<16xf32> to vector<16xf32>
        %get3A_313 = arith.index_cast %add3A_309 : i32 to index
        %get3A_314 = tpu.vector_load %arg8[%get3A_313] {strides = array<i32>} : memref<32768xf32, #tpu.memory_space<vmem>>, vector<16xf32>,
        %get3A_315 = vector.shape_cast %get3A_314 : vector<16xf32> to vector<16xf32>
        %mul3A_316 = arith.constant 2.500000e-03 : f32
        %mul3A_317 = vector.broadcast %mul3A_316 : f32 to vector<16xf32>
        %mul3A_318 = arith.mulf %get3A_315, %mul3A_317 : vector<16xf32>
        %add3A_319 = arith.addf %get3A_312, %mul3A_318 : vector<16xf32>
        %swap3A_320 = arith.index_cast %add3A_307 : i32 to index
        %swap3A_321 = tpu.vector_load %arg6[%swap3A_320] {strides = array<i32>} : memref<65536xf32, #tpu.memory_space<vmem>>, vector<16xf32>,
        %swap3A_322 = vector.shape_cast %swap3A_321 : vector<16xf32> to vector<16xf32>
        %swap3A_323 = vector.shape_cast %add3A_319 : vector<16xf32> to vector<16xf32>
        tpu.vector_store %arg6[%swap3A_320], %swap3A_323 {strides = array<i32>} : memref<65536xf32, #tpu.memory_space<vmem>>, vector<16xf32>,
        %mul3A_324 = arith.constant 64 : i32
        %mul3A_325 = arith.muli %sub3A_270, %mul3A_324 : i32
        %add3A_326 = arith.constant 32 : i32
        %add3A_327 = arith.addi %mul3A_325, %add3A_326 : i32
        %add3A_328 = arith.constant 32 : i32
        %add3A_329 = arith.addi %mul3A_281, %add3A_328 : i32
        %get3A_330 = arith.index_cast %add3A_327 : i32 to index
        %get3A_331 = tpu.vector_load %arg6[%get3A_330] {strides = array<i32>} : memref<65536xf32, #tpu.memory_space<vmem>>, vector<16xf32>,
        %get3A_332 = vector.shape_cast %get3A_331 : vector<16xf32> to vector<16xf32>
        %get3A_333 = arith.index_cast %add3A_329 : i32 to index
        %get3A_334 = tpu.vector_load %arg8[%get3A_333] {strides = array<i32>} : memref<32768xf32, #tpu.memory_space<vmem>>, vector<16xf32>,
        %get3A_335 = vector.shape_cast %get3A_334 : vector<16xf32> to vector<16xf32>
        %mul3A_336 = arith.constant 2.500000e-03 : f32
        %mul3A_337 = vector.broadcast %mul3A_336 : f32 to vector<16xf32>
        %mul3A_338 = arith.mulf %get3A_335, %mul3A_337 : vector<16xf32>
        %add3A_339 = arith.addf %get3A_332, %mul3A_338 : vector<16xf32>
        %swap3A_340 = arith.index_cast %add3A_327 : i32 to index
        %swap3A_341 = tpu.vector_load %arg6[%swap3A_340] {strides = array<i32>} : memref<65536xf32, #tpu.memory_space<vmem>>, vector<16xf32>,
        %swap3A_342 = vector.shape_cast %swap3A_341 : vector<16xf32> to vector<16xf32>
        %swap3A_343 = vector.shape_cast %add3A_339 : vector<16xf32> to vector<16xf32>
        tpu.vector_store %arg6[%swap3A_340], %swap3A_343 {strides = array<i32>} : memref<65536xf32, #tpu.memory_space<vmem>>, vector<16xf32>,
        %mul3A_344 = arith.constant 64 : i32
        %mul3A_345 = arith.muli %sub3A_270, %mul3A_344 : i32
        %add3A_346 = arith.constant 48 : i32
        %add3A_347 = arith.addi %mul3A_345, %add3A_346 : i32
        %add3A_348 = arith.constant 48 : i32
        %add3A_349 = arith.addi %mul3A_281, %add3A_348 : i32
        %get3A_350 = arith.index_cast %add3A_347 : i32 to index
        %get3A_351 = tpu.vector_load %arg6[%get3A_350] {strides = array<i32>} : memref<65536xf32, #tpu.memory_space<vmem>>, vector<16xf32>,
        %get3A_352 = vector.shape_cast %get3A_351 : vector<16xf32> to vector<16xf32>
        %get3A_353 = arith.index_cast %add3A_349 : i32 to index
        %get3A_354 = tpu.vector_load %arg8[%get3A_353] {strides = array<i32>} : memref<32768xf32, #tpu.memory_space<vmem>>, vector<16xf32>,
        %get3A_355 = vector.shape_cast %get3A_354 : vector<16xf32> to vector<16xf32>
        %mul3A_356 = arith.constant 2.500000e-03 : f32
        %mul3A_357 = vector.broadcast %mul3A_356 : f32 to vector<16xf32>
        %mul3A_358 = arith.mulf %get3A_355, %mul3A_357 : vector<16xf32>
        %add3A_359 = arith.addf %get3A_352, %mul3A_358 : vector<16xf32>
        %swap3A_360 = arith.index_cast %add3A_347 : i32 to index
        %swap3A_361 = tpu.vector_load %arg6[%swap3A_360] {strides = array<i32>} : memref<65536xf32, #tpu.memory_space<vmem>>, vector<16xf32>,
        %swap3A_362 = vector.shape_cast %swap3A_361 : vector<16xf32> to vector<16xf32>
        %swap3A_363 = vector.shape_cast %add3A_359 : vector<16xf32> to vector<16xf32>
        tpu.vector_store %arg6[%swap3A_360], %swap3A_363 {strides = array<i32>} : memref<65536xf32, #tpu.memory_space<vmem>>, vector<16xf32>,
      } else {
      }
    }
    %scan3A_15 = arith.constant 32 : i32
    "tpu.region"() ({
      %run_scoped3A = tpu.sem_alloc : memref<!tpu.dma_semaphore, #tpu.memory_space<semaphore_mem>>
      %dma_start3A = tpu.memref_slice %arg5[%mul3A_2] : memref<2097152xf32, #tpu.memory_space<hbm>> -> memref<65536xf32, #tpu.memory_space<hbm>>
      %dma_start3A_16 = tpu.memref_slice %arg5[%mul3A_2] : memref<2097152xf32, #tpu.memory_space<hbm>> -> memref<65536xf32, #tpu.memory_space<hbm>>
      tpu.enqueue_dma source(%arg6 : memref<65536xf32, #tpu.memory_space<vmem>>) target(%dma_start3A_16 : memref<65536xf32, #tpu.memory_space<hbm>>) target_semaphore(%run_scoped3A : memref<!tpu.dma_semaphore, #tpu.memory_space<semaphore_mem>>)
      %dma_wait3A = tpu.memref_slice %arg5[%mul3A_2] : memref<2097152xf32, #tpu.memory_space<hbm>> -> memref<65536xf32, #tpu.memory_space<hbm>>
      %dma_wait3A_17 = tpu.memref_slice %arg5[%mul3A_2] : memref<2097152xf32, #tpu.memory_space<hbm>> -> memref<65536xf32, #tpu.memory_space<hbm>>
      tpu.wait_dma2 semaphore(%run_scoped3A : memref<!tpu.dma_semaphore, #tpu.memory_space<semaphore_mem>>) src(%arg6 : memref<65536xf32, #tpu.memory_space<vmem>>) dst(%dma_wait3A_17 : memref<65536xf32, #tpu.memory_space<hbm>>)
      tpu.yield
    }) : () -> ()
    return
  }
}

module attributes {stable_mosaic.version = 14 : i64} {
  func.func @_stats_kernel(%arg0: i32, %arg1: memref<512x64xf32, #tpu.memory_space<vmem>>, %arg2: memref<2048x64xf32, #tpu.memory_space<vmem>>, %arg3: memref<512x1xf32, #tpu.memory_space<vmem>>, %arg4: memref<512x1xf32, #tpu.memory_space<vmem>>, %arg5: memref<512x1xf32, #tpu.memory_space<vmem>>, %arg6: memref<512x1xf32, #tpu.memory_space<vmem>>) attributes {dimension_semantics = [#tpu.dimension_semantics<arbitrary>], iteration_bounds = array<i64: 16>, scalar_prefetch = 0 : i64, scratch_operands = 2 : i64, tpu.core_type = #tpu.core_type<tc>, window_params = [{pipeline_mode = #tpu.pipeline_mode<synchronous>, transform_indices = @transform_0, window_bounds = array<i64: 512, 64>}, {transform_indices = @transform_1, window_bounds = array<i64: 2048, 64>}, {pipeline_mode = #tpu.pipeline_mode<synchronous>, transform_indices = @transform_2, window_bounds = array<i64: 512, 1>}, {pipeline_mode = #tpu.pipeline_mode<synchronous>, transform_indices = @transform_3, window_bounds = array<i64: 512, 1>}]} {
    %eq3A = arith.constant 0 : i32
    %eq3A_0 = arith.cmpi eq, %arg0, %eq3A : i32
    %convert_element_type3A = arith.extui %eq3A_0 : i1 to i32
    %cond3A = arith.constant 0 : i32
    %cond3A_1 = arith.cmpi ne, %convert_element_type3A, %cond3A : i32
    scf.if %cond3A_1 {
      %broadcast_in_dim3A_30 = arith.constant 0xFF800000 : f32
      %broadcast_in_dim3A_31 = vector.broadcast %broadcast_in_dim3A_30 : f32 to vector<512x1xf32>
      %swap3A_32 = arith.constant 0 : index
      %swap3A_33 = arith.constant 0 : index
      %swap3A_34 = vector.load %arg5[%swap3A_32, %swap3A_33] : memref<512x1xf32, #tpu.memory_space<vmem>>, vector<512x1xf32>
      tpu.vector_store %arg5[%swap3A_32, %swap3A_33], %broadcast_in_dim3A_31 {strides = array<i32>} : memref<512x1xf32, #tpu.memory_space<vmem>>, vector<512x1xf32>,
      %broadcast_in_dim3A_35 = arith.constant 0.000000e+00 : f32
      %broadcast_in_dim3A_36 = vector.broadcast %broadcast_in_dim3A_35 : f32 to vector<512x1xf32>
      %swap3A_37 = arith.constant 0 : index
      %swap3A_38 = arith.constant 0 : index
      %swap3A_39 = vector.load %arg6[%swap3A_37, %swap3A_38] : memref<512x1xf32, #tpu.memory_space<vmem>>, vector<512x1xf32>
      tpu.vector_store %arg6[%swap3A_37, %swap3A_38], %broadcast_in_dim3A_36 {strides = array<i32>} : memref<512x1xf32, #tpu.memory_space<vmem>>, vector<512x1xf32>,
    } else {
    }
    %get3A = arith.constant 0 : index
    %get3A_2 = arith.constant 0 : index
    %get3A_3 = vector.load %arg1[%get3A, %get3A_2] : memref<512x64xf32, #tpu.memory_space<vmem>>, vector<512x64xf32>
    %get3A_4 = arith.constant 0 : index
    %get3A_5 = arith.constant 0 : index
    %get3A_6 = vector.load %arg2[%get3A_4, %get3A_5] : memref<2048x64xf32, #tpu.memory_space<vmem>>, vector<2048x64xf32>
    %transpose3A = tpu.transpose %get3A_6, [1, 0] : vector<2048x64xf32> -> vector<64x2048xf32>
    %dot_general3A = arith.constant dense<0.000000e+00> : vector<512x2048xf32>
    %dot_general3A_7 = tpu.matmul %get3A_3, %transpose3A, %dot_general3A {dimension_numbers = #tpu.dot_dimension_numbers<[1], [0], [0], [1], [0, 0, 1, 1], [], []>, transpose_lhs_hint = false} : vector<512x64xf32>, vector<64x2048xf32>, vector<512x2048xf32> -> vector<512x2048xf32>
    %reduce_max3A = arith.constant dense<0xFF800000> : vector<512xf32>
    %reduce_max3A_8 = vector.multi_reduction <maximumf>, %dot_general3A_7, %reduce_max3A [1] : vector<512x2048xf32> to vector<512xf32>
    %broadcast_in_dim3A = vector.shape_cast %reduce_max3A_8 : vector<512xf32> to vector<512x1xf32>
    %get3A_9 = arith.constant 0 : index
    %get3A_10 = arith.constant 0 : index
    %get3A_11 = vector.load %arg5[%get3A_9, %get3A_10] : memref<512x1xf32, #tpu.memory_space<vmem>>, vector<512x1xf32>
    %max3A = arith.maximumf %get3A_11, %broadcast_in_dim3A : vector<512x1xf32>
    %get3A_12 = arith.constant 0 : index
    %get3A_13 = arith.constant 0 : index
    %get3A_14 = vector.load %arg6[%get3A_12, %get3A_13] : memref<512x1xf32, #tpu.memory_space<vmem>>, vector<512x1xf32>
    %sub3A = arith.subf %get3A_11, %max3A : vector<512x1xf32>
    %exp3A = math.exp %sub3A : vector<512x1xf32>
    %mul3A = arith.mulf %get3A_14, %exp3A : vector<512x1xf32>
    %sub3A_15 = vector.broadcast %max3A : vector<512x1xf32> to vector<512x2048xf32>
    %sub3A_16 = arith.subf %dot_general3A_7, %sub3A_15 : vector<512x2048xf32>
    %exp3A_17 = math.exp %sub3A_16 : vector<512x2048xf32>
    %reduce_sum3A = arith.constant dense<0.000000e+00> : vector<512xf32>
    %reduce_sum3A_18 = vector.multi_reduction <add>, %exp3A_17, %reduce_sum3A [1] : vector<512x2048xf32> to vector<512xf32>
    %broadcast_in_dim3A_19 = vector.shape_cast %reduce_sum3A_18 : vector<512xf32> to vector<512x1xf32>
    %add3A = arith.addf %mul3A, %broadcast_in_dim3A_19 : vector<512x1xf32>
    %swap3A = arith.constant 0 : index
    %swap3A_20 = arith.constant 0 : index
    %swap3A_21 = vector.load %arg6[%swap3A, %swap3A_20] : memref<512x1xf32, #tpu.memory_space<vmem>>, vector<512x1xf32>
    tpu.vector_store %arg6[%swap3A, %swap3A_20], %add3A {strides = array<i32>} : memref<512x1xf32, #tpu.memory_space<vmem>>, vector<512x1xf32>,
    %swap3A_22 = arith.constant 0 : index
    %swap3A_23 = arith.constant 0 : index
    %swap3A_24 = vector.load %arg5[%swap3A_22, %swap3A_23] : memref<512x1xf32, #tpu.memory_space<vmem>>, vector<512x1xf32>
    tpu.vector_store %arg5[%swap3A_22, %swap3A_23], %max3A {strides = array<i32>} : memref<512x1xf32, #tpu.memory_space<vmem>>, vector<512x1xf32>,
    %eq3A_25 = arith.constant 15 : i32
    %eq3A_26 = arith.cmpi eq, %arg0, %eq3A_25 : i32
    %convert_element_type3A_27 = arith.extui %eq3A_26 : i1 to i32
    %cond3A_28 = arith.constant 0 : i32
    %cond3A_29 = arith.cmpi ne, %convert_element_type3A_27, %cond3A_28 : i32
    scf.if %cond3A_29 {
      %get3A_30 = arith.constant 0 : index
      %get3A_31 = arith.constant 0 : index
      %get3A_32 = vector.load %arg5[%get3A_30, %get3A_31] : memref<512x1xf32, #tpu.memory_space<vmem>>, vector<512x1xf32>
      %swap3A_33 = arith.constant 0 : index
      %swap3A_34 = arith.constant 0 : index
      %swap3A_35 = vector.load %arg3[%swap3A_33, %swap3A_34] : memref<512x1xf32, #tpu.memory_space<vmem>>, vector<512x1xf32>
      tpu.vector_store %arg3[%swap3A_33, %swap3A_34], %get3A_32 {strides = array<i32>} : memref<512x1xf32, #tpu.memory_space<vmem>>, vector<512x1xf32>,
      %get3A_36 = arith.constant 0 : index
      %get3A_37 = arith.constant 0 : index
      %get3A_38 = vector.load %arg6[%get3A_36, %get3A_37] : memref<512x1xf32, #tpu.memory_space<vmem>>, vector<512x1xf32>
      %swap3A_39 = arith.constant 0 : index
      %swap3A_40 = arith.constant 0 : index
      %swap3A_41 = vector.load %arg4[%swap3A_39, %swap3A_40] : memref<512x1xf32, #tpu.memory_space<vmem>>, vector<512x1xf32>
      tpu.vector_store %arg4[%swap3A_39, %swap3A_40], %get3A_38 {strides = array<i32>} : memref<512x1xf32, #tpu.memory_space<vmem>>, vector<512x1xf32>,
    } else {
    }
    return
  }
  func.func @transform_0(%arg0: i32) -> (i32, i32) {
    %c0_i32 = arith.constant 0 : i32
    %c0_i32_0 = arith.constant 0 : i32
    %c0_i32_1 = arith.constant 0 : i32
    return %c0_i32, %c0_i32_0 : i32, i32
  }
  func.func @transform_1(%arg0: i32) -> (i32, i32) {
    %c0_i32 = arith.constant 0 : i32
    %c0_i32_0 = arith.constant 0 : i32
    return %arg0, %c0_i32 : i32, i32
  }
  func.func @transform_2(%arg0: i32) -> (i32, i32) {
    %c0_i32 = arith.constant 0 : i32
    %c0_i32_0 = arith.constant 0 : i32
    %c0_i32_1 = arith.constant 0 : i32
    return %c0_i32, %c0_i32_0 : i32, i32
  }
  func.func @transform_3(%arg0: i32) -> (i32, i32) {
    %c0_i32 = arith.constant 0 : i32
    %c0_i32_0 = arith.constant 0 : i32
    %c0_i32_1 = arith.constant 0 : i32
    return %c0_i32, %c0_i32_0 : i32, i32
  }
}

module attributes {stable_mosaic.version = 14 : i64} {
  func.func @_prio_topk_kernel(%arg0: i32, %arg1: memref<512x64xf32, #tpu.memory_space<vmem>>, %arg2: memref<2048x64xf32, #tpu.memory_space<vmem>>, %arg3: memref<512x1xf32, #tpu.memory_space<vmem>>, %arg4: memref<512x1xf32, #tpu.memory_space<vmem>>, %arg5: memref<4x16x2048xf32, #tpu.memory_space<vmem>>, %arg6: memref<4x128xi32, #tpu.memory_space<vmem>>, %arg7: memref<4x256x128xf32, #tpu.memory_space<vmem>>) attributes {dimension_semantics = [#tpu.dimension_semantics<arbitrary>], iteration_bounds = array<i64: 16>, scalar_prefetch = 0 : i64, scratch_operands = 1 : i64, tpu.core_type = #tpu.core_type<tc>, window_params = [{pipeline_mode = #tpu.pipeline_mode<synchronous>, transform_indices = @transform_0, window_bounds = array<i64: 512, 64>}, {transform_indices = @transform_1, window_bounds = array<i64: 2048, 64>}, {pipeline_mode = #tpu.pipeline_mode<synchronous>, transform_indices = @transform_2, window_bounds = array<i64: 512, 1>}, {pipeline_mode = #tpu.pipeline_mode<synchronous>, transform_indices = @transform_3, window_bounds = array<i64: 512, 1>}, {transform_indices = @transform_4, window_bounds = array<i64: 4, 16, 2048>}, {pipeline_mode = #tpu.pipeline_mode<synchronous>, transform_indices = @transform_5, window_bounds = array<i64: 4, 128>}]} {
    %get3A = arith.constant 0 : index
    %get3A_0 = arith.constant 0 : index
    %get3A_1 = vector.load %arg1[%get3A, %get3A_0] : memref<512x64xf32, #tpu.memory_space<vmem>>, vector<512x64xf32>
    %get3A_2 = arith.constant 0 : index
    %get3A_3 = arith.constant 0 : index
    %get3A_4 = vector.load %arg2[%get3A_2, %get3A_3] : memref<2048x64xf32, #tpu.memory_space<vmem>>, vector<2048x64xf32>
    %transpose3A = tpu.transpose %get3A_4, [1, 0] : vector<2048x64xf32> -> vector<64x2048xf32>
    %dot_general3A = arith.constant dense<0.000000e+00> : vector<512x2048xf32>
    %dot_general3A_5 = tpu.matmul %get3A_1, %transpose3A, %dot_general3A {dimension_numbers = #tpu.dot_dimension_numbers<[1], [0], [0], [1], [0, 0, 1, 1], [], []>, transpose_lhs_hint = false} : vector<512x64xf32>, vector<64x2048xf32>, vector<512x2048xf32> -> vector<512x2048xf32>
    %get3A_6 = arith.constant 0 : index
    %get3A_7 = arith.constant 0 : index
    %get3A_8 = vector.load %arg3[%get3A_6, %get3A_7] : memref<512x1xf32, #tpu.memory_space<vmem>>, vector<512x1xf32>
    %sub3A = vector.broadcast %get3A_8 : vector<512x1xf32> to vector<512x2048xf32>
    %sub3A_9 = arith.subf %dot_general3A_5, %sub3A : vector<512x2048xf32>
    %exp3A = math.exp %sub3A_9 : vector<512x2048xf32>
    %get3A_10 = arith.constant 0 : index
    %get3A_11 = arith.constant 0 : index
    %get3A_12 = vector.load %arg4[%get3A_10, %get3A_11] : memref<512x1xf32, #tpu.memory_space<vmem>>, vector<512x1xf32>
    %div3A = vector.broadcast %get3A_12 : vector<512x1xf32> to vector<512x2048xf32>
    %div3A_13 = arith.divf %exp3A, %div3A : vector<512x2048xf32>
    %reshape3A = vector.shape_cast %div3A_13 : vector<512x2048xf32> to vector<4x128x2048xf32>
    %reduce_sum3A = arith.constant dense<0.000000e+00> : vector<4x2048xf32>
    %reduce_sum3A_14 = vector.multi_reduction <add>, %reshape3A, %reduce_sum3A [1] : vector<4x128x2048xf32> to vector<4x2048xf32>
    %get3A_15 = arith.constant 0 : index
    %get3A_16 = arith.constant 0 : index
    %get3A_17 = arith.constant 0 : index
    %get3A_18 = vector.load %arg5[%get3A_15, %get3A_16, %get3A_17] : memref<4x16x2048xf32, #tpu.memory_space<vmem>>, vector<4x16x2048xf32>
    %reduce_sum3A_19 = arith.constant dense<0.000000e+00> : vector<4x2048xf32>
    %reduce_sum3A_20 = vector.multi_reduction <add>, %get3A_18, %reduce_sum3A_19 [1] : vector<4x16x2048xf32> to vector<4x2048xf32>
    %div3A_21 = arith.constant 1.600000e+01 : f32
    %div3A_22 = vector.broadcast %div3A_21 : f32 to vector<4x2048xf32>
    %div3A_23 = arith.divf %reduce_sum3A_20, %div3A_22 : vector<4x2048xf32>
    %mul3A = arith.constant 1.000000e-01 : f32
    %mul3A_24 = vector.broadcast %mul3A : f32 to vector<4x2048xf32>
    %mul3A_25 = arith.mulf %mul3A_24, %reduce_sum3A_14 : vector<4x2048xf32>
    %add3A = arith.addf %div3A_23, %mul3A_25 : vector<4x2048xf32>
    %reshape3A_26 = vector.shape_cast %add3A : vector<4x2048xf32> to vector<4x16x128xf32>
    %mul3A_27 = arith.constant 16 : i32
    %mul3A_28 = arith.muli %arg0, %mul3A_27 : i32
    %swap3A = arith.constant 0 : index
    %swap3A_29 = arith.index_cast %mul3A_28 : i32 to index
    %swap3A_30 = arith.constant 0 : index
    %swap3A_31 = vector.load %arg7[%swap3A, %swap3A_29, %swap3A_30] : memref<4x256x128xf32, #tpu.memory_space<vmem>>, vector<4x16x128xf32>
    tpu.vector_store %arg7[%swap3A, %swap3A_29, %swap3A_30], %reshape3A_26 {strides = array<i32>} : memref<4x256x128xf32, #tpu.memory_space<vmem>>, vector<4x16x128xf32>,
    %eq3A = arith.constant 15 : i32
    %eq3A_32 = arith.cmpi eq, %arg0, %eq3A : i32
    %convert_element_type3A = arith.extui %eq3A_32 : i1 to i32
    %cond3A = arith.constant 0 : i32
    %cond3A_33 = arith.cmpi ne, %convert_element_type3A, %cond3A : i32
    scf.if %cond3A_33 {
      %get3A_34 = arith.constant 0 : index
      %get3A_35 = arith.constant 0 : index
      %get3A_36 = arith.constant 0 : index
      %get3A_37 = vector.load %arg7[%get3A_34, %get3A_35, %get3A_36] : memref<4x256x128xf32, #tpu.memory_space<vmem>>, vector<4x256x128xf32>
      %bitcast_convert_type3A = tpu.bitcast %get3A_37 : vector<4x256x128xf32> -> vector<4x256x128xi32>
      %broadcast_in_dim3A = arith.constant 0 : i32
      %broadcast_in_dim3A_38 = vector.broadcast %broadcast_in_dim3A : i32 to vector<4x1xi32>
      %broadcast_in_dim3A_39 = arith.constant 2139095040 : i32
      %broadcast_in_dim3A_40 = vector.broadcast %broadcast_in_dim3A_39 : i32 to vector<4x1xi32>
      %scan3A = arith.constant 0 : i32
      %scan3A_41 = arith.constant 31 : i32
      %scan3A_42 = arith.addi %scan3A, %scan3A_41 : i32
      %scan3A_43 = arith.constant 1 : i32
      %scan3A_44:2 = scf.for %scan3A_162 = %scan3A to %scan3A_42 step %scan3A_43 iter_args(%scan3A_163 = %broadcast_in_dim3A_38, %scan3A_164 = %broadcast_in_dim3A_40) -> (vector<4x1xi32>, vector<4x1xi32>)  : i32 {
        %sub3A_165 = arith.subi %scan3A_164, %scan3A_163 : vector<4x1xi32>
        %shift_right_logical3A = arith.constant 1 : i32
        %shift_right_logical3A_166 = vector.broadcast %shift_right_logical3A : i32 to vector<4x1xi32>
        %shift_right_logical3A_167 = arith.shrui %sub3A_165, %shift_right_logical3A_166 : vector<4x1xi32>
        %add3A_168 = arith.addi %scan3A_163, %shift_right_logical3A_167 : vector<4x1xi32>
        %broadcast_in_dim3A_169 = vector.shape_cast %add3A_168 : vector<4x1xi32> to vector<4x1x1xi32>
        %gt3A_170 = vector.broadcast %broadcast_in_dim3A_169 : vector<4x1x1xi32> to vector<4x256x128xi32>
        %gt3A_171 = arith.cmpi sgt, %bitcast_convert_type3A, %gt3A_170 : vector<4x256x128xi32>
        %convert_element_type3A_172 = arith.extui %gt3A_171 : vector<4x256x128xi1> to vector<4x256x128xi32>
        %convert_element_type3A_173 = arith.sitofp %convert_element_type3A_172 : vector<4x256x128xi32> to vector<4x256x128xf32>
        %reduce_sum3A_174 = arith.constant dense<0.000000e+00> : vector<4x256xf32>
        %reduce_sum3A_175 = vector.multi_reduction <add>, %convert_element_type3A_173, %reduce_sum3A_174 [2] : vector<4x256x128xf32> to vector<4x256xf32>
        %reduce_sum3A_176 = arith.constant dense<0.000000e+00> : vector<4xf32>
        %reduce_sum3A_177 = vector.multi_reduction <add>, %reduce_sum3A_175, %reduce_sum3A_176 [1] : vector<4x256xf32> to vector<4xf32>
        %broadcast_in_dim3A_178 = vector.shape_cast %reduce_sum3A_177 : vector<4xf32> to vector<4x1xf32>
        %ge3A = arith.constant 1.280000e+02 : f32
        %ge3A_179 = vector.broadcast %ge3A : f32 to vector<4x1xf32>
        %ge3A_180 = arith.cmpf oge, %broadcast_in_dim3A_178, %ge3A_179 : vector<4x1xf32>
        %add3A_181 = arith.constant 1 : i32
        %add3A_182 = vector.broadcast %add3A_181 : i32 to vector<4x1xi32>
        %add3A_183 = arith.addi %add3A_168, %add3A_182 : vector<4x1xi32>
        %select_n3A_184 = arith.select %ge3A_180, %add3A_183, %scan3A_163 : vector<4x1xi1>, vector<4x1xi32>
        %select_n3A_185 = arith.select %ge3A_180, %scan3A_164, %add3A_168 : vector<4x1xi1>, vector<4x1xi32>
        scf.yield %select_n3A_184, %select_n3A_185 : vector<4x1xi32>, vector<4x1xi32>
      }
      %broadcast_in_dim3A_45 = vector.shape_cast %scan3A_44#1 : vector<4x1xi32> to vector<4x1x1xi32>
      %gt3A = vector.broadcast %broadcast_in_dim3A_45 : vector<4x1x1xi32> to vector<4x256x128xi32>
      %gt3A_46 = arith.cmpi sgt, %bitcast_convert_type3A, %gt3A : vector<4x256x128xi32>
      %eq3A_47 = vector.broadcast %broadcast_in_dim3A_45 : vector<4x1x1xi32> to vector<4x256x128xi32>
      %eq3A_48 = arith.cmpi eq, %bitcast_convert_type3A, %eq3A_47 : vector<4x256x128xi32>
      %iota3A = tpu.iota {dimensions = array<i32: 0>} : vector<128x128xi32>
      %iota3A_49 = tpu.iota {dimensions = array<i32: 1>} : vector<128x128xi32>
      %le3A = arith.cmpi sle, %iota3A, %iota3A_49 : vector<128x128xi32>
      %convert_element_type3A_50 = arith.extui %le3A : vector<128x128xi1> to vector<128x128xi32>
      %convert_element_type3A_51 = arith.sitofp %convert_element_type3A_50 : vector<128x128xi32> to vector<128x128xf32>
      %iota3A_52 = tpu.iota {dimensions = array<i32: 0>} : vector<256x256xi32>
      %iota3A_53 = tpu.iota {dimensions = array<i32: 1>} : vector<256x256xi32>
      %lt3A = arith.cmpi slt, %iota3A_52, %iota3A_53 : vector<256x256xi32>
      %convert_element_type3A_54 = arith.extui %lt3A : vector<256x256xi1> to vector<256x256xi32>
      %convert_element_type3A_55 = arith.sitofp %convert_element_type3A_54 : vector<256x256xi32> to vector<256x256xf32>
      %convert_element_type3A_56 = arith.extui %gt3A_46 : vector<4x256x128xi1> to vector<4x256x128xi32>
      %convert_element_type3A_57 = arith.sitofp %convert_element_type3A_56 : vector<4x256x128xi32> to vector<4x256x128xf32>
      %reshape3A_58 = vector.shape_cast %convert_element_type3A_57 : vector<4x256x128xf32> to vector<1024x128xf32>
      %dot_general3A_59 = arith.constant dense<0.000000e+00> : vector<1024x128xf32>
      %dot_general3A_60 = tpu.matmul %reshape3A_58, %convert_element_type3A_51, %dot_general3A_59 {dimension_numbers = #tpu.dot_dimension_numbers<[1], [0], [0], [1], [0, 0, 1, 1], [], []>, transpose_lhs_hint = false} : vector<1024x128xf32>, vector<128x128xf32>, vector<1024x128xf32> -> vector<1024x128xf32>
      %reshape3A_61 = vector.shape_cast %dot_general3A_60 : vector<1024x128xf32> to vector<4x256x128xf32>
      %reduce_sum3A_62 = arith.constant dense<0.000000e+00> : vector<4x256xf32>
      %reduce_sum3A_63 = vector.multi_reduction <add>, %convert_element_type3A_57, %reduce_sum3A_62 [2] : vector<4x256x128xf32> to vector<4x256xf32>
      %dot_general3A_64 = arith.constant dense<0.000000e+00> : vector<4x256xf32>
      %dot_general3A_65 = tpu.matmul %reduce_sum3A_63, %convert_element_type3A_55, %dot_general3A_64 {dimension_numbers = #tpu.dot_dimension_numbers<[1], [0], [0], [1], [0, 0, 1, 1], [], []>, transpose_lhs_hint = false} : vector<4x256xf32>, vector<256x256xf32>, vector<4x256xf32> -> vector<4x256xf32>
      %reduce_sum3A_66 = arith.constant dense<0.000000e+00> : vector<4xf32>
      %reduce_sum3A_67 = vector.multi_reduction <add>, %reduce_sum3A_63, %reduce_sum3A_66 [1] : vector<4x256xf32> to vector<4xf32>
      %broadcast_in_dim3A_68 = vector.shape_cast %reduce_sum3A_67 : vector<4xf32> to vector<4x1xf32>
      %broadcast_in_dim3A_69 = vector.shape_cast %dot_general3A_65 : vector<4x256xf32> to vector<4x256x1xf32>
      %add3A_70 = vector.broadcast %broadcast_in_dim3A_69 : vector<4x256x1xf32> to vector<4x256x128xf32>
      %add3A_71 = arith.addf %add3A_70, %reshape3A_61 : vector<4x256x128xf32>
      %sub3A_72 = arith.constant 1.000000e+00 : f32
      %sub3A_73 = vector.broadcast %sub3A_72 : f32 to vector<4x256x128xf32>
      %sub3A_74 = arith.subf %add3A_71, %sub3A_73 : vector<4x256x128xf32>
      %convert_element_type3A_75 = arith.extui %eq3A_48 : vector<4x256x128xi1> to vector<4x256x128xi32>
      %convert_element_type3A_76 = arith.sitofp %convert_element_type3A_75 : vector<4x256x128xi32> to vector<4x256x128xf32>
      %reshape3A_77 = vector.shape_cast %convert_element_type3A_76 : vector<4x256x128xf32> to vector<1024x128xf32>
      %dot_general3A_78 = arith.constant dense<0.000000e+00> : vector<1024x128xf32>
      %dot_general3A_79 = tpu.matmul %reshape3A_77, %convert_element_type3A_51, %dot_general3A_78 {dimension_numbers = #tpu.dot_dimension_numbers<[1], [0], [0], [1], [0, 0, 1, 1], [], []>, transpose_lhs_hint = false} : vector<1024x128xf32>, vector<128x128xf32>, vector<1024x128xf32> -> vector<1024x128xf32>
      %reshape3A_80 = vector.shape_cast %dot_general3A_79 : vector<1024x128xf32> to vector<4x256x128xf32>
      %reduce_sum3A_81 = arith.constant dense<0.000000e+00> : vector<4x256xf32>
      %reduce_sum3A_82 = vector.multi_reduction <add>, %convert_element_type3A_76, %reduce_sum3A_81 [2] : vector<4x256x128xf32> to vector<4x256xf32>
      %dot_general3A_83 = arith.constant dense<0.000000e+00> : vector<4x256xf32>
      %dot_general3A_84 = tpu.matmul %reduce_sum3A_82, %convert_element_type3A_55, %dot_general3A_83 {dimension_numbers = #tpu.dot_dimension_numbers<[1], [0], [0], [1], [0, 0, 1, 1], [], []>, transpose_lhs_hint = false} : vector<4x256xf32>, vector<256x256xf32>, vector<4x256xf32> -> vector<4x256xf32>
      %broadcast_in_dim3A_85 = vector.shape_cast %dot_general3A_84 : vector<4x256xf32> to vector<4x256x1xf32>
      %add3A_86 = vector.broadcast %broadcast_in_dim3A_85 : vector<4x256x1xf32> to vector<4x256x128xf32>
      %add3A_87 = arith.addf %add3A_86, %reshape3A_80 : vector<4x256x128xf32>
      %sub3A_88 = arith.constant 1.000000e+00 : f32
      %sub3A_89 = vector.broadcast %sub3A_88 : f32 to vector<4x256x128xf32>
      %sub3A_90 = arith.subf %add3A_87, %sub3A_89 : vector<4x256x128xf32>
      %sub3A_91 = arith.constant 1.280000e+02 : f32
      %sub3A_92 = vector.broadcast %sub3A_91 : f32 to vector<4x1xf32>
      %sub3A_93 = arith.subf %sub3A_92, %broadcast_in_dim3A_68 : vector<4x1xf32>
      %broadcast_in_dim3A_94 = vector.shape_cast %sub3A_93 : vector<4x1xf32> to vector<4x1x1xf32>
      %lt3A_95 = vector.broadcast %broadcast_in_dim3A_94 : vector<4x1x1xf32> to vector<4x256x128xf32>
      %lt3A_96 = arith.cmpf olt, %sub3A_90, %lt3A_95 : vector<4x256x128xf32>
      %and3A = arith.andi %eq3A_48, %lt3A_96 : vector<4x256x128xi1>
      %or3A = arith.ori %gt3A_46, %and3A : vector<4x256x128xi1>
      %broadcast_in_dim3A_97 = vector.shape_cast %broadcast_in_dim3A_68 : vector<4x1xf32> to vector<4x1x1xf32>
      %add3A_98 = vector.broadcast %broadcast_in_dim3A_97 : vector<4x1x1xf32> to vector<4x256x128xf32>
      %add3A_99 = arith.addf %add3A_98, %sub3A_90 : vector<4x256x128xf32>
      %select_n3A = arith.select %gt3A_46, %sub3A_74, %add3A_99 : vector<4x256x128xi1>, vector<4x256x128xf32>
      %jit3A = arith.constant -1.000000e+00 : f32
      %broadcast_in_dim3A_100 = vector.broadcast %jit3A : f32 to vector<4x256x128xf32>
      %select_n3A_101 = arith.select %or3A, %select_n3A, %broadcast_in_dim3A_100 : vector<4x256x128xi1>, vector<4x256x128xf32>
      %iota3A_102 = tpu.iota {dimensions = array<i32: 2>} : vector<1x1x128xi32>
      %convert_element_type3A_103 = arith.sitofp %iota3A_102 : vector<1x1x128xi32> to vector<1x1x128xf32>
      %iota3A_104 = tpu.iota {dimensions = array<i32: 1>} : vector<1x256x1xi32>
      %convert_element_type3A_105 = arith.sitofp %iota3A_104 : vector<1x256x1xi32> to vector<1x256x1xf32>
      %iota3A_106 = tpu.iota {dimensions = array<i32: 2>} : vector<1x1x128xi32>
      %convert_element_type3A_107 = arith.sitofp %iota3A_106 : vector<1x1x128xi32> to vector<1x1x128xf32>
      %mul3A_108 = arith.constant 1.280000e+02 : f32
      %mul3A_109 = vector.broadcast %mul3A_108 : f32 to vector<1x256x1xf32>
      %mul3A_110 = arith.mulf %convert_element_type3A_105, %mul3A_109 : vector<1x256x1xf32>
      %add3A_111 = vector.broadcast %mul3A_110 : vector<1x256x1xf32> to vector<1x256x128xf32>
      %add3A_112 = vector.broadcast %convert_element_type3A_107 : vector<1x1x128xf32> to vector<1x256x128xf32>
      %add3A_113 = arith.addf %add3A_111, %add3A_112 : vector<1x256x128xf32>
      %iota3A_114 = tpu.iota {dimensions = array<i32: 1>} : vector<4x128xi32>
      %broadcast_in_dim3A_115 = arith.constant 0.000000e+00 : f32
      %broadcast_in_dim3A_116 = vector.broadcast %broadcast_in_dim3A_115 : f32 to vector<4x128xf32>
      %broadcast_in_dim3A_117 = arith.constant 0.000000e+00 : f32
      %broadcast_in_dim3A_118 = vector.broadcast %broadcast_in_dim3A_117 : f32 to vector<4x128xf32>
      %scan3A_119 = arith.constant 0 : i32
      %scan3A_120 = arith.constant 128 : i32
      %scan3A_121 = arith.addi %scan3A_119, %scan3A_120 : i32
      %scan3A_122 = arith.constant 1 : i32
      %scan3A_123:2 = scf.for %scan3A_162 = %scan3A_119 to %scan3A_121 step %scan3A_122 iter_args(%scan3A_163 = %broadcast_in_dim3A_116, %scan3A_164 = %broadcast_in_dim3A_118) -> (vector<4x128xf32>, vector<4x128xf32>)  : i32 {
        %convert_element_type3A_165 = arith.sitofp %scan3A_162 : i32 to f32
        %eq3A_166 = vector.broadcast %convert_element_type3A_165 : f32 to vector<4x256x128xf32>
        %eq3A_167 = arith.cmpf oeq, %select_n3A_101, %eq3A_166 : vector<4x256x128xf32>
        %jit3A_168 = arith.constant 0.000000e+00 : f32
        %broadcast_in_dim3A_169 = vector.broadcast %jit3A_168 : f32 to vector<4x256x128xf32>
        %select_n3A_170 = arith.select %eq3A_167, %get3A_37, %broadcast_in_dim3A_169 : vector<4x256x128xi1>, vector<4x256x128xf32>
        %reduce_sum3A_171 = arith.constant dense<0.000000e+00> : vector<4x256xf32>
        %reduce_sum3A_172 = vector.multi_reduction <add>, %select_n3A_170, %reduce_sum3A_171 [2] : vector<4x256x128xf32> to vector<4x256xf32>
        %reduce_sum3A_173 = arith.constant dense<0.000000e+00> : vector<4xf32>
        %reduce_sum3A_174 = vector.multi_reduction <add>, %reduce_sum3A_172, %reduce_sum3A_173 [1] : vector<4x256xf32> to vector<4xf32>
        %jit3A_175 = arith.constant 0.000000e+00 : f32
        %broadcast_in_dim3A_176 = vector.shape_cast %add3A_113 : vector<1x256x128xf32> to vector<1x256x128xf32>
        %broadcast_in_dim3A_177 = vector.broadcast %broadcast_in_dim3A_176 : vector<1x256x128xf32> to vector<4x256x128xf32>
        %broadcast_in_dim3A_178 = vector.broadcast %jit3A_175 : f32 to vector<4x256x128xf32>
        %select_n3A_179 = arith.select %eq3A_167, %broadcast_in_dim3A_177, %broadcast_in_dim3A_178 : vector<4x256x128xi1>, vector<4x256x128xf32>
        %reduce_sum3A_180 = arith.constant dense<0.000000e+00> : vector<4x256xf32>
        %reduce_sum3A_181 = vector.multi_reduction <add>, %select_n3A_179, %reduce_sum3A_180 [2] : vector<4x256x128xf32> to vector<4x256xf32>
        %reduce_sum3A_182 = arith.constant dense<0.000000e+00> : vector<4xf32>
        %reduce_sum3A_183 = vector.multi_reduction <add>, %reduce_sum3A_181, %reduce_sum3A_182 [1] : vector<4x256xf32> to vector<4xf32>
        %eq3A_184 = vector.broadcast %scan3A_162 : i32 to vector<4x128xi32>
        %eq3A_185 = arith.cmpi eq, %iota3A_114, %eq3A_184 : vector<4x128xi32>
        %broadcast_in_dim3A_186 = vector.shape_cast %reduce_sum3A_174 : vector<4xf32> to vector<4x1xf32>
        %broadcast_in_dim3A_187 = vector.shape_cast %broadcast_in_dim3A_186 : vector<4x1xf32> to vector<4x1xf32>
        %broadcast_in_dim3A_188 = vector.broadcast %broadcast_in_dim3A_187 : vector<4x1xf32> to vector<4x128xf32>
        %select_n3A_189 = arith.select %eq3A_185, %broadcast_in_dim3A_188, %scan3A_163 : vector<4x128xi1>, vector<4x128xf32>
        %broadcast_in_dim3A_190 = vector.shape_cast %reduce_sum3A_183 : vector<4xf32> to vector<4x1xf32>
        %broadcast_in_dim3A_191 = vector.shape_cast %broadcast_in_dim3A_190 : vector<4x1xf32> to vector<4x1xf32>
        %broadcast_in_dim3A_192 = vector.broadcast %broadcast_in_dim3A_191 : vector<4x1xf32> to vector<4x128xf32>
        %select_n3A_193 = arith.select %eq3A_185, %broadcast_in_dim3A_192, %scan3A_164 : vector<4x128xi1>, vector<4x128xf32>
        scf.yield %select_n3A_189, %select_n3A_193 : vector<4x128xf32>, vector<4x128xf32>
      }
      %scan3A_124 = arith.constant 128 : i32
      %broadcast_in_dim3A_125 = vector.shape_cast %scan3A_123#0 : vector<4x128xf32> to vector<4x128x1xf32>
      %broadcast_in_dim3A_126 = vector.shape_cast %scan3A_123#0 : vector<4x128xf32> to vector<4x1x128xf32>
      %iota3A_127 = tpu.iota {dimensions = array<i32: 2>} : vector<1x1x128xi32>
      %iota3A_128 = tpu.iota {dimensions = array<i32: 1>} : vector<1x128x1xi32>
      %gt3A_129 = vector.broadcast %broadcast_in_dim3A_126 : vector<4x1x128xf32> to vector<4x128x128xf32>
      %gt3A_130 = vector.broadcast %broadcast_in_dim3A_125 : vector<4x128x1xf32> to vector<4x128x128xf32>
      %gt3A_131 = arith.cmpf ogt, %gt3A_129, %gt3A_130 : vector<4x128x128xf32>
      %convert_element_type3A_132 = arith.extui %gt3A_131 : vector<4x128x128xi1> to vector<4x128x128xi32>
      %convert_element_type3A_133 = arith.sitofp %convert_element_type3A_132 : vector<4x128x128xi32> to vector<4x128x128xf32>
      %eq3A_134 = vector.broadcast %broadcast_in_dim3A_126 : vector<4x1x128xf32> to vector<4x128x128xf32>
      %eq3A_135 = vector.broadcast %broadcast_in_dim3A_125 : vector<4x128x1xf32> to vector<4x128x128xf32>
      %eq3A_136 = arith.cmpf oeq, %eq3A_134, %eq3A_135 : vector<4x128x128xf32>
      %lt3A_137 = vector.broadcast %iota3A_127 : vector<1x1x128xi32> to vector<1x128x128xi32>
      %lt3A_138 = vector.broadcast %iota3A_128 : vector<1x128x1xi32> to vector<1x128x128xi32>
      %lt3A_139 = arith.cmpi slt, %lt3A_137, %lt3A_138 : vector<1x128x128xi32>
      %and3A_140 = vector.broadcast %lt3A_139 : vector<1x128x128xi1> to vector<4x128x128xi1>
      %and3A_141 = arith.andi %eq3A_136, %and3A_140 : vector<4x128x128xi1>
      %convert_element_type3A_142 = arith.extui %and3A_141 : vector<4x128x128xi1> to vector<4x128x128xi32>
      %convert_element_type3A_143 = arith.sitofp %convert_element_type3A_142 : vector<4x128x128xi32> to vector<4x128x128xf32>
      %add3A_144 = arith.addf %convert_element_type3A_133, %convert_element_type3A_143 : vector<4x128x128xf32>
      %reduce_sum3A_145 = arith.constant dense<0.000000e+00> : vector<4x128xf32>
      %reduce_sum3A_146 = vector.multi_reduction <add>, %add3A_144, %reduce_sum3A_145 [2] : vector<4x128x128xf32> to vector<4x128xf32>
      %broadcast_in_dim3A_147 = vector.shape_cast %reduce_sum3A_146 : vector<4x128xf32> to vector<4x128x1xf32>
      %eq3A_148 = vector.broadcast %broadcast_in_dim3A_147 : vector<4x128x1xf32> to vector<4x128x128xf32>
      %eq3A_149 = vector.broadcast %convert_element_type3A_103 : vector<1x1x128xf32> to vector<4x128x128xf32>
      %eq3A_150 = arith.cmpf oeq, %eq3A_148, %eq3A_149 : vector<4x128x128xf32>
      %convert_element_type3A_151 = arith.extui %eq3A_150 : vector<4x128x128xi1> to vector<4x128x128xi32>
      %convert_element_type3A_152 = arith.sitofp %convert_element_type3A_151 : vector<4x128x128xi32> to vector<4x128x128xf32>
      %broadcast_in_dim3A_153 = vector.shape_cast %scan3A_123#1 : vector<4x128xf32> to vector<4x128x1xf32>
      %mul3A_154 = vector.broadcast %broadcast_in_dim3A_153 : vector<4x128x1xf32> to vector<4x128x128xf32>
      %mul3A_155 = arith.mulf %convert_element_type3A_152, %mul3A_154 : vector<4x128x128xf32>
      %reduce_sum3A_156 = arith.constant dense<0.000000e+00> : vector<4x128xf32>
      %reduce_sum3A_157 = vector.multi_reduction <add>, %mul3A_155, %reduce_sum3A_156 [1] : vector<4x128x128xf32> to vector<4x128xf32>
      %convert_element_type3A_158 = arith.fptosi %reduce_sum3A_157 : vector<4x128xf32> to vector<4x128xi32>
      %swap3A_159 = arith.constant 0 : index
      %swap3A_160 = arith.constant 0 : index
      %swap3A_161 = vector.load %arg6[%swap3A_159, %swap3A_160] : memref<4x128xi32, #tpu.memory_space<vmem>>, vector<4x128xi32>
      tpu.vector_store %arg6[%swap3A_159, %swap3A_160], %convert_element_type3A_158 {strides = array<i32>} : memref<4x128xi32, #tpu.memory_space<vmem>>, vector<4x128xi32>,
    } else {
    }
    return
  }
  func.func @transform_0(%arg0: i32) -> (i32, i32) {
    %c0_i32 = arith.constant 0 : i32
    %c0_i32_0 = arith.constant 0 : i32
    %c0_i32_1 = arith.constant 0 : i32
    return %c0_i32, %c0_i32_0 : i32, i32
  }
  func.func @transform_1(%arg0: i32) -> (i32, i32) {
    %c0_i32 = arith.constant 0 : i32
    %c0_i32_0 = arith.constant 0 : i32
    return %arg0, %c0_i32 : i32, i32
  }
  func.func @transform_2(%arg0: i32) -> (i32, i32) {
    %c0_i32 = arith.constant 0 : i32
    %c0_i32_0 = arith.constant 0 : i32
    %c0_i32_1 = arith.constant 0 : i32
    return %c0_i32, %c0_i32_0 : i32, i32
  }
  func.func @transform_3(%arg0: i32) -> (i32, i32) {
    %c0_i32 = arith.constant 0 : i32
    %c0_i32_0 = arith.constant 0 : i32
    %c0_i32_1 = arith.constant 0 : i32
    return %c0_i32, %c0_i32_0 : i32, i32
  }
  func.func @transform_4(%arg0: i32) -> (i32, i32, i32) {
    %c0_i32 = arith.constant 0 : i32
    %c0_i32_0 = arith.constant 0 : i32
    %c0_i32_1 = arith.constant 0 : i32
    return %c0_i32, %c0_i32_0, %arg0 : i32, i32, i32
  }
  func.func @transform_5(%arg0: i32) -> (i32, i32) {
    %c0_i32 = arith.constant 0 : i32
    %c0_i32_0 = arith.constant 0 : i32
    %c0_i32_1 = arith.constant 0 : i32
    return %c0_i32, %c0_i32_0 : i32, i32
  }
}

module attributes {stable_mosaic.version = 14 : i64} {
  func.func @_read_stats_kernel(%arg0: i32, %arg1: memref<1024x64xf32, #tpu.memory_space<vmem>>, %arg2: memref<1024x64xf32, #tpu.memory_space<vmem>>, %arg3: memref<1024x1xf32, #tpu.memory_space<vmem>>, %arg4: memref<1024x1xf32, #tpu.memory_space<vmem>>, %arg5: memref<1024x1xf32, #tpu.memory_space<vmem>>, %arg6: memref<1024x1xf32, #tpu.memory_space<vmem>>) attributes {dimension_semantics = [#tpu.dimension_semantics<arbitrary>], iteration_bounds = array<i64: 32>, scalar_prefetch = 0 : i64, scratch_operands = 2 : i64, tpu.core_type = #tpu.core_type<tc>, window_params = [{pipeline_mode = #tpu.pipeline_mode<synchronous>, transform_indices = @transform_0, window_bounds = array<i64: 1024, 64>}, {transform_indices = @transform_1, window_bounds = array<i64: 1024, 64>}, {pipeline_mode = #tpu.pipeline_mode<synchronous>, transform_indices = @transform_2, window_bounds = array<i64: 1024, 1>}, {pipeline_mode = #tpu.pipeline_mode<synchronous>, transform_indices = @transform_3, window_bounds = array<i64: 1024, 1>}]} {
    %eq3A = arith.constant 0 : i32
    %eq3A_0 = arith.cmpi eq, %arg0, %eq3A : i32
    %convert_element_type3A = arith.extui %eq3A_0 : i1 to i32
    %cond3A = arith.constant 0 : i32
    %cond3A_1 = arith.cmpi ne, %convert_element_type3A, %cond3A : i32
    scf.if %cond3A_1 {
      %broadcast_in_dim3A_33 = arith.constant 0xFF800000 : f32
      %broadcast_in_dim3A_34 = vector.broadcast %broadcast_in_dim3A_33 : f32 to vector<1024x1xf32>
      %swap3A_35 = arith.constant 0 : index
      %swap3A_36 = arith.constant 0 : index
      %swap3A_37 = vector.load %arg5[%swap3A_35, %swap3A_36] : memref<1024x1xf32, #tpu.memory_space<vmem>>, vector<1024x1xf32>
      tpu.vector_store %arg5[%swap3A_35, %swap3A_36], %broadcast_in_dim3A_34 {strides = array<i32>} : memref<1024x1xf32, #tpu.memory_space<vmem>>, vector<1024x1xf32>,
      %broadcast_in_dim3A_38 = arith.constant 0.000000e+00 : f32
      %broadcast_in_dim3A_39 = vector.broadcast %broadcast_in_dim3A_38 : f32 to vector<1024x1xf32>
      %swap3A_40 = arith.constant 0 : index
      %swap3A_41 = arith.constant 0 : index
      %swap3A_42 = vector.load %arg6[%swap3A_40, %swap3A_41] : memref<1024x1xf32, #tpu.memory_space<vmem>>, vector<1024x1xf32>
      tpu.vector_store %arg6[%swap3A_40, %swap3A_41], %broadcast_in_dim3A_39 {strides = array<i32>} : memref<1024x1xf32, #tpu.memory_space<vmem>>, vector<1024x1xf32>,
    } else {
    }
    %get3A = arith.constant 0 : index
    %get3A_2 = arith.constant 0 : index
    %get3A_3 = vector.load %arg1[%get3A, %get3A_2] : memref<1024x64xf32, #tpu.memory_space<vmem>>, vector<1024x64xf32>
    %get3A_4 = arith.constant 0 : index
    %get3A_5 = arith.constant 0 : index
    %get3A_6 = vector.load %arg2[%get3A_4, %get3A_5] : memref<1024x64xf32, #tpu.memory_space<vmem>>, vector<1024x64xf32>
    %transpose3A = tpu.transpose %get3A_6, [1, 0] : vector<1024x64xf32> -> vector<64x1024xf32>
    %dot_general3A = arith.constant dense<0.000000e+00> : vector<1024x1024xf32>
    %dot_general3A_7 = tpu.matmul %get3A_3, %transpose3A, %dot_general3A {dimension_numbers = #tpu.dot_dimension_numbers<[1], [0], [0], [1], [0, 0, 1, 1], [], []>, transpose_lhs_hint = false} : vector<1024x64xf32>, vector<64x1024xf32>, vector<1024x1024xf32> -> vector<1024x1024xf32>
    %mul3A = arith.constant 1.250000e-01 : f32
    %mul3A_8 = vector.broadcast %mul3A : f32 to vector<1024x1024xf32>
    %mul3A_9 = arith.mulf %dot_general3A_7, %mul3A_8 : vector<1024x1024xf32>
    %reduce_max3A = arith.constant dense<0xFF800000> : vector<1024xf32>
    %reduce_max3A_10 = vector.multi_reduction <maximumf>, %mul3A_9, %reduce_max3A [1] : vector<1024x1024xf32> to vector<1024xf32>
    %broadcast_in_dim3A = vector.shape_cast %reduce_max3A_10 : vector<1024xf32> to vector<1024x1xf32>
    %get3A_11 = arith.constant 0 : index
    %get3A_12 = arith.constant 0 : index
    %get3A_13 = vector.load %arg5[%get3A_11, %get3A_12] : memref<1024x1xf32, #tpu.memory_space<vmem>>, vector<1024x1xf32>
    %max3A = arith.maximumf %get3A_13, %broadcast_in_dim3A : vector<1024x1xf32>
    %get3A_14 = arith.constant 0 : index
    %get3A_15 = arith.constant 0 : index
    %get3A_16 = vector.load %arg6[%get3A_14, %get3A_15] : memref<1024x1xf32, #tpu.memory_space<vmem>>, vector<1024x1xf32>
    %sub3A = arith.subf %get3A_13, %max3A : vector<1024x1xf32>
    %exp3A = math.exp %sub3A : vector<1024x1xf32>
    %mul3A_17 = arith.mulf %get3A_16, %exp3A : vector<1024x1xf32>
    %sub3A_18 = vector.broadcast %max3A : vector<1024x1xf32> to vector<1024x1024xf32>
    %sub3A_19 = arith.subf %mul3A_9, %sub3A_18 : vector<1024x1024xf32>
    %exp3A_20 = math.exp %sub3A_19 : vector<1024x1024xf32>
    %reduce_sum3A = arith.constant dense<0.000000e+00> : vector<1024xf32>
    %reduce_sum3A_21 = vector.multi_reduction <add>, %exp3A_20, %reduce_sum3A [1] : vector<1024x1024xf32> to vector<1024xf32>
    %broadcast_in_dim3A_22 = vector.shape_cast %reduce_sum3A_21 : vector<1024xf32> to vector<1024x1xf32>
    %add3A = arith.addf %mul3A_17, %broadcast_in_dim3A_22 : vector<1024x1xf32>
    %swap3A = arith.constant 0 : index
    %swap3A_23 = arith.constant 0 : index
    %swap3A_24 = vector.load %arg6[%swap3A, %swap3A_23] : memref<1024x1xf32, #tpu.memory_space<vmem>>, vector<1024x1xf32>
    tpu.vector_store %arg6[%swap3A, %swap3A_23], %add3A {strides = array<i32>} : memref<1024x1xf32, #tpu.memory_space<vmem>>, vector<1024x1xf32>,
    %swap3A_25 = arith.constant 0 : index
    %swap3A_26 = arith.constant 0 : index
    %swap3A_27 = vector.load %arg5[%swap3A_25, %swap3A_26] : memref<1024x1xf32, #tpu.memory_space<vmem>>, vector<1024x1xf32>
    tpu.vector_store %arg5[%swap3A_25, %swap3A_26], %max3A {strides = array<i32>} : memref<1024x1xf32, #tpu.memory_space<vmem>>, vector<1024x1xf32>,
    %eq3A_28 = arith.constant 31 : i32
    %eq3A_29 = arith.cmpi eq, %arg0, %eq3A_28 : i32
    %convert_element_type3A_30 = arith.extui %eq3A_29 : i1 to i32
    %cond3A_31 = arith.constant 0 : i32
    %cond3A_32 = arith.cmpi ne, %convert_element_type3A_30, %cond3A_31 : i32
    scf.if %cond3A_32 {
      %get3A_33 = arith.constant 0 : index
      %get3A_34 = arith.constant 0 : index
      %get3A_35 = vector.load %arg5[%get3A_33, %get3A_34] : memref<1024x1xf32, #tpu.memory_space<vmem>>, vector<1024x1xf32>
      %swap3A_36 = arith.constant 0 : index
      %swap3A_37 = arith.constant 0 : index
      %swap3A_38 = vector.load %arg3[%swap3A_36, %swap3A_37] : memref<1024x1xf32, #tpu.memory_space<vmem>>, vector<1024x1xf32>
      tpu.vector_store %arg3[%swap3A_36, %swap3A_37], %get3A_35 {strides = array<i32>} : memref<1024x1xf32, #tpu.memory_space<vmem>>, vector<1024x1xf32>,
      %get3A_39 = arith.constant 0 : index
      %get3A_40 = arith.constant 0 : index
      %get3A_41 = vector.load %arg6[%get3A_39, %get3A_40] : memref<1024x1xf32, #tpu.memory_space<vmem>>, vector<1024x1xf32>
      %swap3A_42 = arith.constant 0 : index
      %swap3A_43 = arith.constant 0 : index
      %swap3A_44 = vector.load %arg4[%swap3A_42, %swap3A_43] : memref<1024x1xf32, #tpu.memory_space<vmem>>, vector<1024x1xf32>
      tpu.vector_store %arg4[%swap3A_42, %swap3A_43], %get3A_41 {strides = array<i32>} : memref<1024x1xf32, #tpu.memory_space<vmem>>, vector<1024x1xf32>,
    } else {
    }
    return
  }
  func.func @transform_0(%arg0: i32) -> (i32, i32) {
    %c0_i32 = arith.constant 0 : i32
    %c0_i32_0 = arith.constant 0 : i32
    %c0_i32_1 = arith.constant 0 : i32
    return %c0_i32, %c0_i32_0 : i32, i32
  }
  func.func @transform_1(%arg0: i32) -> (i32, i32) {
    %c0_i32 = arith.constant 0 : i32
    %c0_i32_0 = arith.constant 0 : i32
    return %arg0, %c0_i32 : i32, i32
  }
  func.func @transform_2(%arg0: i32) -> (i32, i32) {
    %c0_i32 = arith.constant 0 : i32
    %c0_i32_0 = arith.constant 0 : i32
    %c0_i32_1 = arith.constant 0 : i32
    return %c0_i32, %c0_i32_0 : i32, i32
  }
  func.func @transform_3(%arg0: i32) -> (i32, i32) {
    %c0_i32 = arith.constant 0 : i32
    %c0_i32_0 = arith.constant 0 : i32
    %c0_i32_1 = arith.constant 0 : i32
    return %c0_i32, %c0_i32_0 : i32, i32
  }
}

module attributes {stable_mosaic.version = 14 : i64} {
  func.func @_read_out_kernel(%arg0: i32, %arg1: memref<1024x64xf32, #tpu.memory_space<vmem>>, %arg2: memref<1024x64xf32, #tpu.memory_space<vmem>>, %arg3: memref<1024x1xf32, #tpu.memory_space<vmem>>, %arg4: memref<1024x1xf32, #tpu.memory_space<vmem>>, %arg5: memref<1024x64xf32, #tpu.memory_space<vmem>>, %arg6: memref<1024x64xf32, #tpu.memory_space<vmem>>) attributes {dimension_semantics = [#tpu.dimension_semantics<arbitrary>], iteration_bounds = array<i64: 32>, scalar_prefetch = 0 : i64, scratch_operands = 1 : i64, tpu.core_type = #tpu.core_type<tc>, window_params = [{pipeline_mode = #tpu.pipeline_mode<synchronous>, transform_indices = @transform_0, window_bounds = array<i64: 1024, 64>}, {transform_indices = @transform_1, window_bounds = array<i64: 1024, 64>}, {pipeline_mode = #tpu.pipeline_mode<synchronous>, transform_indices = @transform_2, window_bounds = array<i64: 1024, 1>}, {pipeline_mode = #tpu.pipeline_mode<synchronous>, transform_indices = @transform_3, window_bounds = array<i64: 1024, 1>}, {pipeline_mode = #tpu.pipeline_mode<synchronous>, transform_indices = @transform_4, window_bounds = array<i64: 1024, 64>}]} {
    %eq3A = arith.constant 0 : i32
    %eq3A_0 = arith.cmpi eq, %arg0, %eq3A : i32
    %convert_element_type3A = arith.extui %eq3A_0 : i1 to i32
    %cond3A = arith.constant 0 : i32
    %cond3A_1 = arith.cmpi ne, %convert_element_type3A, %cond3A : i32
    scf.if %cond3A_1 {
      %broadcast_in_dim3A = arith.constant 0.000000e+00 : f32
      %broadcast_in_dim3A_33 = vector.broadcast %broadcast_in_dim3A : f32 to vector<1024x64xf32>
      %swap3A_34 = arith.constant 0 : index
      %swap3A_35 = arith.constant 0 : index
      %swap3A_36 = vector.load %arg6[%swap3A_34, %swap3A_35] : memref<1024x64xf32, #tpu.memory_space<vmem>>, vector<1024x64xf32>
      tpu.vector_store %arg6[%swap3A_34, %swap3A_35], %broadcast_in_dim3A_33 {strides = array<i32>} : memref<1024x64xf32, #tpu.memory_space<vmem>>, vector<1024x64xf32>,
    } else {
    }
    %get3A = arith.constant 0 : index
    %get3A_2 = arith.constant 0 : index
    %get3A_3 = vector.load %arg1[%get3A, %get3A_2] : memref<1024x64xf32, #tpu.memory_space<vmem>>, vector<1024x64xf32>
    %get3A_4 = arith.constant 0 : index
    %get3A_5 = arith.constant 0 : index
    %get3A_6 = vector.load %arg2[%get3A_4, %get3A_5] : memref<1024x64xf32, #tpu.memory_space<vmem>>, vector<1024x64xf32>
    %transpose3A = tpu.transpose %get3A_6, [1, 0] : vector<1024x64xf32> -> vector<64x1024xf32>
    %dot_general3A = arith.constant dense<0.000000e+00> : vector<1024x1024xf32>
    %dot_general3A_7 = tpu.matmul %get3A_3, %transpose3A, %dot_general3A {dimension_numbers = #tpu.dot_dimension_numbers<[1], [0], [0], [1], [0, 0, 1, 1], [], []>, transpose_lhs_hint = false} : vector<1024x64xf32>, vector<64x1024xf32>, vector<1024x1024xf32> -> vector<1024x1024xf32>
    %mul3A = arith.constant 1.250000e-01 : f32
    %mul3A_8 = vector.broadcast %mul3A : f32 to vector<1024x1024xf32>
    %mul3A_9 = arith.mulf %dot_general3A_7, %mul3A_8 : vector<1024x1024xf32>
    %get3A_10 = arith.constant 0 : index
    %get3A_11 = arith.constant 0 : index
    %get3A_12 = vector.load %arg3[%get3A_10, %get3A_11] : memref<1024x1xf32, #tpu.memory_space<vmem>>, vector<1024x1xf32>
    %sub3A = vector.broadcast %get3A_12 : vector<1024x1xf32> to vector<1024x1024xf32>
    %sub3A_13 = arith.subf %mul3A_9, %sub3A : vector<1024x1024xf32>
    %exp3A = math.exp %sub3A_13 : vector<1024x1024xf32>
    %get3A_14 = arith.constant 0 : index
    %get3A_15 = arith.constant 0 : index
    %get3A_16 = vector.load %arg4[%get3A_14, %get3A_15] : memref<1024x1xf32, #tpu.memory_space<vmem>>, vector<1024x1xf32>
    %div3A = vector.broadcast %get3A_16 : vector<1024x1xf32> to vector<1024x1024xf32>
    %div3A_17 = arith.divf %exp3A, %div3A : vector<1024x1024xf32>
    %get3A_18 = arith.constant 0 : index
    %get3A_19 = arith.constant 0 : index
    %get3A_20 = vector.load %arg6[%get3A_18, %get3A_19] : memref<1024x64xf32, #tpu.memory_space<vmem>>, vector<1024x64xf32>
    %get3A_21 = arith.constant 0 : index
    %get3A_22 = arith.constant 0 : index
    %get3A_23 = vector.load %arg2[%get3A_21, %get3A_22] : memref<1024x64xf32, #tpu.memory_space<vmem>>, vector<1024x64xf32>
    %dot_general3A_24 = arith.constant dense<0.000000e+00> : vector<1024x64xf32>
    %dot_general3A_25 = tpu.matmul %div3A_17, %get3A_23, %dot_general3A_24 {dimension_numbers = #tpu.dot_dimension_numbers<[1], [0], [0], [1], [0, 0, 1, 1], [], []>, transpose_lhs_hint = false} : vector<1024x1024xf32>, vector<1024x64xf32>, vector<1024x64xf32> -> vector<1024x64xf32>
    %add3A = arith.addf %get3A_20, %dot_general3A_25 : vector<1024x64xf32>
    %swap3A = arith.constant 0 : index
    %swap3A_26 = arith.constant 0 : index
    %swap3A_27 = vector.load %arg6[%swap3A, %swap3A_26] : memref<1024x64xf32, #tpu.memory_space<vmem>>, vector<1024x64xf32>
    tpu.vector_store %arg6[%swap3A, %swap3A_26], %add3A {strides = array<i32>} : memref<1024x64xf32, #tpu.memory_space<vmem>>, vector<1024x64xf32>,
    %eq3A_28 = arith.constant 31 : i32
    %eq3A_29 = arith.cmpi eq, %arg0, %eq3A_28 : i32
    %convert_element_type3A_30 = arith.extui %eq3A_29 : i1 to i32
    %cond3A_31 = arith.constant 0 : i32
    %cond3A_32 = arith.cmpi ne, %convert_element_type3A_30, %cond3A_31 : i32
    scf.if %cond3A_32 {
      %get3A_33 = arith.constant 0 : index
      %get3A_34 = arith.constant 0 : index
      %get3A_35 = vector.load %arg6[%get3A_33, %get3A_34] : memref<1024x64xf32, #tpu.memory_space<vmem>>, vector<1024x64xf32>
      %swap3A_36 = arith.constant 0 : index
      %swap3A_37 = arith.constant 0 : index
      %swap3A_38 = vector.load %arg5[%swap3A_36, %swap3A_37] : memref<1024x64xf32, #tpu.memory_space<vmem>>, vector<1024x64xf32>
      tpu.vector_store %arg5[%swap3A_36, %swap3A_37], %get3A_35 {strides = array<i32>} : memref<1024x64xf32, #tpu.memory_space<vmem>>, vector<1024x64xf32>,
    } else {
    }
    return
  }
  func.func @transform_0(%arg0: i32) -> (i32, i32) {
    %c0_i32 = arith.constant 0 : i32
    %c0_i32_0 = arith.constant 0 : i32
    %c0_i32_1 = arith.constant 0 : i32
    return %c0_i32, %c0_i32_0 : i32, i32
  }
  func.func @transform_1(%arg0: i32) -> (i32, i32) {
    %c0_i32 = arith.constant 0 : i32
    %c0_i32_0 = arith.constant 0 : i32
    return %arg0, %c0_i32 : i32, i32
  }
  func.func @transform_2(%arg0: i32) -> (i32, i32) {
    %c0_i32 = arith.constant 0 : i32
    %c0_i32_0 = arith.constant 0 : i32
    %c0_i32_1 = arith.constant 0 : i32
    return %c0_i32, %c0_i32_0 : i32, i32
  }
  func.func @transform_3(%arg0: i32) -> (i32, i32) {
    %c0_i32 = arith.constant 0 : i32
    %c0_i32_0 = arith.constant 0 : i32
    %c0_i32_1 = arith.constant 0 : i32
    return %c0_i32, %c0_i32_0 : i32, i32
  }
  func.func @transform_4(%arg0: i32) -> (i32, i32) {
    %c0_i32 = arith.constant 0 : i32
    %c0_i32_0 = arith.constant 0 : i32
    %c0_i32_1 = arith.constant 0 : i32
    return %c0_i32, %c0_i32_0 : i32, i32
  }
}

</mosaic_0001>

<sc_bundles>
// kernel: kernel.7.cloned.1.call-start
scs
__scs_entry_jumppad:
0x0: {  	(pc) =	sbr.rel $0x88, $3  }
0x1: {  	(tag) =	ssettag $0x0;
	lr =	simm.s32 $0x1  }
0x2: {  	[smem:$0x3F9C] =	sst lr;
	_ =	strace $0xD0000000  }
0x3: {  	_ = 	snop  }
0x4: {  	_ = 	snop  }
0x5: {  	_ = 	snop  }
0x6: {  	_ = 	snop  }
0x7: {  	_ = 	snop  }
__scs_overlays_trampoline_lowered:
0x8: {  	[smem:$0x3FAB] =	sst s0  }
0x9: {  	[smem:$0x3FAC] =	sst s1  }
0xa: {  	[smem:$0x3FAD] =	sst s2  }
0xb: {  	[smem:$0x3FAE] =	sst s3  }
0xc: {  	[smem:$0x3FAF] =	sst s4  }
0xd: {  	[smem:$0x3FB0] =	sst s5  }
0xe: {  	[smem:$0x3FB1] =	sst s6  }
0xf: {  	[smem:$0x3FB2] =	sst s7  }
0x10: {  	[smem:$0x3FB3] =	sst s8  }
0x11: {  	[smem:$0x3FB4] =	sst s9;
	s0 =	simm.s32 @!p0 $0x0  }
0x12: {  	s1 =	sld [smem:$0x3F9A];
	s0 =	simm.s32 @p0 $0x1  }
0x13: {  	[smem:$0x3FB5] =	sst s0;
	s0 =	simm.s32 @!p1 $0x0  }
0x14: {  	s2 =	sld [smem:$0x3F99];
	s0 =	simm.s32 @p1 $0x1  }
0x15: {  	[smem:$0x3FB6] =	sst s0;
	s0 =	simm.s32 @!p2 $0x0  }
0x16: {  	s3 =	sld [smem:$0x3FDB];
	s0 =	simm.s32 @p2 $0x1  }
0x17: {  	s4 =	simm.s32 $0x1BF5;
	[smem:$0x3FB8] =	sst s0  }
0x18: {  	s0 =	sld [smem:$0x3F9B];
	_ =	swait.ge [sflag:s4], $0x0  }
0x19: {  	s7 =	sld [smem:$0x3F9C]  }
0x1a: {  	s8 =	sadd.s32 $0xFFFFE003, lr  }
0x1b: {  	s9 =	sadd.s32 $0xFFFFFEF7, lr;
	s5 =	simm.s32 $0xFFFFFFFF;
	p2 =	slt.u32 s8, $0xFFFFF086  }
0x1c: {  	p1 =	slt.u32 s9, $0xF7A;
	s5 =	simm.s32 @!p2 $0x0  }
0x1d: {  	s5 =	simm.s32 @p1 $0x1;
	p0 =	seq.s32 s7, s2  }
0x1e: {  	s7 =	smul.u32 @!p0 $0xF7A, s2;
	p2 =	seq.s32 @!p0 s5, $0x0  }
0x1f: {  	s9 =	smul.u32 $0xF7A, s1;
	s8 =	simm.s32 @!p0 $0x1BF5;
	p2 =	por !p2, p0  }
0x20: {  	[sflag:s8] =	ssyncset.s32 @!p0 $0xFFFFF086;
	s6 =	sadd.s32 @!p0 s3, s7;
	s7 =	simm.s32 @!p0 $0x108  }
0x21: {  	s3 =	sadd.s32 s3, s9;
	s6 =	sadd.s32 @!p0 $0x88, s6;
	s7 =	simm.s32 @p2 $0x1082  }
0x22: {  	[simem:s7], [sflag:s8] =	dma.local @!p0 [hbm:s6], $0xF7A  }
0x23: {  	s9 =	sor.u32 $0xD0000000, s2;
	s6 =	simm.s32 $0x108;
	_ =	swait.ge @!p0 [sflag:s8], $0x0  }
0x24: {  	s3 =	sadd.s32 $0x88, s3;
	s6 =	simm.s32 @!p1 $0x1082;
	[sflag:s4] =	ssyncset.s32 $0xFFFFF086  }
0x25: {  	[simem:s6], [sflag:s4] =	dma.local [hbm:s3], $0xF7A  }
0x26: {  	[smem:$0x3F9C] =	sst s1;
	(tag) =	ssettag s2;
	_ =	strace s9  }
0x27: {  	s1 =	sld [smem:$0x3FAC]  }
0x28: {  	s2 =	sld [smem:$0x3FAD]  }
0x29: {  	s4 =	sld [smem:$0x3FAF]  }
0x2a: {  	p0 =	seq.s32 s5, $0x0;
	s5 =	sld [smem:$0x3FB0]  }
0x2b: {  	s6 =	sld [smem:$0x3FB1]  }
0x2c: {  	s7 =	sld [smem:$0x3FB2]  }
0x2d: {  	s3 =	simm.s32 $0x108;
	s8 =	sld [smem:$0x3FB3]  }
0x2e: {  	s3 =	simm.s32 @!p0 $0x1082;
	s9 =	sld [smem:$0x3FB4]  }
0x2f: {  	lr =	sadd.s32 s0, s3;
	s0 =	sld [smem:$0x3FAB]  }
0x30: {  	s3 =	sld [smem:$0x3FAE]  }
0x31: {  	[smem:$0x3FB7] =	sst s10  }
0x32: {  	s10 =	sld [smem:$0x3FB5];
	_ =	sdelay $0x3  }
0x33: {  	p0 =	seq.s32 s10, $0x1;
	s10 =	sld [smem:$0x3FB7];
	_ =	sdelay $0x3  }
0x34: {  	[smem:$0x3FB7] =	sst s10  }
0x35: {  	s10 =	sld [smem:$0x3FB6];
	_ =	sdelay $0x3  }
0x36: {  	p1 =	seq.s32 s10, $0x1;
	s10 =	sld [smem:$0x3FB7];
	_ =	sdelay $0x3  }
0x37: {  	[smem:$0x3FB7] =	sst s10  }
0x38: {  	s10 =	sld [smem:$0x3FB8]  }
0x39: {  	_ = 	snop;
	(pc) =	sbr.ind lr, $3  }
0x3a: {  	_ = 	snop  }
0x3b: {  	_ = 	snop  }
0x3c: {  	p2 =	seq.s32 s10, $0x1;
	s10 =	sld [smem:$0x3FB7]  }
0x3d: {  	_ =	shalt  }
0x3e: {  	_ =	shalt  }
0x3f: {  	_ =	shalt  }
0x40: {  	_ =	shalt  }
0x41: {  	_ =	shalt  }
0x42: {  	_ =	shalt  }
0x43: {  	_ =	shalt  }
0x44: {  	_ =	shalt  }
0x45: {  	_ =	shalt  }
0x46: {  	_ =	shalt  }
0x47: {  	_ =	shalt  }
0x48: {  	_ =	shalt  }
0x49: {  	_ =	shalt  }
0x4a: {  	_ =	shalt  }
0x4b: {  	_ =	shalt  }
0x4c: {  	_ =	shalt  }
0x4d: {  	_ =	shalt  }
0x4e: {  	_ =	shalt  }
0x4f: {  	_ =	shalt  }
0x50: {  	_ =	shalt  }
0x51: {  	_ =	shalt  }
0x52: {  	_ =	shalt  }
0x53: {  	_ =	shalt  }
0x54: {  	_ =	shalt  }
0x55: {  	_ =	shalt  }
0x56: {  	_ =	shalt  }
0x57: {  	_ =	shalt  }
0x58: {  	_ =	shalt  }
0x59: {  	_ =	shalt  }
0x5a: {  	_ =	shalt  }
0x5b: {  	_ =	shalt  }
0x5c: {  	_ =	shalt  }
0x5d: {  	_ =	shalt  }
0x5e: {  	_ =	shalt  }
0x5f: {  	_ =	shalt  }
0x60: {  	_ =	shalt  }
0x61: {  	_ =	shalt  }
0x62: {  	_ =	shalt  }
0x63: {  	_ =	shalt  }
0x64: {  	_ =	shalt  }
0x65: {  	_ =	shalt  }
0x66: {  	_ =	shalt  }
0x67: {  	_ =	shalt  }
0x68: {  	_ =	shalt  }
0x69: {  	_ =	shalt  }
0x6a: {  	_ =	shalt  }
0x6b: {  	_ =	shalt  }
0x6c: {  	_ =	shalt  }
0x6d: {  	_ =	shalt  }
0x6e: {  	_ =	shalt  }
0x6f: {  	_ =	shalt  }
0x70: {  	_ =	shalt  }
0x71: {  	_ =	shalt  }
0x72: {  	_ =	shalt  }
0x73: {  	_ =	shalt  }
0x74: {  	_ =	shalt  }
0x75: {  	_ =	shalt  }
0x76: {  	_ =	shalt  }
0x77: {  	_ =	shalt  }
0x78: {  	_ =	shalt  }
0x79: {  	_ =	shalt  }
0x7a: {  	_ =	shalt  }
0x7b: {  	_ =	shalt  }
0x7c: {  	_ =	shalt  }
0x7d: {  	_ =	shalt  }
0x7e: {  	_ =	shalt  }
0x7f: {  	_ =	shalt  }
0x80: {  	_ =	shalt  }
0x81: {  	_ =	shalt  }
0x82: {  	_ =	shalt  }
0x83: {  	_ =	shalt  }
0x84: {  	_ =	shalt  }
0x85: {  	_ =	shalt  }
0x86: {  	_ =	shalt  }
0x87: {  	_ =	shalt  }
.Lfunc_end0:
.L_simem_size_0:
called_computation_lowered:
.L_overlay_start_0:
0x88: {  	s2 =	sld [smem:$0x3FD9]  }
0x89: {  	s3 =	sld [smem:$0x3FFE];
	_ =	sdelay $0x1  }
0x8a: {  	s1 =	srdreg.scid  }
0x8b: {  	s0 =	sand.u32 $0x1, s1  }
0x8c: {  	s17 =	sshll.u32 s0, $0xA;
	s2 =	sadd.s32 s3, s2  }
0x8d: {  	s2 =	sadd.s32 s2, s17  }
0x8e: {  	[smem:$0x3FC3] =	sst s2  }
0x8f: {  	_ = 	snop  }
0x90: {  	s2 =	sld [smem:$0x3FD0];
	(tm) =	ssettm $0x1  }
0x91: {  	s18 =	sld [smem:$0x3FFB];
	_ =	sdelay $0x3  }
0x92: {  	_ =	strace s18  }
0x93: {  	s3 =	sld [smem:$0x3FFC];
	_ =	sdelay $0x3  }
0x94: {  	_ =	strace s3  }
0x95: {  	s3 =	sld [smem:$0x3FFD];
	_ =	sdelay $0x3  }
0x96: {  	_ =	strace s3  }
0x97: {  	_ =	strace $0x8FFFFFFF  }
0x98: {  	s19 =	sld [smem:$0x3FDB];
	_ =	sdelay $0x1  }
0x99: {  	s4 =	simm.s32 $_scs_section_size  }
0x9a: {  	s5 =	simm.s32 $_size__tile_overlayer_lowered;
	s6 =	simm.s32 $_tile_overlayer_lowered  }
0x9b: {  	s22 =	simm.s32 $0x1BFF;
	s21 =	sshll.u32 s6, $0x1;
	s3 =	sadd.s32 s4, s19  }
0x9c: {  	s7 =	simm.s32 $0x0;
	s20 =	sshll.u32 s5, $0x1;
	s5 =	sadd.s32 s21, s3  }
0x9d: {  	[timem:s7], [sflag:s22] =	dma.local [hbm:s5], s20  }
0x9e: {  	_ =	swait.ge [sflag:s22], s20  }
0x9f: {  	s4 =	ssub.s32 $0x0, s20;
	[sflag:s22] =	ssyncset.done $0x0  }
0xa0: {  	[sflag:s22] =	ssyncadd.s32 s4;
	_ =	sdelay $0x1  }
0xa1: {  	s23 =	simm.s32 $0x1B8B  }
0xa2: {  	_ =	swait.ge [sflag:s23], $0x1  }
0xa3: {  	[sflag:s23] =	ssyncset.done $0x0  }
0xa4: {  	s25 =	simm.s32 $0x1B8E;
	s24 =	sld [smem:$0x3FFE];
	[sflag:s23] =	ssyncadd.s32 $0xFFFFFFFF  }
0xa5: {  	s26 =	simm.s32 $execute0_lowered;
	[smem:$0x3FD2] =	sst s25  }
0xa6: {  	s5 =	sshll.u32 s26, $0x1;
	_ =	strace $0x80000046;
	[dreg:$0x1] =	wrdreg $0xFFFFFFFF  }
0xa7: {  	s28 =	simm.s32 $_size_execute0_lowered;
	s3 =	sadd.s32 s3, s5;
	[dreg:$0x0] =	wrdreg $0x0  }
0xa8: {  	s5 =	sshll.u32 s28, $0x1;
	[dreg:$0x2] =	wrdreg s3  }
0xa9: {  	[dreg:$0x3] =	wrdreg s5  }
0xaa: {  	[dreg:$0x4] =	wrdreg $0xC0  }
0xab: {  	_ =	task [dreg:s7], $0x5FFFF  }
0xac: {  	[dreg:$0x1] =	wrdreg $0xFFFFFFFF  }
0xad: {  	[dreg:$0x0] =	wrdreg $0x60  }
0xae: {  	[dreg:$0x2] =	wrdreg s24  }
0xaf: {  	[dreg:$0x3] =	wrdreg s2  }
0xb0: {  	[dreg:$0x4] =	wrdreg $0x9  }
0xb1: {  	_ =	task.clear_ibuf [dreg:s7], $0x5FFFF;
	_ =	strace $0x90000046  }
0xb2: {  	s29 =	simm.s32 $0x9;
	_ =	strace $0x80000048  }
0xb3: {  	_ =	swait.ge [sflag:s29], $0x1  }
0xb4: {  	[sflag:s29] =	ssyncadd.s32 $0xFFFFFFFF  }
0xb5: {  	_ =	strace $0x90000048  }
0xb6: {  	_ =	sfence  }
0xb7: {  	s30 =	sld [smem:$0x0];
	_ =	sdelay $0x2  }
0xb8: {  	s31 =	sshll.u32 s1, $0xD;
	s1 =	sshrl.u32 s1, $0x2  }
0xb9: {  	s3 =	sand.u32 $0x4000, s31;
	s1 =	sadd.s32 s1, s30  }
0xba: {  	s0 =	sor.u32 s3, s0;
	s1 =	sshll.u32 s1, $0x11  }
0xbb: {  	s0 =	sor.u32 s1, s0  }
0xbc: {  	s0 =	sadd.s32 $0x8F2B, s0  }
0xbd: {  	[sflag:s0] =	ssyncadd.remote.s32 $0x1  }
0xbe: {  	_ =	sfence.sel $0xFFFF  }
0xbf: {  	[dreg:$0x0] =	wrdreg $0xFFFFFFFF;
	(pc) =	sbr.abs _section_cstart, $3  }
0xc0: {  	[dreg:$0x1] =	wrdreg $0xFFFFFFFF  }
0xc1: {  	_ =	task.clear_ibuf [dreg:s7], $0x2FFFF;
	_ =	strace $0x9FFFFFFF  }
0xc2: {  	(tm) =	ssettm $0x7FFFFFFF  }
0xc3: {  	_ =	shalt  }
tec
execute0_lowered:
.L_overlay_start_1:
0x0: {  	(tag) =	ssettag $0x1  }
0x1: {  	s5 =	rddreg [dreg:$0x0]  }
0x2: {  	s2 =	rddreg [dreg:$0x1]  }
0x3: {  	s0 =	rddreg [dreg:$0x2];
	s4 =	srdreg.scid  }
0x4: {  	s1 =	stileid.u32;
	s3 =	simm.s32 $0x0;
	s9 =	simm.s32 $0x10000  }
0x5: {  	s10 =	simm.s32 $0x1;
	s11 =	simm.s32 $0x10200;
	s12 =	simm.s32 $0x0  }
0x6: {  	s4 =	sand.u32 $0x1, s4;
	s6 =	sshll.u32 s1, $0x1;
	[smem:$0x7FF] =	sst s3  }
0x7: {  	s6 =	sor.u32 s4, s6;
	_ =	strace $0x80000047;
	s8 =	ssub.s32 $0x2, s4  }
0x8: {  	s4 =	sadd.s32 $0x1400, s5;
	s7 =	sshll.u32 s6, $0xD;
	s31 =	sshrl.u32 s8, $0x1  }
0x9: {  	s6 =	sshll.u32 s6, $0xA;
	s7 =	sadd.s32 s7, s5;
	s8 =	ssub.s32 s8, s31  }
0xa: {  	s5 =	sadd.s32 $0x81400, s7;
	s7 =	sadd.s32 $0x1600, s7;
	s8 =	smax.u32 s8, $0x1  }
.LBB2_1:
0xb: {  	[tilespmem:s9], [sflag:$0x1] =	stream.linear.gather [hbm4b:s4+s3], $0x200, $0x38;
	[tilespmem:$0x18200] =	vst v63  }
0xc: {  	_ =	swait.ge [sflag:s10], $0x200  }
0xd: {  	[sflag:s10] =	ssyncset.done $0x0  }
0xe: {  	[sflag:s10] =	ssyncadd.s32 $0xFFFFFE00  }
0xf: {  	[tilespmem:s11], [sflag:$0x1] =	stream.linear.gather [hbm4b:s2+s3], $0x8000, $0x38;
	[tilespmem:$0x18200] =	vst v63  }
0x10: {  	_ =	swait.ge [sflag:s10], $0x8000  }
0x11: {  	[sflag:s10] =	ssyncset.done $0x0  }
0x12: {  	[sflag:s10] =	ssyncadd.s32 $0xFFFF8000  }
0x13: {  	[tilespmem:s3], [sflag:$0x1] =	stream.linear.gather [hbm4b:s5+s3], $0x10000, $0x38;
	[tilespmem:$0x18200] =	vst v63  }
0x14: {  	_ =	swait.ge [sflag:s10], $0x10000  }
0x15: {  	[sflag:s10] =	ssyncset.done $0x0  }
0x16: {  	s13 =	simm.s32 $0x0;
	[sflag:s10] =	ssyncadd.s32 $0xFFFF0000  }
0x17: {  	v3 =	vld [tilespmem:s13+$0x0]  }
0x18: {  	v5 =	vld [tilespmem:s13+$0x10]  }
0x19: {  	v4 =	vld [tilespmem:s13+$0x20]  }
0x1a: {  	v2 =	vld [tilespmem:s13+$0x30]  }
0x1b: {  	v0 =	vld [tilespmem:s13+$0x40]  }
0x1c: {  	v1 =	vld [tilespmem:s13+$0x50];
	v6 =	vmul.f32 $9.900000090e-01, v3  }
0x1d: {  	s14 =	simm.s32 $0x200;
	v5 =	vmul.f32 $9.900000090e-01, v5;
	v3 =	vld [tilespmem:s13+$0x60]  }
.LBB2_2:
0x1e: {  	s15 =	sshra.s32 s14, $0x2;
	p0 =	sne.s32 s14, $0x3FE00;
	[tilespmem:s13+$0x0] =	vst v6;
	v4 =	vmul.f32 $9.900000090e-01, v4;
	v6 =	vld [tilespmem:s13+$0x70]  }
0x1f: {  	v7 =	vld [tilespmem:s15+$0x0];
	[tilespmem:s13+$0x10] =	vst v5;
	v2 =	vmul.f32 $9.900000090e-01, v2  }
0x20: {  	v5 =	vld [tilespmem:s15+$0x10];
	[tilespmem:s13+$0x20] =	vst v4;
	v0 =	vmul.f32 $9.900000090e-01, v0  }
.Ltmp0:
0x21: {  	v4 =	vld [tilespmem:s15+$0x20];
	[tilespmem:s13+$0x30] =	vst v2;
	v1 =	vmul.f32 $9.900000090e-01, v1;
	(pc) =	sbr.rel @p0 .LBB2_2-.Ltmp0, $4  }
0x22: {  	v2 =	vld [tilespmem:s15+$0x30];
	[tilespmem:s13+$0x40] =	vst v0;
	v3 =	vmul.f32 $9.900000090e-01, v3  }
0x23: {  	v0 =	vld [tilespmem:s15+$0x40];
	[tilespmem:s13+$0x50] =	vst v1;
	v8 =	vmul.f32 $9.900000090e-01, v6  }
0x24: {  	v6 =	vmul.f32 $9.900000090e-01, v7;
	v1 =	vld [tilespmem:s15+$0x50];
	[tilespmem:s13+$0x60] =	vst v3  }
0x25: {  	s14 =	sadd.s32 $0x200, s14;
	v5 =	vmul.f32 $9.900000090e-01, v5;
	v3 =	vld [tilespmem:s15+$0x60];
	[tilespmem:s13+$0x70] =	vst v8;
	s13 =	smov.u32 s15  }
0x26: {  	[tilespmem:s13+$0x0] =	vst v6;
	v4 =	vmul.f32 $9.900000090e-01, v4;
	v61 =	vld [tilespmem:s13+$0x70]  }
0x27: {  	[tilespmem:s13+$0x10] =	vst v5;
	v2 =	vmul.f32 $9.900000090e-01, v2  }
0x28: {  	[tilespmem:s13+$0x20] =	vst v4;
	v0 =	vmul.f32 $9.900000090e-01, v0  }
0x29: {  	[tilespmem:s13+$0x30] =	vst v2;
	v1 =	vmul.f32 $9.900000090e-01, v1  }
0x2a: {  	[tilespmem:s13+$0x40] =	vst v0;
	v62 =	vmul.f32 $9.900000090e-01, v3  }
0x2b: {  	[tilespmem:s13+$0x50] =	vst v1;
	v63 =	vmul.f32 $9.900000090e-01, v61  }
0x2c: {  	[tilespmem:s13+$0x60] =	vst v62  }
0x2d: {  	s14 =	simm.s32 $0x10400;
	[tilespmem:s13+$0x70] =	vst v63;
	s13 =	simm.s32 $0x0  }
.LBB2_4:
0x2e: {  	s15 =	sshra.s32 s13, $0x2  }
0x2f: {  	v0 =	vld [tilespmem:s15+$0x10000];
	_ =	sdelay $0x4  }
0x30: {  	(v2sf) =	vpush v0, $0x0;
	_ =	sdelay $0xe  }
0x31: {  	s16 =	spop (v2sf)  }
0x32: {  	s15 =	ssub.s32 s16, s6  }
0x33: {  	p0 =	sgt.u32 s15, $0x3FF  }
0x34: {  	s15 =	sshll.u32 @!p0 s15, $0x6;
	v1 =	vld @!p0 [tilespmem:s14+$0xFFFFFE00]  }
0x35: {  	s15 =	sand.u32 @!p0 $0xFFC0, s15  }
0x36: {  	v2 =	vld @!p0 [tilespmem:s15+$0x0];
	_ =	sdelay $0x2  }
0x37: {  	v1 =	vmul.f32 @!p0 $2.499999940e-03, v1;
	_ =	sdelay $0x1  }
0x38: {  	v1 =	vadd.f32 @!p0 v1, v2;
	_ =	sdelay $0x1  }
0x39: {  	[tilespmem:s15+$0x0] =	vst @!p0 v1  }
0x3a: {  	v1 =	vld @!p0 [tilespmem:s14+$0xFFFFFE10];
	_ =	sdelay $0x1  }
0x3b: {  	v2 =	vld @!p0 [tilespmem:s15+$0x10];
	_ =	sdelay $0x2  }
0x3c: {  	v1 =	vmul.f32 @!p0 $2.499999940e-03, v1;
	_ =	sdelay $0x1  }
0x3d: {  	v1 =	vadd.f32 @!p0 v1, v2;
	_ =	sdelay $0x1  }
0x3e: {  	[tilespmem:s15+$0x10] =	vst @!p0 v1  }
0x3f: {  	v1 =	vld @!p0 [tilespmem:s14+$0xFFFFFE20];
	_ =	sdelay $0x1  }
0x40: {  	(v2sf) =	vpush v0, $0x1;
	v2 =	vld @!p0 [tilespmem:s15+$0x20];
	_ =	sdelay $0x2  }
0x41: {  	v1 =	vmul.f32 @!p0 $2.499999940e-03, v1;
	_ =	sdelay $0x1  }
0x42: {  	v1 =	vadd.f32 @!p0 v1, v2;
	_ =	sdelay $0x1  }
0x43: {  	[tilespmem:s15+$0x20] =	vst @!p0 v1  }
0x44: {  	v1 =	vld @!p0 [tilespmem:s14+$0xFFFFFE30];
	_ =	sdelay $0x1  }
0x45: {  	v2 =	vld @!p0 [tilespmem:s15+$0x30];
	_ =	sdelay $0x2  }
0x46: {  	v1 =	vmul.f32 @!p0 $2.499999940e-03, v1;
	_ =	sdelay $0x1  }
0x47: {  	s16 =	spop (v2sf);
	v1 =	vadd.f32 @!p0 v1, v2  }
0x48: {  	s16 =	ssub.s32 s16, s6  }
0x49: {  	[tilespmem:s15+$0x30] =	vst @!p0 v1;
	p0 =	sgt.u32 s16, $0x3FF  }
0x4a: {  	s15 =	sshll.u32 @!p0 s16, $0x6;
	v1 =	vld @!p0 [tilespmem:s14+$0xFFFFFE40]  }
0x4b: {  	s15 =	sand.u32 @!p0 $0xFFC0, s15  }
0x4c: {  	v2 =	vld @!p0 [tilespmem:s15+$0x0];
	_ =	sdelay $0x2  }
0x4d: {  	v1 =	vmul.f32 @!p0 $2.499999940e-03, v1;
	_ =	sdelay $0x1  }
0x4e: {  	v1 =	vadd.f32 @!p0 v1, v2;
	_ =	sdelay $0x1  }
0x4f: {  	[tilespmem:s15+$0x0] =	vst @!p0 v1  }
0x50: {  	v1 =	vld @!p0 [tilespmem:s14+$0xFFFFFE50];
	_ =	sdelay $0x1  }
0x51: {  	v2 =	vld @!p0 [tilespmem:s15+$0x10];
	_ =	sdelay $0x2  }
0x52: {  	v1 =	vmul.f32 @!p0 $2.499999940e-03, v1;
	_ =	sdelay $0x1  }
0x53: {  	v1 =	vadd.f32 @!p0 v1, v2;
	_ =	sdelay $0x1  }
0x54: {  	[tilespmem:s15+$0x10] =	vst @!p0 v1  }
0x55: {  	v1 =	vld @!p0 [tilespmem:s14+$0xFFFFFE60];
	_ =	sdelay $0x1  }
0x56: {  	(v2sf) =	vpush v0, $0x2;
	v2 =	vld @!p0 [tilespmem:s15+$0x20];
	_ =	sdelay $0x2  }
0x57: {  	v1 =	vmul.f32 @!p0 $2.499999940e-03, v1;
	_ =	sdelay $0x1  }
0x58: {  	v1 =	vadd.f32 @!p0 v1, v2;
	_ =	sdelay $0x1  }
0x59: {  	[tilespmem:s15+$0x20] =	vst @!p0 v1  }
0x5a: {  	v1 =	vld @!p0 [tilespmem:s14+$0xFFFFFE70];
	_ =	sdelay $0x1  }
0x5b: {  	v2 =	vld @!p0 [tilespmem:s15+$0x30];
	_ =	sdelay $0x2  }
0x5c: {  	v1 =	vmul.f32 @!p0 $2.499999940e-03, v1;
	_ =	sdelay $0x1  }
0x5d: {  	s17 =	spop (v2sf);
	v1 =	vadd.f32 @!p0 v1, v2  }
0x5e: {  	s16 =	ssub.s32 s17, s6  }
0x5f: {  	[tilespmem:s15+$0x30] =	vst @!p0 v1;
	p0 =	sgt.u32 s16, $0x3FF  }
0x60: {  	s15 =	sshll.u32 @!p0 s16, $0x6;
	v1 =	vld @!p0 [tilespmem:s14+$0xFFFFFE80]  }
0x61: {  	s15 =	sand.u32 @!p0 $0xFFC0, s15  }
0x62: {  	v2 =	vld @!p0 [tilespmem:s15+$0x0];
	_ =	sdelay $0x2  }
0x63: {  	v1 =	vmul.f32 @!p0 $2.499999940e-03, v1;
	_ =	sdelay $0x1  }
0x64: {  	v1 =	vadd.f32 @!p0 v1, v2;
	_ =	sdelay $0x1  }
0x65: {  	[tilespmem:s15+$0x0] =	vst @!p0 v1  }
0x66: {  	v1 =	vld @!p0 [tilespmem:s14+$0xFFFFFE90];
	_ =	sdelay $0x1  }
0x67: {  	v2 =	vld @!p0 [tilespmem:s15+$0x10];
	_ =	sdelay $0x2  }
0x68: {  	v1 =	vmul.f32 @!p0 $2.499999940e-03, v1;
	_ =	sdelay $0x1  }
0x69: {  	v1 =	vadd.f32 @!p0 v1, v2;
	_ =	sdelay $0x1  }
0x6a: {  	[tilespmem:s15+$0x10] =	vst @!p0 v1  }
0x6b: {  	v1 =	vld @!p0 [tilespmem:s14+$0xFFFFFEA0];
	_ =	sdelay $0x1  }
0x6c: {  	(v2sf) =	vpush v0, $0x3;
	v2 =	vld @!p0 [tilespmem:s15+$0x20];
	_ =	sdelay $0x2  }
0x6d: {  	v1 =	vmul.f32 @!p0 $2.499999940e-03, v1;
	_ =	sdelay $0x1  }
0x6e: {  	v1 =	vadd.f32 @!p0 v1, v2;
	_ =	sdelay $0x1  }
0x6f: {  	[tilespmem:s15+$0x20] =	vst @!p0 v1  }
0x70: {  	v1 =	vld @!p0 [tilespmem:s14+$0xFFFFFEB0];
	_ =	sdelay $0x1  }
0x71: {  	v2 =	vld @!p0 [tilespmem:s15+$0x30];
	_ =	sdelay $0x2  }
0x72: {  	v1 =	vmul.f32 @!p0 $2.499999940e-03, v1;
	_ =	sdelay $0x1  }
0x73: {  	s18 =	spop (v2sf);
	v1 =	vadd.f32 @!p0 v1, v2  }
0x74: {  	s16 =	ssub.s32 s18, s6  }
0x75: {  	[tilespmem:s15+$0x30] =	vst @!p0 v1;
	p0 =	sgt.u32 s16, $0x3FF  }
0x76: {  	s15 =	sshll.u32 @!p0 s16, $0x6;
	v1 =	vld @!p0 [tilespmem:s14+$0xFFFFFEC0]  }
0x77: {  	s15 =	sand.u32 @!p0 $0xFFC0, s15  }
0x78: {  	v2 =	vld @!p0 [tilespmem:s15+$0x0];
	_ =	sdelay $0x2  }
0x79: {  	v1 =	vmul.f32 @!p0 $2.499999940e-03, v1;
	_ =	sdelay $0x1  }
0x7a: {  	v1 =	vadd.f32 @!p0 v1, v2;
	_ =	sdelay $0x1  }
0x7b: {  	[tilespmem:s15+$0x0] =	vst @!p0 v1  }
0x7c: {  	v1 =	vld @!p0 [tilespmem:s14+$0xFFFFFED0];
	_ =	sdelay $0x1  }
0x7d: {  	v2 =	vld @!p0 [tilespmem:s15+$0x10];
	_ =	sdelay $0x2  }
0x7e: {  	v1 =	vmul.f32 @!p0 $2.499999940e-03, v1;
	_ =	sdelay $0x1  }
0x7f: {  	v1 =	vadd.f32 @!p0 v1, v2;
	_ =	sdelay $0x1  }
0x80: {  	[tilespmem:s15+$0x10] =	vst @!p0 v1  }
0x81: {  	v1 =	vld @!p0 [tilespmem:s14+$0xFFFFFEE0];
	_ =	sdelay $0x1  }
0x82: {  	(v2sf) =	vpush v0, $0x4;
	v2 =	vld @!p0 [tilespmem:s15+$0x20];
	_ =	sdelay $0x2  }
0x83: {  	v1 =	vmul.f32 @!p0 $2.499999940e-03, v1;
	_ =	sdelay $0x1  }
0x84: {  	v1 =	vadd.f32 @!p0 v1, v2;
	_ =	sdelay $0x1  }
0x85: {  	[tilespmem:s15+$0x20] =	vst @!p0 v1  }
0x86: {  	v1 =	vld @!p0 [tilespmem:s14+$0xFFFFFEF0];
	_ =	sdelay $0x1  }
0x87: {  	v2 =	vld @!p0 [tilespmem:s15+$0x30];
	_ =	sdelay $0x2  }
0x88: {  	v1 =	vmul.f32 @!p0 $2.499999940e-03, v1;
	_ =	sdelay $0x1  }
0x89: {  	s19 =	spop (v2sf);
	v1 =	vadd.f32 @!p0 v1, v2  }
0x8a: {  	s16 =	ssub.s32 s19, s6  }
0x8b: {  	[tilespmem:s15+$0x30] =	vst @!p0 v1;
	p0 =	sgt.u32 s16, $0x3FF  }
0x8c: {  	s15 =	sshll.u32 @!p0 s16, $0x6;
	v1 =	vld @!p0 [tilespmem:s14+$0xFFFFFF00]  }
0x8d: {  	s15 =	sand.u32 @!p0 $0xFFC0, s15  }
0x8e: {  	v2 =	vld @!p0 [tilespmem:s15+$0x0];
	_ =	sdelay $0x2  }
0x8f: {  	v1 =	vmul.f32 @!p0 $2.499999940e-03, v1;
	_ =	sdelay $0x1  }
0x90: {  	v1 =	vadd.f32 @!p0 v1, v2;
	_ =	sdelay $0x1  }
0x91: {  	[tilespmem:s15+$0x0] =	vst @!p0 v1  }
0x92: {  	v1 =	vld @!p0 [tilespmem:s14+$0xFFFFFF10];
	_ =	sdelay $0x1  }
0x93: {  	v2 =	vld @!p0 [tilespmem:s15+$0x10];
	_ =	sdelay $0x2  }
0x94: {  	v1 =	vmul.f32 @!p0 $2.499999940e-03, v1;
	_ =	sdelay $0x1  }
0x95: {  	v1 =	vadd.f32 @!p0 v1, v2;
	_ =	sdelay $0x1  }
0x96: {  	[tilespmem:s15+$0x10] =	vst @!p0 v1  }
0x97: {  	v1 =	vld @!p0 [tilespmem:s14+$0xFFFFFF20];
	_ =	sdelay $0x1  }
0x98: {  	(v2sf) =	vpush v0, $0x5;
	v2 =	vld @!p0 [tilespmem:s15+$0x20];
	_ =	sdelay $0x2  }
0x99: {  	v1 =	vmul.f32 @!p0 $2.499999940e-03, v1;
	_ =	sdelay $0x1  }
0x9a: {  	v1 =	vadd.f32 @!p0 v1, v2;
	_ =	sdelay $0x1  }
0x9b: {  	[tilespmem:s15+$0x20] =	vst @!p0 v1  }
0x9c: {  	v1 =	vld @!p0 [tilespmem:s14+$0xFFFFFF30];
	_ =	sdelay $0x1  }
0x9d: {  	v2 =	vld @!p0 [tilespmem:s15+$0x30];
	_ =	sdelay $0x2  }
0x9e: {  	v1 =	vmul.f32 @!p0 $2.499999940e-03, v1;
	_ =	sdelay $0x1  }
0x9f: {  	s20 =	spop (v2sf);
	v1 =	vadd.f32 @!p0 v1, v2  }
0xa0: {  	s16 =	ssub.s32 s20, s6  }
0xa1: {  	[tilespmem:s15+$0x30] =	vst @!p0 v1;
	p0 =	sgt.u32 s16, $0x3FF  }
0xa2: {  	s15 =	sshll.u32 @!p0 s16, $0x6;
	v1 =	vld @!p0 [tilespmem:s14+$0xFFFFFF40]  }
0xa3: {  	s15 =	sand.u32 @!p0 $0xFFC0, s15  }
0xa4: {  	v2 =	vld @!p0 [tilespmem:s15+$0x0];
	_ =	sdelay $0x2  }
0xa5: {  	v1 =	vmul.f32 @!p0 $2.499999940e-03, v1;
	_ =	sdelay $0x1  }
0xa6: {  	v1 =	vadd.f32 @!p0 v1, v2;
	_ =	sdelay $0x1  }
0xa7: {  	[tilespmem:s15+$0x0] =	vst @!p0 v1  }
0xa8: {  	v1 =	vld @!p0 [tilespmem:s14+$0xFFFFFF50];
	_ =	sdelay $0x1  }
0xa9: {  	v2 =	vld @!p0 [tilespmem:s15+$0x10];
	_ =	sdelay $0x2  }
0xaa: {  	v1 =	vmul.f32 @!p0 $2.499999940e-03, v1;
	_ =	sdelay $0x1  }
0xab: {  	v1 =	vadd.f32 @!p0 v1, v2;
	_ =	sdelay $0x1  }
0xac: {  	[tilespmem:s15+$0x10] =	vst @!p0 v1  }
0xad: {  	v1 =	vld @!p0 [tilespmem:s14+$0xFFFFFF60];
	_ =	sdelay $0x1  }
0xae: {  	(v2sf) =	vpush v0, $0x6;
	v2 =	vld @!p0 [tilespmem:s15+$0x20];
	_ =	sdelay $0x2  }
0xaf: {  	v1 =	vmul.f32 @!p0 $2.499999940e-03, v1;
	_ =	sdelay $0x1  }
0xb0: {  	v1 =	vadd.f32 @!p0 v1, v2;
	_ =	sdelay $0x1  }
0xb1: {  	[tilespmem:s15+$0x20] =	vst @!p0 v1  }
0xb2: {  	v1 =	vld @!p0 [tilespmem:s14+$0xFFFFFF70];
	_ =	sdelay $0x1  }
0xb3: {  	v2 =	vld @!p0 [tilespmem:s15+$0x30];
	_ =	sdelay $0x2  }
0xb4: {  	v1 =	vmul.f32 @!p0 $2.499999940e-03, v1;
	_ =	sdelay $0x1  }
0xb5: {  	s21 =	spop (v2sf);
	v1 =	vadd.f32 @!p0 v1, v2  }
0xb6: {  	s16 =	ssub.s32 s21, s6  }
0xb7: {  	[tilespmem:s15+$0x30] =	vst @!p0 v1;
	p0 =	sgt.u32 s16, $0x3FF  }
0xb8: {  	s15 =	sshll.u32 @!p0 s16, $0x6;
	v1 =	vld @!p0 [tilespmem:s14+$0xFFFFFF80]  }
0xb9: {  	s15 =	sand.u32 @!p0 $0xFFC0, s15  }
0xba: {  	v2 =	vld @!p0 [tilespmem:s15+$0x0];
	_ =	sdelay $0x2  }
0xbb: {  	v1 =	vmul.f32 @!p0 $2.499999940e-03, v1;
	_ =	sdelay $0x1  }
0xbc: {  	v1 =	vadd.f32 @!p0 v1, v2;
	_ =	sdelay $0x1  }
0xbd: {  	[tilespmem:s15+$0x0] =	vst @!p0 v1  }
0xbe: {  	v1 =	vld @!p0 [tilespmem:s14+$0xFFFFFF90];
	_ =	sdelay $0x1  }
0xbf: {  	v2 =	vld @!p0 [tilespmem:s15+$0x10];
	_ =	sdelay $0x2  }
0xc0: {  	v1 =	vmul.f32 @!p0 $2.499999940e-03, v1;
	_ =	sdelay $0x1  }
0xc1: {  	v1 =	vadd.f32 @!p0 v1, v2;
	_ =	sdelay $0x1  }
0xc2: {  	[tilespmem:s15+$0x10] =	vst @!p0 v1  }
0xc3: {  	v1 =	vld @!p0 [tilespmem:s14+$0xFFFFFFA0];
	_ =	sdelay $0x1  }
0xc4: {  	(v2sf) =	vpush v0, $0x7;
	v2 =	vld @!p0 [tilespmem:s15+$0x20];
	_ =	sdelay $0x2  }
0xc5: {  	v1 =	vmul.f32 @!p0 $2.499999940e-03, v1;
	_ =	sdelay $0x1  }
0xc6: {  	v1 =	vadd.f32 @!p0 v1, v2;
	_ =	sdelay $0x1  }
0xc7: {  	[tilespmem:s15+$0x20] =	vst @!p0 v1  }
0xc8: {  	v1 =	vld @!p0 [tilespmem:s14+$0xFFFFFFB0];
	_ =	sdelay $0x1  }
0xc9: {  	v2 =	vld @!p0 [tilespmem:s15+$0x30];
	_ =	sdelay $0x2  }
0xca: {  	v1 =	vmul.f32 @!p0 $2.499999940e-03, v1;
	_ =	sdelay $0x1  }
0xcb: {  	s22 =	spop (v2sf);
	v1 =	vadd.f32 @!p0 v1, v2  }
0xcc: {  	s16 =	ssub.s32 s22, s6  }
0xcd: {  	[tilespmem:s15+$0x30] =	vst @!p0 v1;
	p0 =	sgt.u32 s16, $0x3FF  }
0xce: {  	s15 =	sshll.u32 @!p0 s16, $0x6;
	v1 =	vld @!p0 [tilespmem:s14+$0xFFFFFFC0]  }
0xcf: {  	s15 =	sand.u32 @!p0 $0xFFC0, s15  }
0xd0: {  	v2 =	vld @!p0 [tilespmem:s15+$0x0];
	_ =	sdelay $0x2  }
0xd1: {  	v1 =	vmul.f32 @!p0 $2.499999940e-03, v1;
	_ =	sdelay $0x1  }
0xd2: {  	v1 =	vadd.f32 @!p0 v1, v2;
	_ =	sdelay $0x1  }
0xd3: {  	[tilespmem:s15+$0x0] =	vst @!p0 v1  }
0xd4: {  	v1 =	vld @!p0 [tilespmem:s14+$0xFFFFFFD0];
	_ =	sdelay $0x1  }
0xd5: {  	v2 =	vld @!p0 [tilespmem:s15+$0x10];
	_ =	sdelay $0x2  }
0xd6: {  	v1 =	vmul.f32 @!p0 $2.499999940e-03, v1;
	_ =	sdelay $0x1  }
0xd7: {  	v1 =	vadd.f32 @!p0 v1, v2;
	_ =	sdelay $0x1  }
0xd8: {  	[tilespmem:s15+$0x10] =	vst @!p0 v1  }
0xd9: {  	v1 =	vld @!p0 [tilespmem:s14+$0xFFFFFFE0];
	_ =	sdelay $0x1  }
0xda: {  	(v2sf) =	vpush v0, $0x8;
	v2 =	vld @!p0 [tilespmem:s15+$0x20];
	_ =	sdelay $0x2  }
0xdb: {  	v1 =	vmul.f32 @!p0 $2.499999940e-03, v1;
	_ =	sdelay $0x1  }
0xdc: {  	v1 =	vadd.f32 @!p0 v1, v2;
	_ =	sdelay $0x1  }
0xdd: {  	[tilespmem:s15+$0x20] =	vst @!p0 v1  }
0xde: {  	v1 =	vld @!p0 [tilespmem:s14+$0xFFFFFFF0];
	_ =	sdelay $0x1  }
0xdf: {  	v2 =	vld @!p0 [tilespmem:s15+$0x30];
	_ =	sdelay $0x2  }
0xe0: {  	v1 =	vmul.f32 @!p0 $2.499999940e-03, v1;
	_ =	sdelay $0x1  }
0xe1: {  	s23 =	spop (v2sf);
	v1 =	vadd.f32 @!p0 v1, v2  }
0xe2: {  	s16 =	ssub.s32 s23, s6  }
0xe3: {  	[tilespmem:s15+$0x30] =	vst @!p0 v1;
	p0 =	sgt.u32 s16, $0x3FF  }
0xe4: {  	s15 =	sshll.u32 @!p0 s16, $0x6;
	v1 =	vld @!p0 [tilespmem:s14+$0x0]  }
0xe5: {  	s15 =	sand.u32 @!p0 $0xFFC0, s15  }
0xe6: {  	v2 =	vld @!p0 [tilespmem:s15+$0x0];
	_ =	sdelay $0x2  }
0xe7: {  	v1 =	vmul.f32 @!p0 $2.499999940e-03, v1;
	_ =	sdelay $0x1  }
0xe8: {  	v1 =	vadd.f32 @!p0 v1, v2;
	_ =	sdelay $0x1  }
0xe9: {  	[tilespmem:s15+$0x0] =	vst @!p0 v1  }
0xea: {  	v1 =	vld @!p0 [tilespmem:s14+$0x10];
	_ =	sdelay $0x1  }
0xeb: {  	v2 =	vld @!p0 [tilespmem:s15+$0x10];
	_ =	sdelay $0x2  }
0xec: {  	v1 =	vmul.f32 @!p0 $2.499999940e-03, v1;
	_ =	sdelay $0x1  }
0xed: {  	v1 =	vadd.f32 @!p0 v1, v2;
	_ =	sdelay $0x1  }
0xee: {  	[tilespmem:s15+$0x10] =	vst @!p0 v1  }
0xef: {  	v1 =	vld @!p0 [tilespmem:s14+$0x20];
	_ =	sdelay $0x1  }
0xf0: {  	(v2sf) =	vpush v0, $0x9;
	v2 =	vld @!p0 [tilespmem:s15+$0x20];
	_ =	sdelay $0x2  }
0xf1: {  	v1 =	vmul.f32 @!p0 $2.499999940e-03, v1;
	_ =	sdelay $0x1  }
0xf2: {  	v1 =	vadd.f32 @!p0 v1, v2;
	_ =	sdelay $0x1  }
0xf3: {  	[tilespmem:s15+$0x20] =	vst @!p0 v1  }
0xf4: {  	v1 =	vld @!p0 [tilespmem:s14+$0x30];
	_ =	sdelay $0x1  }
0xf5: {  	v2 =	vld @!p0 [tilespmem:s15+$0x30];
	_ =	sdelay $0x2  }
0xf6: {  	v1 =	vmul.f32 @!p0 $2.499999940e-03, v1;
	_ =	sdelay $0x1  }
0xf7: {  	s24 =	spop (v2sf);
	v1 =	vadd.f32 @!p0 v1, v2  }
0xf8: {  	s16 =	ssub.s32 s24, s6  }
0xf9: {  	[tilespmem:s15+$0x30] =	vst @!p0 v1;
	p0 =	sgt.u32 s16, $0x3FF  }
0xfa: {  	s15 =	sshll.u32 @!p0 s16, $0x6;
	v1 =	vld @!p0 [tilespmem:s14+$0x40]  }
0xfb: {  	s15 =	sand.u32 @!p0 $0xFFC0, s15  }
0xfc: {  	v2 =	vld @!p0 [tilespmem:s15+$0x0];
	_ =	sdelay $0x2  }
0xfd: {  	v1 =	vmul.f32 @!p0 $2.499999940e-03, v1;
	_ =	sdelay $0x1  }
0xfe: {  	v1 =	vadd.f32 @!p0 v1, v2;
	_ =	sdelay $0x1  }
0xff: {  	[tilespmem:s15+$0x0] =	vst @!p0 v1  }
0x100: {  	v1 =	vld @!p0 [tilespmem:s14+$0x50];
	_ =	sdelay $0x1  }
0x101: {  	v2 =	vld @!p0 [tilespmem:s15+$0x10];
	_ =	sdelay $0x2  }
0x102: {  	v1 =	vmul.f32 @!p0 $2.499999940e-03, v1;
	_ =	sdelay $0x1  }
0x103: {  	v1 =	vadd.f32 @!p0 v1, v2;
	_ =	sdelay $0x1  }
0x104: {  	[tilespmem:s15+$0x10] =	vst @!p0 v1  }
0x105: {  	v1 =	vld @!p0 [tilespmem:s14+$0x60];
	_ =	sdelay $0x1  }
0x106: {  	(v2sf) =	vpush v0, $0xA;
	v2 =	vld @!p0 [tilespmem:s15+$0x20];
	_ =	sdelay $0x2  }
0x107: {  	v1 =	vmul.f32 @!p0 $2.499999940e-03, v1;
	_ =	sdelay $0x1  }
0x108: {  	v1 =	vadd.f32 @!p0 v1, v2;
	_ =	sdelay $0x1  }
0x109: {  	[tilespmem:s15+$0x20] =	vst @!p0 v1  }
0x10a: {  	v1 =	vld @!p0 [tilespmem:s14+$0x70];
	_ =	sdelay $0x1  }
0x10b: {  	v2 =	vld @!p0 [tilespmem:s15+$0x30];
	_ =	sdelay $0x2  }
0x10c: {  	v1 =	vmul.f32 @!p0 $2.499999940e-03, v1;
	_ =	sdelay $0x1  }
0x10d: {  	s25 =	spop (v2sf);
	v1 =	vadd.f32 @!p0 v1, v2  }
0x10e: {  	s16 =	ssub.s32 s25, s6  }
0x10f: {  	[tilespmem:s15+$0x30] =	vst @!p0 v1;
	p0 =	sgt.u32 s16, $0x3FF  }
0x110: {  	s15 =	sshll.u32 @!p0 s16, $0x6;
	v1 =	vld @!p0 [tilespmem:s14+$0x80]  }
0x111: {  	s15 =	sand.u32 @!p0 $0xFFC0, s15  }
0x112: {  	v2 =	vld @!p0 [tilespmem:s15+$0x0];
	_ =	sdelay $0x2  }
0x113: {  	v1 =	vmul.f32 @!p0 $2.499999940e-03, v1;
	_ =	sdelay $0x1  }
0x114: {  	v1 =	vadd.f32 @!p0 v1, v2;
	_ =	sdelay $0x1  }
0x115: {  	[tilespmem:s15+$0x0] =	vst @!p0 v1  }
0x116: {  	v1 =	vld @!p0 [tilespmem:s14+$0x90];
	_ =	sdelay $0x1  }
0x117: {  	v2 =	vld @!p0 [tilespmem:s15+$0x10];
	_ =	sdelay $0x2  }
0x118: {  	v1 =	vmul.f32 @!p0 $2.499999940e-03, v1;
	_ =	sdelay $0x1  }
0x119: {  	v1 =	vadd.f32 @!p0 v1, v2;
	_ =	sdelay $0x1  }
0x11a: {  	[tilespmem:s15+$0x10] =	vst @!p0 v1  }
0x11b: {  	v1 =	vld @!p0 [tilespmem:s14+$0xA0];
	_ =	sdelay $0x1  }
0x11c: {  	(v2sf) =	vpush v0, $0xB;
	v2 =	vld @!p0 [tilespmem:s15+$0x20];
	_ =	sdelay $0x2  }
0x11d: {  	v1 =	vmul.f32 @!p0 $2.499999940e-03, v1;
	_ =	sdelay $0x1  }
0x11e: {  	v1 =	vadd.f32 @!p0 v1, v2;
	_ =	sdelay $0x1  }
0x11f: {  	[tilespmem:s15+$0x20] =	vst @!p0 v1  }
0x120: {  	v1 =	vld @!p0 [tilespmem:s14+$0xB0];
	_ =	sdelay $0x1  }
0x121: {  	v2 =	vld @!p0 [tilespmem:s15+$0x30];
	_ =	sdelay $0x2  }
0x122: {  	v1 =	vmul.f32 @!p0 $2.499999940e-03, v1;
	_ =	sdelay $0x1  }
0x123: {  	s26 =	spop (v2sf);
	v1 =	vadd.f32 @!p0 v1, v2  }
0x124: {  	s16 =	ssub.s32 s26, s6  }
0x125: {  	[tilespmem:s15+$0x30] =	vst @!p0 v1;
	p0 =	sgt.u32 s16, $0x3FF  }
0x126: {  	s15 =	sshll.u32 @!p0 s16, $0x6;
	v1 =	vld @!p0 [tilespmem:s14+$0xC0]  }
0x127: {  	s15 =	sand.u32 @!p0 $0xFFC0, s15  }
0x128: {  	v2 =	vld @!p0 [tilespmem:s15+$0x0];
	_ =	sdelay $0x2  }
0x129: {  	v1 =	vmul.f32 @!p0 $2.499999940e-03, v1;
	_ =	sdelay $0x1  }
0x12a: {  	v1 =	vadd.f32 @!p0 v1, v2;
	_ =	sdelay $0x1  }
0x12b: {  	[tilespmem:s15+$0x0] =	vst @!p0 v1  }
0x12c: {  	v1 =	vld @!p0 [tilespmem:s14+$0xD0];
	_ =	sdelay $0x1  }
0x12d: {  	v2 =	vld @!p0 [tilespmem:s15+$0x10];
	_ =	sdelay $0x2  }
0x12e: {  	v1 =	vmul.f32 @!p0 $2.499999940e-03, v1;
	_ =	sdelay $0x1  }
0x12f: {  	v1 =	vadd.f32 @!p0 v1, v2;
	_ =	sdelay $0x1  }
0x130: {  	[tilespmem:s15+$0x10] =	vst @!p0 v1  }
0x131: {  	v1 =	vld @!p0 [tilespmem:s14+$0xE0];
	_ =	sdelay $0x1  }
0x132: {  	(v2sf) =	vpush v0, $0xC;
	v2 =	vld @!p0 [tilespmem:s15+$0x20];
	_ =	sdelay $0x2  }
0x133: {  	v1 =	vmul.f32 @!p0 $2.499999940e-03, v1;
	_ =	sdelay $0x1  }
0x134: {  	v1 =	vadd.f32 @!p0 v1, v2;
	_ =	sdelay $0x1  }
0x135: {  	[tilespmem:s15+$0x20] =	vst @!p0 v1  }
0x136: {  	v1 =	vld @!p0 [tilespmem:s14+$0xF0];
	_ =	sdelay $0x1  }
0x137: {  	v2 =	vld @!p0 [tilespmem:s15+$0x30];
	_ =	sdelay $0x2  }
0x138: {  	v1 =	vmul.f32 @!p0 $2.499999940e-03, v1;
	_ =	sdelay $0x1  }
0x139: {  	s28 =	spop (v2sf);
	v1 =	vadd.f32 @!p0 v1, v2  }
0x13a: {  	s16 =	ssub.s32 s28, s6  }
0x13b: {  	[tilespmem:s15+$0x30] =	vst @!p0 v1;
	p0 =	sgt.u32 s16, $0x3FF  }
0x13c: {  	s15 =	sshll.u32 @!p0 s16, $0x6;
	v1 =	vld @!p0 [tilespmem:s14+$0x100]  }
0x13d: {  	s15 =	sand.u32 @!p0 $0xFFC0, s15  }
0x13e: {  	v2 =	vld @!p0 [tilespmem:s15+$0x0];
	_ =	sdelay $0x2  }
0x13f: {  	v1 =	vmul.f32 @!p0 $2.499999940e-03, v1;
	_ =	sdelay $0x1  }
0x140: {  	v1 =	vadd.f32 @!p0 v1, v2;
	_ =	sdelay $0x1  }
0x141: {  	[tilespmem:s15+$0x0] =	vst @!p0 v1  }
0x142: {  	v1 =	vld @!p0 [tilespmem:s14+$0x110];
	_ =	sdelay $0x1  }
0x143: {  	v2 =	vld @!p0 [tilespmem:s15+$0x10];
	_ =	sdelay $0x2  }
0x144: {  	v1 =	vmul.f32 @!p0 $2.499999940e-03, v1;
	_ =	sdelay $0x1  }
0x145: {  	v1 =	vadd.f32 @!p0 v1, v2;
	_ =	sdelay $0x1  }
0x146: {  	[tilespmem:s15+$0x10] =	vst @!p0 v1  }
0x147: {  	v1 =	vld @!p0 [tilespmem:s14+$0x120];
	_ =	sdelay $0x1  }
0x148: {  	(v2sf) =	vpush v0, $0xD;
	v2 =	vld @!p0 [tilespmem:s15+$0x20];
	_ =	sdelay $0x2  }
0x149: {  	v1 =	vmul.f32 @!p0 $2.499999940e-03, v1;
	_ =	sdelay $0x1  }
0x14a: {  	v1 =	vadd.f32 @!p0 v1, v2;
	_ =	sdelay $0x1  }
0x14b: {  	[tilespmem:s15+$0x20] =	vst @!p0 v1  }
0x14c: {  	v1 =	vld @!p0 [tilespmem:s14+$0x130];
	_ =	sdelay $0x1  }
0x14d: {  	v2 =	vld @!p0 [tilespmem:s15+$0x30];
	_ =	sdelay $0x2  }
0x14e: {  	v1 =	vmul.f32 @!p0 $2.499999940e-03, v1;
	_ =	sdelay $0x1  }
0x14f: {  	s29 =	spop (v2sf);
	v1 =	vadd.f32 @!p0 v1, v2  }
0x150: {  	s16 =	ssub.s32 s29, s6  }
0x151: {  	[tilespmem:s15+$0x30] =	vst @!p0 v1;
	p0 =	sgt.u32 s16, $0x3FF  }
0x152: {  	s15 =	sshll.u32 @!p0 s16, $0x6;
	v1 =	vld @!p0 [tilespmem:s14+$0x140]  }
0x153: {  	s15 =	sand.u32 @!p0 $0xFFC0, s15  }
0x154: {  	v2 =	vld @!p0 [tilespmem:s15+$0x0];
	_ =	sdelay $0x2  }
0x155: {  	v1 =	vmul.f32 @!p0 $2.499999940e-03, v1;
	_ =	sdelay $0x1  }
0x156: {  	v1 =	vadd.f32 @!p0 v1, v2;
	_ =	sdelay $0x1  }
0x157: {  	[tilespmem:s15+$0x0] =	vst @!p0 v1  }
0x158: {  	v1 =	vld @!p0 [tilespmem:s14+$0x150];
	_ =	sdelay $0x1  }
0x159: {  	v2 =	vld @!p0 [tilespmem:s15+$0x10];
	_ =	sdelay $0x2  }
0x15a: {  	v1 =	vmul.f32 @!p0 $2.499999940e-03, v1;
	_ =	sdelay $0x1  }
0x15b: {  	v1 =	vadd.f32 @!p0 v1, v2;
	_ =	sdelay $0x1  }
0x15c: {  	[tilespmem:s15+$0x10] =	vst @!p0 v1  }
0x15d: {  	v1 =	vld @!p0 [tilespmem:s14+$0x160];
	_ =	sdelay $0x1  }
0x15e: {  	(v2sf) =	vpush v0, $0xE;
	v2 =	vld @!p0 [tilespmem:s15+$0x20];
	_ =	sdelay $0x2  }
0x15f: {  	v1 =	vmul.f32 @!p0 $2.499999940e-03, v1;
	_ =	sdelay $0x1  }
0x160: {  	v1 =	vadd.f32 @!p0 v1, v2;
	_ =	sdelay $0x1  }
0x161: {  	[tilespmem:s15+$0x20] =	vst @!p0 v1  }
0x162: {  	v1 =	vld @!p0 [tilespmem:s14+$0x170];
	_ =	sdelay $0x1  }
0x163: {  	v2 =	vld @!p0 [tilespmem:s15+$0x30];
	_ =	sdelay $0x2  }
0x164: {  	v1 =	vmul.f32 @!p0 $2.499999940e-03, v1;
	_ =	sdelay $0x1  }
0x165: {  	s30 =	spop (v2sf);
	v1 =	vadd.f32 @!p0 v1, v2  }
0x166: {  	s16 =	ssub.s32 s30, s6  }
0x167: {  	[tilespmem:s15+$0x30] =	vst @!p0 v1;
	p0 =	sgt.u32 s16, $0x3FF  }
0x168: {  	s15 =	sshll.u32 @!p0 s16, $0x6;
	v1 =	vld @!p0 [tilespmem:s14+$0x180]  }
0x169: {  	s15 =	sand.u32 @!p0 $0xFFC0, s15  }
0x16a: {  	v2 =	vld @!p0 [tilespmem:s15+$0x0];
	_ =	sdelay $0x2  }
0x16b: {  	v1 =	vmul.f32 @!p0 $2.499999940e-03, v1;
	_ =	sdelay $0x1  }
0x16c: {  	v1 =	vadd.f32 @!p0 v1, v2;
	_ =	sdelay $0x1  }
0x16d: {  	[tilespmem:s15+$0x0] =	vst @!p0 v1  }
0x16e: {  	v1 =	vld @!p0 [tilespmem:s14+$0x190];
	_ =	sdelay $0x1  }
0x16f: {  	v2 =	vld @!p0 [tilespmem:s15+$0x10];
	_ =	sdelay $0x2  }
0x170: {  	v1 =	vmul.f32 @!p0 $2.499999940e-03, v1;
	_ =	sdelay $0x1  }
0x171: {  	v1 =	vadd.f32 @!p0 v1, v2;
	_ =	sdelay $0x1  }
0x172: {  	[tilespmem:s15+$0x10] =	vst @!p0 v1  }
0x173: {  	v1 =	vld @!p0 [tilespmem:s14+$0x1A0];
	_ =	sdelay $0x1  }
0x174: {  	(v2sf) =	vpush v0, $0xF;
	v2 =	vld @!p0 [tilespmem:s15+$0x20];
	_ =	sdelay $0x2  }
0x175: {  	v0 =	vmul.f32 @!p0 $2.499999940e-03, v1;
	_ =	sdelay $0x1  }
0x176: {  	v0 =	vadd.f32 @!p0 v0, v2;
	_ =	sdelay $0x1  }
0x177: {  	[tilespmem:s15+$0x20] =	vst @!p0 v0  }
0x178: {  	v0 =	vld @!p0 [tilespmem:s14+$0x1B0];
	_ =	sdelay $0x1  }
0x179: {  	v1 =	vld @!p0 [tilespmem:s15+$0x30];
	_ =	sdelay $0x2  }
0x17a: {  	v0 =	vmul.f32 @!p0 $2.499999940e-03, v0;
	_ =	sdelay $0x1  }
0x17b: {  	s31 =	spop (v2sf);
	v0 =	vadd.f32 @!p0 v0, v1  }
0x17c: {  	s16 =	ssub.s32 s31, s6  }
0x17d: {  	[tilespmem:s15+$0x30] =	vst @!p0 v0;
	p0 =	sgt.u32 s16, $0x3FF  }
0x17e: {  	s15 =	sshll.u32 @!p0 s16, $0x6;
	v0 =	vld @!p0 [tilespmem:s14+$0x1C0]  }
0x17f: {  	s15 =	sand.u32 @!p0 $0xFFC0, s15  }
0x180: {  	v1 =	vld @!p0 [tilespmem:s15+$0x0];
	_ =	sdelay $0x2  }
0x181: {  	v0 =	vmul.f32 @!p0 $2.499999940e-03, v0;
	_ =	sdelay $0x1  }
0x182: {  	v0 =	vadd.f32 @!p0 v0, v1;
	_ =	sdelay $0x1  }
0x183: {  	[tilespmem:s15+$0x0] =	vst @!p0 v0  }
0x184: {  	v0 =	vld @!p0 [tilespmem:s14+$0x1D0];
	_ =	sdelay $0x1  }
0x185: {  	v1 =	vld @!p0 [tilespmem:s15+$0x10];
	_ =	sdelay $0x2  }
0x186: {  	v0 =	vmul.f32 @!p0 $2.499999940e-03, v0;
	_ =	sdelay $0x1  }
0x187: {  	v0 =	vadd.f32 @!p0 v0, v1;
	_ =	sdelay $0x1  }
0x188: {  	[tilespmem:s15+$0x10] =	vst @!p0 v0  }
0x189: {  	v0 =	vld @!p0 [tilespmem:s14+$0x1E0];
	_ =	sdelay $0x1  }
0x18a: {  	v1 =	vld @!p0 [tilespmem:s15+$0x20];
	_ =	sdelay $0x2  }
0x18b: {  	v0 =	vmul.f32 @!p0 $2.499999940e-03, v0;
	_ =	sdelay $0x1  }
0x18c: {  	v0 =	vadd.f32 @!p0 v0, v1;
	_ =	sdelay $0x1  }
0x18d: {  	[tilespmem:s15+$0x20] =	vst @!p0 v0  }
0x18e: {  	v0 =	vld @!p0 [tilespmem:s14+$0x1F0];
	_ =	sdelay $0x1  }
0x18f: {  	v1 =	vld @!p0 [tilespmem:s15+$0x30]  }
0x190: {  	s13 =	sadd.s32 $0x40, s13  }
0x191: {  	p1 =	sne.s32 s13, $0x800  }
.Ltmp1:
0x192: {  	v0 =	vmul.f32 @!p0 $2.499999940e-03, v0;
	(pc) =	sbr.rel @p1 .LBB2_4-.Ltmp1, $3  }
0x193: {  	_ = 	snop  }
0x194: {  	v0 =	vadd.f32 @!p0 v0, v1;
	_ =	sdelay $0x1  }
0x195: {  	s14 =	sadd.s32 $0x400, s14;
	[tilespmem:s15+$0x30] =	vst @!p0 v0  }
0x196: {  	s12 =	sadd.s32 $0x1, s12  }
0x197: {  	p0 =	sne.s32 s12, s8  }
.Ltmp2:
0x198: {  	_ = 	snop;
	(pc) =	sbr.rel @p0 .LBB2_1-.Ltmp2, $4  }
0x199: {  	[hbm4b:s7+s3] =	stream.linear.scatter [tilespmem:s3], [sflag:$0x1], $0x10000, $0x38;
	[tilespmem:$0x18200] =	vst v63  }
0x19a: {  	_ =	swait.ge [sflag:s10], $0x10000  }
0x19b: {  	[sflag:s10] =	ssyncset.done $0x0  }
0x19c: {  	[sflag:s10] =	ssyncadd.s32 $0xFFFF0000  }
0x19d: {  	_ =	sfence.sel $0x180000  }
0x19e: {  	[bflag:$0x0] =	sbarrier.arrive $0xFFFF  }
0x19f: {  	p0 =	sne.s32 s1, $0x0;
	_ =	strace $0x90000047  }
0x1a0: {  	s0 =	sadd.s32 @!p0 $0x100000, s0;
	[bflag:$0x2] =	sbarrier.arrive $0xFFFF  }
0x1a1: {  	[sflag:s0] =	ssyncadd.tile.s32 @!p0 $0x1;
	_ =	shalt  }
.Lfunc_end2:
_tile_overlayer_lowered:
.L_overlay_start_2:
0x1a2: {  	(tag) =	ssettag $0x2  }
0x1a3: {  	s0 =	rddreg [dreg:$0x0];
	s2 =	stileid.u32  }
0x1a4: {  	s1 =	rddreg [dreg:$0x1];
	p0 =	sne.s32 s2, $0x0  }
0x1a5: {  	s3 =	rddreg [dreg:$0x2];
	[bflag:$0x3] =	sbarrier.arrive $0xFFFF;
	s2 =	simm.s32 @!p0 $0x1C01  }
0x1a6: {  	[timem:s3], [sflag:s2] =	dma.local @!p0 [hbm:s0], s1  }
0x1a7: {  	s0 =	simm.s32 @!p0 $0x1  }
0x1a8: {  	_ =	swait.ge @!p0 [sflag:s0], s1  }
0x1a9: {  	s1 =	ssub.s32 @!p0 $0x0, s1;
	[sflag:s0] =	ssyncset.done @!p0 $0x0  }
0x1aa: {  	[sflag:s0] =	ssyncadd.s32 @!p0 s1  }
0x1ab: {  	[bflag:$0x3] =	sbarrier.arrive $0xFFFF  }
0x1ac: {  	_ =	shalt  }

</sc_bundles>
